<compile_context>
chip_gen: v7x
topology: tpu7x:2x2x1
jax: 0.10.2.dev20260603
libtpu: 0.0.44.dev20260713+nightly
codegen_flags: <defaults>
</compile_context>

<pallas_src>
import functools

import jax
import jax.numpy as jnp
from jax import lax
from jax.experimental import pallas as pl
from jax.experimental.pallas import tpu as pltpu
from jax.experimental.pallas import tpu_sc as plsc


def _make_sc_kernel(V, D, B, H):
    info = plsc.get_sparse_core_info()
    NC, NS, L = info.num_cores, info.num_subcores, info.num_lanes
    NW = NC * NS
    N = B * H
    BL = B // NW
    assert D % L == 0 and B % NW == 0 and BL % L == 0 and H % 2 == 0
    n_grp = BL // L
    d_tiles = D // 8
    out_rows = N * D // 128

    mesh = plsc.VectorSubcoreMesh(core_axis_name="c", subcore_axis_name="s")

    @functools.partial(
        pl.kernel,
        mesh=mesh,
        out_type=jax.ShapeDtypeStruct((out_rows, 128), jnp.float32),
        scratch_types=[
            pltpu.VMEM((BL * H,), jnp.int32),
            pltpu.VMEM((BL, D), jnp.float32),
            pltpu.VMEM((BL, D), jnp.float32),
            pltpu.VMEM((D, BL), jnp.float32),
            pltpu.VMEM((D, BL), jnp.float32),
            pltpu.SemaphoreType.DMA,
            pltpu.SemaphoreType.DMA,
            pltpu.SemaphoreType.DMA,
            pltpu.SemaphoreType.DMA,
            pltpu.SemaphoreType.DMA,
        ],
        compiler_params=pltpu.CompilerParams(
            needs_layout_passes=False, use_tc_tiling_on_sc=False
        ),
    )
    def sc_kernel(emb_hbm, idx_hbm, out_hbm, idx_v,
                  gbuf_a, gbuf_b, tbuf_a, tbuf_b,
                  isem, gsem_a, gsem_b, osem_a, osem_b):
        wid = lax.axis_index("s") * NC + lax.axis_index("c")
        lane = lax.iota(jnp.int32, L)
        zero16 = jnp.zeros((L,), jnp.int32)
        mask_d = D - 1
        for h in range(H):
            pltpu.async_copy(
                idx_hbm.at[pl.ds(h * B + wid * BL, BL)],
                idx_v.at[pl.ds(h * BL, BL)],
                isem,
            )
        pltpu.make_async_copy(
            idx_hbm.at[pl.ds(0, BL * H)], idx_v, isem
        ).wait()

        def fire_gather(h, gbuf, gsem):
            return pltpu.async_copy(
                emb_hbm.at[idx_v.at[pl.ds(h * BL, BL)]], gbuf, gsem
            )

        def drain_gather(gbuf, gsem):
            pltpu.make_async_copy(
                emb_hbm.at[idx_v.at[pl.ds(0, BL)]], gbuf, gsem
            ).wait()

        def fixup_transpose(gbuf, tbuf):
            @plsc.parallel_loop(0, n_grp)
            def grp_body(gg):
                b_ids = gg * L + lane

                def s_body(so, accs):
                    new = list(accs)
                    for si in range(16):
                        diag = (lane + (so * 16 + si)) & mask_d
                        v = plsc.load_gather(gbuf, [b_ids, diag])
                        new[si % 8] = new[si % 8] + v * v
                        plsc.store_scatter(tbuf, [diag, b_ids], v)
                    return tuple(new)

                accs = list(lax.fori_loop(
                    0, D // 16, s_body,
                    tuple(jnp.zeros((L,), jnp.float32) for _ in range(8)),
                ))
                v0 = plsc.load_gather(gbuf, [b_ids, zero16])
                while len(accs) > 1:
                    accs = [a + b for a, b in zip(accs[0::2], accs[1::2])]
                x = jnp.maximum(accs[0] - v0 * v0 + 1.0, 1.0 + 1e-12)
                i = lax.bitcast_convert_type(x, jnp.int32)
                i = 0x5F3759DF - lax.shift_right_arithmetic(i, 1)
                y = lax.bitcast_convert_type(i, jnp.float32)
                y = y * (1.5 - 0.5 * x * y * y)
                y = y * (1.5 - 0.5 * x * y * y)
                y = y * (1.5 - 0.5 * x * y * y)
                plsc.store_scatter(tbuf, [zero16, b_ids], x * y)

        def fire_writeout(h, tbuf, osem):
            return [
                pltpu.async_copy(
                    tbuf.at[pl.ds(tr * 8, 8)],
                    out_hbm.at[pl.ds(((h * d_tiles + tr) * NW + wid) * 8, 8)],
                    osem,
                )
                for tr in range(d_tiles)
            ]

        def drain_writeout(tbuf, osem):
            pltpu.make_async_copy(tbuf, out_hbm.at[pl.ds(0, D)], osem).wait()

        fire_gather(0, gbuf_a, gsem_a)
        fire_writeout(0, tbuf_a, osem_a)
        fire_writeout(1, tbuf_b, osem_b)

        def round_body(q, carry):
            h0 = 2 * q
            h1 = h0 + 1
            fire_gather(h1, gbuf_b, gsem_b)
            drain_gather(gbuf_a, gsem_a)
            drain_writeout(tbuf_a, osem_a)
            fixup_transpose(gbuf_a, tbuf_a)
            fire_writeout(h0, tbuf_a, osem_a)
            h2 = jnp.minimum(h0 + 2, H - 2)
            fire_gather(h2, gbuf_a, gsem_a)
            drain_gather(gbuf_b, gsem_b)
            drain_writeout(tbuf_b, osem_b)
            fixup_transpose(gbuf_b, tbuf_b)
            fire_writeout(h1, tbuf_b, osem_b)
            return carry

        lax.fori_loop(0, H // 2, round_body, 0)
        drain_gather(gbuf_a, gsem_a)
        drain_writeout(tbuf_a, osem_a)
        drain_writeout(tbuf_b, osem_b)

    return sc_kernel


def kernel(embeddings, indices):
    V, D = embeddings.shape
    B, H = indices.shape
    idx_cm = indices.T.reshape(-1).astype(jnp.int32)
    sc = _make_sc_kernel(V, D, B, H)
    out2 = sc(embeddings, idx_cm)
    nw = 32
    out5 = out2.reshape(H, D // 8, nw, 8, B // nw)
    return out5.transpose(2, 4, 0, 1, 3).reshape(B, H, D)

# --- scband reference (transcript-rebuilt; emitter-appended) ---
"""Pipeline reference for scband-account-encoder-80152679678625 (READ-ONLY COPY).

The authoritative reference and input builder live on the scoring server;
editing this copy changes nothing except your own understanding.
"""

import jax, jax.numpy as jnp
import numpy as np

EPS = 1e-12
VOCAB = 100000
DIM = 64
BATCH = 4096
HIST = 50


def normalize_lorentz(points):
    # x0 = sqrt(1 + ||spatial||^2), matching the torch normalize_lorentz applied in __init__
    spatial = points[..., 1:]
    x0 = jnp.sqrt(jnp.clip(1.0 + jnp.sum(spatial * spatial, axis=-1, keepdims=True), 1.0 + EPS))
    return jnp.concatenate([x0, spatial], axis=-1)


def setup_inputs(seed: int = 0) -> dict:
    key = jax.random.key(seed)
    k1, k2 = jax.random.split(key)
    # raw account embeddings passed to AccountEncoder.__init__ (normalized inside the module)
    embeddings = jax.random.normal(k1, (VOCAB, DIM), dtype=jnp.float32) * 0.1
    # forward arg: integer account indices to look up
    indices = jax.random.randint(k2, (BATCH, HIST), 0, VOCAB)
    return {"embeddings": embeddings, "indices": indices}


def reference(embeddings, indices):
    # __init__: weight = normalize_lorentz(embeddings) (Lorentz hyperboloid projection)
    weight = normalize_lorentz(embeddings)
    # forward: embedding lookup of account rows (default_representation='lorentz' -> return hyperboloid points)
    out = jnp.take(weight, indices, axis=0)
    return out

if __name__ == "__main__":
    import jax
    _d = setup_inputs()
    print(jax.jit(kernel)(*tuple(_d.values())))

</pallas_src>

<mosaic_0001>
#map = affine_map<(d0, d1) -> (0, 0)>
#map1 = affine_map<(d0, d1) -> (0)>
module attributes {stable_mosaic.version = 14 : i64} {
  func.func @sc_kernel(%arg0: i32, %arg1: i32, %arg2: memref<100000x64xf32, #tpu.memory_space<hbm>>, %arg3: memref<204800xi32, #tpu.memory_space<hbm>>, %arg4: memref<102400x128xf32, #tpu.memory_space<hbm>>, %arg5: memref<6400xi32, #tpu.memory_space<vmem>>, %arg6: memref<128x64xf32, #tpu.memory_space<vmem>>, %arg7: memref<128x64xf32, #tpu.memory_space<vmem>>, %arg8: memref<64x128xf32, #tpu.memory_space<vmem>>, %arg9: memref<64x128xf32, #tpu.memory_space<vmem>>, %arg10: memref<!tpu.dma_semaphore, #tpu.memory_space<semaphore_mem>>, %arg11: memref<!tpu.dma_semaphore, #tpu.memory_space<semaphore_mem>>, %arg12: memref<!tpu.dma_semaphore, #tpu.memory_space<semaphore_mem>>, %arg13: memref<!tpu.dma_semaphore, #tpu.memory_space<semaphore_mem>>, %arg14: memref<!tpu.dma_semaphore, #tpu.memory_space<semaphore_mem>>) attributes {dimension_semantics = [#tpu.dimension_semantics<core_parallel>, #tpu.dimension_semantics<subcore_parallel>], iteration_bounds = array<i64: 2, 16>, scalar_prefetch = 0 : i64, scratch_operands = 10 : i64, tpu.core_type = #tpu.core_type<sc_vector_subcore>, window_params = [{transform_indices = #map}, {transform_indices = #map1}, {transform_indices = #map}]} {
    %mul3A = arith.constant 2 : i32
    %mul3A_0 = arith.muli %arg1, %mul3A : i32
    %add3A = arith.addi %mul3A_0, %arg0 : i32
    %iota3A = tpu.iota {dimensions = array<i32: 0>} : vector<16xi32>
    %broadcast_in_dim3A = arith.constant 0 : i32
    %broadcast_in_dim3A_1 = vector.broadcast %broadcast_in_dim3A : i32 to vector<16xi32>
    %mul3A_2 = arith.constant 128 : i32
    %mul3A_3 = arith.muli %add3A, %mul3A_2 : i32
    %add3A_4 = arith.constant 0 : i32
    %add3A_5 = arith.addi %add3A_4, %mul3A_3 : i32
    %dma_start3A = arith.constant 0 : i32
    %dma_start3A_6 = tpu.memref_slice %arg5[%dma_start3A] : memref<6400xi32, #tpu.memory_space<vmem>> -> memref<128xi32, #tpu.memory_space<vmem>>
    %dma_start3A_7 = tpu.memref_slice %arg3[%add3A_5] : memref<204800xi32, #tpu.memory_space<hbm>> -> memref<128xi32, #tpu.memory_space<hbm>>
    %dma_start3A_8 = arith.constant 0 : i32
    %dma_start3A_9 = tpu.memref_slice %arg5[%dma_start3A_8] : memref<6400xi32, #tpu.memory_space<vmem>> -> memref<128xi32, #tpu.memory_space<vmem>>
    %dma_start3A_10 = tpu.memref_slice %arg3[%add3A_5] : memref<204800xi32, #tpu.memory_space<hbm>> -> memref<128xi32, #tpu.memory_space<hbm>>
    tpu.enqueue_dma source(%dma_start3A_10 : memref<128xi32, #tpu.memory_space<hbm>>) target(%dma_start3A_9 : memref<128xi32, #tpu.memory_space<vmem>>) target_semaphore(%arg10 : memref<!tpu.dma_semaphore, #tpu.memory_space<semaphore_mem>>)
    %mul3A_11 = arith.constant 128 : i32
    %mul3A_12 = arith.muli %add3A, %mul3A_11 : i32
    %add3A_13 = arith.constant 4096 : i32
    %add3A_14 = arith.addi %add3A_13, %mul3A_12 : i32
    %dma_start3A_15 = arith.constant 128 : i32
    %dma_start3A_16 = tpu.memref_slice %arg5[%dma_start3A_15] : memref<6400xi32, #tpu.memory_space<vmem>> -> memref<128xi32, #tpu.memory_space<vmem>>
    %dma_start3A_17 = tpu.memref_slice %arg3[%add3A_14] : memref<204800xi32, #tpu.memory_space<hbm>> -> memref<128xi32, #tpu.memory_space<hbm>>
    %dma_start3A_18 = arith.constant 128 : i32
    %dma_start3A_19 = tpu.memref_slice %arg5[%dma_start3A_18] : memref<6400xi32, #tpu.memory_space<vmem>> -> memref<128xi32, #tpu.memory_space<vmem>>
    %dma_start3A_20 = tpu.memref_slice %arg3[%add3A_14] : memref<204800xi32, #tpu.memory_space<hbm>> -> memref<128xi32, #tpu.memory_space<hbm>>
    tpu.enqueue_dma source(%dma_start3A_20 : memref<128xi32, #tpu.memory_space<hbm>>) target(%dma_start3A_19 : memref<128xi32, #tpu.memory_space<vmem>>) target_semaphore(%arg10 : memref<!tpu.dma_semaphore, #tpu.memory_space<semaphore_mem>>)
    %mul3A_21 = arith.constant 128 : i32
    %mul3A_22 = arith.muli %add3A, %mul3A_21 : i32
    %add3A_23 = arith.constant 8192 : i32
    %add3A_24 = arith.addi %add3A_23, %mul3A_22 : i32
    %dma_start3A_25 = arith.constant 256 : i32
    %dma_start3A_26 = tpu.memref_slice %arg5[%dma_start3A_25] : memref<6400xi32, #tpu.memory_space<vmem>> -> memref<128xi32, #tpu.memory_space<vmem>>
    %dma_start3A_27 = tpu.memref_slice %arg3[%add3A_24] : memref<204800xi32, #tpu.memory_space<hbm>> -> memref<128xi32, #tpu.memory_space<hbm>>
    %dma_start3A_28 = arith.constant 256 : i32
    %dma_start3A_29 = tpu.memref_slice %arg5[%dma_start3A_28] : memref<6400xi32, #tpu.memory_space<vmem>> -> memref<128xi32, #tpu.memory_space<vmem>>
    %dma_start3A_30 = tpu.memref_slice %arg3[%add3A_24] : memref<204800xi32, #tpu.memory_space<hbm>> -> memref<128xi32, #tpu.memory_space<hbm>>
    tpu.enqueue_dma source(%dma_start3A_30 : memref<128xi32, #tpu.memory_space<hbm>>) target(%dma_start3A_29 : memref<128xi32, #tpu.memory_space<vmem>>) target_semaphore(%arg10 : memref<!tpu.dma_semaphore, #tpu.memory_space<semaphore_mem>>)
    %mul3A_31 = arith.constant 128 : i32
    %mul3A_32 = arith.muli %add3A, %mul3A_31 : i32
    %add3A_33 = arith.constant 12288 : i32
    %add3A_34 = arith.addi %add3A_33, %mul3A_32 : i32
    %dma_start3A_35 = arith.constant 384 : i32
    %dma_start3A_36 = tpu.memref_slice %arg5[%dma_start3A_35] : memref<6400xi32, #tpu.memory_space<vmem>> -> memref<128xi32, #tpu.memory_space<vmem>>
    %dma_start3A_37 = tpu.memref_slice %arg3[%add3A_34] : memref<204800xi32, #tpu.memory_space<hbm>> -> memref<128xi32, #tpu.memory_space<hbm>>
    %dma_start3A_38 = arith.constant 384 : i32
    %dma_start3A_39 = tpu.memref_slice %arg5[%dma_start3A_38] : memref<6400xi32, #tpu.memory_space<vmem>> -> memref<128xi32, #tpu.memory_space<vmem>>
    %dma_start3A_40 = tpu.memref_slice %arg3[%add3A_34] : memref<204800xi32, #tpu.memory_space<hbm>> -> memref<128xi32, #tpu.memory_space<hbm>>
    tpu.enqueue_dma source(%dma_start3A_40 : memref<128xi32, #tpu.memory_space<hbm>>) target(%dma_start3A_39 : memref<128xi32, #tpu.memory_space<vmem>>) target_semaphore(%arg10 : memref<!tpu.dma_semaphore, #tpu.memory_space<semaphore_mem>>)
    %mul3A_41 = arith.constant 128 : i32
    %mul3A_42 = arith.muli %add3A, %mul3A_41 : i32
    %add3A_43 = arith.constant 16384 : i32
    %add3A_44 = arith.addi %add3A_43, %mul3A_42 : i32
    %dma_start3A_45 = arith.constant 512 : i32
    %dma_start3A_46 = tpu.memref_slice %arg5[%dma_start3A_45] : memref<6400xi32, #tpu.memory_space<vmem>> -> memref<128xi32, #tpu.memory_space<vmem>>
    %dma_start3A_47 = tpu.memref_slice %arg3[%add3A_44] : memref<204800xi32, #tpu.memory_space<hbm>> -> memref<128xi32, #tpu.memory_space<hbm>>
    %dma_start3A_48 = arith.constant 512 : i32
    %dma_start3A_49 = tpu.memref_slice %arg5[%dma_start3A_48] : memref<6400xi32, #tpu.memory_space<vmem>> -> memref<128xi32, #tpu.memory_space<vmem>>
    %dma_start3A_50 = tpu.memref_slice %arg3[%add3A_44] : memref<204800xi32, #tpu.memory_space<hbm>> -> memref<128xi32, #tpu.memory_space<hbm>>
    tpu.enqueue_dma source(%dma_start3A_50 : memref<128xi32, #tpu.memory_space<hbm>>) target(%dma_start3A_49 : memref<128xi32, #tpu.memory_space<vmem>>) target_semaphore(%arg10 : memref<!tpu.dma_semaphore, #tpu.memory_space<semaphore_mem>>)
    %mul3A_51 = arith.constant 128 : i32
    %mul3A_52 = arith.muli %add3A, %mul3A_51 : i32
    %add3A_53 = arith.constant 20480 : i32
    %add3A_54 = arith.addi %add3A_53, %mul3A_52 : i32
    %dma_start3A_55 = arith.constant 640 : i32
    %dma_start3A_56 = tpu.memref_slice %arg5[%dma_start3A_55] : memref<6400xi32, #tpu.memory_space<vmem>> -> memref<128xi32, #tpu.memory_space<vmem>>
    %dma_start3A_57 = tpu.memref_slice %arg3[%add3A_54] : memref<204800xi32, #tpu.memory_space<hbm>> -> memref<128xi32, #tpu.memory_space<hbm>>
    %dma_start3A_58 = arith.constant 640 : i32
    %dma_start3A_59 = tpu.memref_slice %arg5[%dma_start3A_58] : memref<6400xi32, #tpu.memory_space<vmem>> -> memref<128xi32, #tpu.memory_space<vmem>>
    %dma_start3A_60 = tpu.memref_slice %arg3[%add3A_54] : memref<204800xi32, #tpu.memory_space<hbm>> -> memref<128xi32, #tpu.memory_space<hbm>>
    tpu.enqueue_dma source(%dma_start3A_60 : memref<128xi32, #tpu.memory_space<hbm>>) target(%dma_start3A_59 : memref<128xi32, #tpu.memory_space<vmem>>) target_semaphore(%arg10 : memref<!tpu.dma_semaphore, #tpu.memory_space<semaphore_mem>>)
    %mul3A_61 = arith.constant 128 : i32
    %mul3A_62 = arith.muli %add3A, %mul3A_61 : i32
    %add3A_63 = arith.constant 24576 : i32
    %add3A_64 = arith.addi %add3A_63, %mul3A_62 : i32
    %dma_start3A_65 = arith.constant 768 : i32
    %dma_start3A_66 = tpu.memref_slice %arg5[%dma_start3A_65] : memref<6400xi32, #tpu.memory_space<vmem>> -> memref<128xi32, #tpu.memory_space<vmem>>
    %dma_start3A_67 = tpu.memref_slice %arg3[%add3A_64] : memref<204800xi32, #tpu.memory_space<hbm>> -> memref<128xi32, #tpu.memory_space<hbm>>
    %dma_start3A_68 = arith.constant 768 : i32
    %dma_start3A_69 = tpu.memref_slice %arg5[%dma_start3A_68] : memref<6400xi32, #tpu.memory_space<vmem>> -> memref<128xi32, #tpu.memory_space<vmem>>
    %dma_start3A_70 = tpu.memref_slice %arg3[%add3A_64] : memref<204800xi32, #tpu.memory_space<hbm>> -> memref<128xi32, #tpu.memory_space<hbm>>
    tpu.enqueue_dma source(%dma_start3A_70 : memref<128xi32, #tpu.memory_space<hbm>>) target(%dma_start3A_69 : memref<128xi32, #tpu.memory_space<vmem>>) target_semaphore(%arg10 : memref<!tpu.dma_semaphore, #tpu.memory_space<semaphore_mem>>)
    %mul3A_71 = arith.constant 128 : i32
    %mul3A_72 = arith.muli %add3A, %mul3A_71 : i32
    %add3A_73 = arith.constant 28672 : i32
    %add3A_74 = arith.addi %add3A_73, %mul3A_72 : i32
    %dma_start3A_75 = arith.constant 896 : i32
    %dma_start3A_76 = tpu.memref_slice %arg5[%dma_start3A_75] : memref<6400xi32, #tpu.memory_space<vmem>> -> memref<128xi32, #tpu.memory_space<vmem>>
    %dma_start3A_77 = tpu.memref_slice %arg3[%add3A_74] : memref<204800xi32, #tpu.memory_space<hbm>> -> memref<128xi32, #tpu.memory_space<hbm>>
    %dma_start3A_78 = arith.constant 896 : i32
    %dma_start3A_79 = tpu.memref_slice %arg5[%dma_start3A_78] : memref<6400xi32, #tpu.memory_space<vmem>> -> memref<128xi32, #tpu.memory_space<vmem>>
    %dma_start3A_80 = tpu.memref_slice %arg3[%add3A_74] : memref<204800xi32, #tpu.memory_space<hbm>> -> memref<128xi32, #tpu.memory_space<hbm>>
    tpu.enqueue_dma source(%dma_start3A_80 : memref<128xi32, #tpu.memory_space<hbm>>) target(%dma_start3A_79 : memref<128xi32, #tpu.memory_space<vmem>>) target_semaphore(%arg10 : memref<!tpu.dma_semaphore, #tpu.memory_space<semaphore_mem>>)
    %mul3A_81 = arith.constant 128 : i32
    %mul3A_82 = arith.muli %add3A, %mul3A_81 : i32
    %add3A_83 = arith.constant 32768 : i32
    %add3A_84 = arith.addi %add3A_83, %mul3A_82 : i32
    %dma_start3A_85 = arith.constant 1024 : i32
    %dma_start3A_86 = tpu.memref_slice %arg5[%dma_start3A_85] : memref<6400xi32, #tpu.memory_space<vmem>> -> memref<128xi32, #tpu.memory_space<vmem>>
    %dma_start3A_87 = tpu.memref_slice %arg3[%add3A_84] : memref<204800xi32, #tpu.memory_space<hbm>> -> memref<128xi32, #tpu.memory_space<hbm>>
    %dma_start3A_88 = arith.constant 1024 : i32
    %dma_start3A_89 = tpu.memref_slice %arg5[%dma_start3A_88] : memref<6400xi32, #tpu.memory_space<vmem>> -> memref<128xi32, #tpu.memory_space<vmem>>
    %dma_start3A_90 = tpu.memref_slice %arg3[%add3A_84] : memref<204800xi32, #tpu.memory_space<hbm>> -> memref<128xi32, #tpu.memory_space<hbm>>
    tpu.enqueue_dma source(%dma_start3A_90 : memref<128xi32, #tpu.memory_space<hbm>>) target(%dma_start3A_89 : memref<128xi32, #tpu.memory_space<vmem>>) target_semaphore(%arg10 : memref<!tpu.dma_semaphore, #tpu.memory_space<semaphore_mem>>)
    %mul3A_91 = arith.constant 128 : i32
    %mul3A_92 = arith.muli %add3A, %mul3A_91 : i32
    %add3A_93 = arith.constant 36864 : i32
    %add3A_94 = arith.addi %add3A_93, %mul3A_92 : i32
    %dma_start3A_95 = arith.constant 1152 : i32
    %dma_start3A_96 = tpu.memref_slice %arg5[%dma_start3A_95] : memref<6400xi32, #tpu.memory_space<vmem>> -> memref<128xi32, #tpu.memory_space<vmem>>
    %dma_start3A_97 = tpu.memref_slice %arg3[%add3A_94] : memref<204800xi32, #tpu.memory_space<hbm>> -> memref<128xi32, #tpu.memory_space<hbm>>
    %dma_start3A_98 = arith.constant 1152 : i32
    %dma_start3A_99 = tpu.memref_slice %arg5[%dma_start3A_98] : memref<6400xi32, #tpu.memory_space<vmem>> -> memref<128xi32, #tpu.memory_space<vmem>>
    %dma_start3A_100 = tpu.memref_slice %arg3[%add3A_94] : memref<204800xi32, #tpu.memory_space<hbm>> -> memref<128xi32, #tpu.memory_space<hbm>>
    tpu.enqueue_dma source(%dma_start3A_100 : memref<128xi32, #tpu.memory_space<hbm>>) target(%dma_start3A_99 : memref<128xi32, #tpu.memory_space<vmem>>) target_semaphore(%arg10 : memref<!tpu.dma_semaphore, #tpu.memory_space<semaphore_mem>>)
    %mul3A_101 = arith.constant 128 : i32
    %mul3A_102 = arith.muli %add3A, %mul3A_101 : i32
    %add3A_103 = arith.constant 40960 : i32
    %add3A_104 = arith.addi %add3A_103, %mul3A_102 : i32
    %dma_start3A_105 = arith.constant 1280 : i32
    %dma_start3A_106 = tpu.memref_slice %arg5[%dma_start3A_105] : memref<6400xi32, #tpu.memory_space<vmem>> -> memref<128xi32, #tpu.memory_space<vmem>>
    %dma_start3A_107 = tpu.memref_slice %arg3[%add3A_104] : memref<204800xi32, #tpu.memory_space<hbm>> -> memref<128xi32, #tpu.memory_space<hbm>>
    %dma_start3A_108 = arith.constant 1280 : i32
    %dma_start3A_109 = tpu.memref_slice %arg5[%dma_start3A_108] : memref<6400xi32, #tpu.memory_space<vmem>> -> memref<128xi32, #tpu.memory_space<vmem>>
    %dma_start3A_110 = tpu.memref_slice %arg3[%add3A_104] : memref<204800xi32, #tpu.memory_space<hbm>> -> memref<128xi32, #tpu.memory_space<hbm>>
    tpu.enqueue_dma source(%dma_start3A_110 : memref<128xi32, #tpu.memory_space<hbm>>) target(%dma_start3A_109 : memref<128xi32, #tpu.memory_space<vmem>>) target_semaphore(%arg10 : memref<!tpu.dma_semaphore, #tpu.memory_space<semaphore_mem>>)
    %mul3A_111 = arith.constant 128 : i32
    %mul3A_112 = arith.muli %add3A, %mul3A_111 : i32
    %add3A_113 = arith.constant 45056 : i32
    %add3A_114 = arith.addi %add3A_113, %mul3A_112 : i32
    %dma_start3A_115 = arith.constant 1408 : i32
    %dma_start3A_116 = tpu.memref_slice %arg5[%dma_start3A_115] : memref<6400xi32, #tpu.memory_space<vmem>> -> memref<128xi32, #tpu.memory_space<vmem>>
    %dma_start3A_117 = tpu.memref_slice %arg3[%add3A_114] : memref<204800xi32, #tpu.memory_space<hbm>> -> memref<128xi32, #tpu.memory_space<hbm>>
    %dma_start3A_118 = arith.constant 1408 : i32
    %dma_start3A_119 = tpu.memref_slice %arg5[%dma_start3A_118] : memref<6400xi32, #tpu.memory_space<vmem>> -> memref<128xi32, #tpu.memory_space<vmem>>
    %dma_start3A_120 = tpu.memref_slice %arg3[%add3A_114] : memref<204800xi32, #tpu.memory_space<hbm>> -> memref<128xi32, #tpu.memory_space<hbm>>
    tpu.enqueue_dma source(%dma_start3A_120 : memref<128xi32, #tpu.memory_space<hbm>>) target(%dma_start3A_119 : memref<128xi32, #tpu.memory_space<vmem>>) target_semaphore(%arg10 : memref<!tpu.dma_semaphore, #tpu.memory_space<semaphore_mem>>)
    %mul3A_121 = arith.constant 128 : i32
    %mul3A_122 = arith.muli %add3A, %mul3A_121 : i32
    %add3A_123 = arith.constant 49152 : i32
    %add3A_124 = arith.addi %add3A_123, %mul3A_122 : i32
    %dma_start3A_125 = arith.constant 1536 : i32
    %dma_start3A_126 = tpu.memref_slice %arg5[%dma_start3A_125] : memref<6400xi32, #tpu.memory_space<vmem>> -> memref<128xi32, #tpu.memory_space<vmem>>
    %dma_start3A_127 = tpu.memref_slice %arg3[%add3A_124] : memref<204800xi32, #tpu.memory_space<hbm>> -> memref<128xi32, #tpu.memory_space<hbm>>
    %dma_start3A_128 = arith.constant 1536 : i32
    %dma_start3A_129 = tpu.memref_slice %arg5[%dma_start3A_128] : memref<6400xi32, #tpu.memory_space<vmem>> -> memref<128xi32, #tpu.memory_space<vmem>>
    %dma_start3A_130 = tpu.memref_slice %arg3[%add3A_124] : memref<204800xi32, #tpu.memory_space<hbm>> -> memref<128xi32, #tpu.memory_space<hbm>>
    tpu.enqueue_dma source(%dma_start3A_130 : memref<128xi32, #tpu.memory_space<hbm>>) target(%dma_start3A_129 : memref<128xi32, #tpu.memory_space<vmem>>) target_semaphore(%arg10 : memref<!tpu.dma_semaphore, #tpu.memory_space<semaphore_mem>>)
    %mul3A_131 = arith.constant 128 : i32
    %mul3A_132 = arith.muli %add3A, %mul3A_131 : i32
    %add3A_133 = arith.constant 53248 : i32
    %add3A_134 = arith.addi %add3A_133, %mul3A_132 : i32
    %dma_start3A_135 = arith.constant 1664 : i32
    %dma_start3A_136 = tpu.memref_slice %arg5[%dma_start3A_135] : memref<6400xi32, #tpu.memory_space<vmem>> -> memref<128xi32, #tpu.memory_space<vmem>>
    %dma_start3A_137 = tpu.memref_slice %arg3[%add3A_134] : memref<204800xi32, #tpu.memory_space<hbm>> -> memref<128xi32, #tpu.memory_space<hbm>>
    %dma_start3A_138 = arith.constant 1664 : i32
    %dma_start3A_139 = tpu.memref_slice %arg5[%dma_start3A_138] : memref<6400xi32, #tpu.memory_space<vmem>> -> memref<128xi32, #tpu.memory_space<vmem>>
    %dma_start3A_140 = tpu.memref_slice %arg3[%add3A_134] : memref<204800xi32, #tpu.memory_space<hbm>> -> memref<128xi32, #tpu.memory_space<hbm>>
    tpu.enqueue_dma source(%dma_start3A_140 : memref<128xi32, #tpu.memory_space<hbm>>) target(%dma_start3A_139 : memref<128xi32, #tpu.memory_space<vmem>>) target_semaphore(%arg10 : memref<!tpu.dma_semaphore, #tpu.memory_space<semaphore_mem>>)
    %mul3A_141 = arith.constant 128 : i32
    %mul3A_142 = arith.muli %add3A, %mul3A_141 : i32
    %add3A_143 = arith.constant 57344 : i32
    %add3A_144 = arith.addi %add3A_143, %mul3A_142 : i32
    %dma_start3A_145 = arith.constant 1792 : i32
    %dma_start3A_146 = tpu.memref_slice %arg5[%dma_start3A_145] : memref<6400xi32, #tpu.memory_space<vmem>> -> memref<128xi32, #tpu.memory_space<vmem>>
    %dma_start3A_147 = tpu.memref_slice %arg3[%add3A_144] : memref<204800xi32, #tpu.memory_space<hbm>> -> memref<128xi32, #tpu.memory_space<hbm>>
    %dma_start3A_148 = arith.constant 1792 : i32
    %dma_start3A_149 = tpu.memref_slice %arg5[%dma_start3A_148] : memref<6400xi32, #tpu.memory_space<vmem>> -> memref<128xi32, #tpu.memory_space<vmem>>
    %dma_start3A_150 = tpu.memref_slice %arg3[%add3A_144] : memref<204800xi32, #tpu.memory_space<hbm>> -> memref<128xi32, #tpu.memory_space<hbm>>
    tpu.enqueue_dma source(%dma_start3A_150 : memref<128xi32, #tpu.memory_space<hbm>>) target(%dma_start3A_149 : memref<128xi32, #tpu.memory_space<vmem>>) target_semaphore(%arg10 : memref<!tpu.dma_semaphore, #tpu.memory_space<semaphore_mem>>)
    %mul3A_151 = arith.constant 128 : i32
    %mul3A_152 = arith.muli %add3A, %mul3A_151 : i32
    %add3A_153 = arith.constant 61440 : i32
    %add3A_154 = arith.addi %add3A_153, %mul3A_152 : i32
    %dma_start3A_155 = arith.constant 1920 : i32
    %dma_start3A_156 = tpu.memref_slice %arg5[%dma_start3A_155] : memref<6400xi32, #tpu.memory_space<vmem>> -> memref<128xi32, #tpu.memory_space<vmem>>
    %dma_start3A_157 = tpu.memref_slice %arg3[%add3A_154] : memref<204800xi32, #tpu.memory_space<hbm>> -> memref<128xi32, #tpu.memory_space<hbm>>
    %dma_start3A_158 = arith.constant 1920 : i32
    %dma_start3A_159 = tpu.memref_slice %arg5[%dma_start3A_158] : memref<6400xi32, #tpu.memory_space<vmem>> -> memref<128xi32, #tpu.memory_space<vmem>>
    %dma_start3A_160 = tpu.memref_slice %arg3[%add3A_154] : memref<204800xi32, #tpu.memory_space<hbm>> -> memref<128xi32, #tpu.memory_space<hbm>>
    tpu.enqueue_dma source(%dma_start3A_160 : memref<128xi32, #tpu.memory_space<hbm>>) target(%dma_start3A_159 : memref<128xi32, #tpu.memory_space<vmem>>) target_semaphore(%arg10 : memref<!tpu.dma_semaphore, #tpu.memory_space<semaphore_mem>>)
    %mul3A_161 = arith.constant 128 : i32
    %mul3A_162 = arith.muli %add3A, %mul3A_161 : i32
    %add3A_163 = arith.constant 65536 : i32
    %add3A_164 = arith.addi %add3A_163, %mul3A_162 : i32
    %dma_start3A_165 = arith.constant 2048 : i32
    %dma_start3A_166 = tpu.memref_slice %arg5[%dma_start3A_165] : memref<6400xi32, #tpu.memory_space<vmem>> -> memref<128xi32, #tpu.memory_space<vmem>>
    %dma_start3A_167 = tpu.memref_slice %arg3[%add3A_164] : memref<204800xi32, #tpu.memory_space<hbm>> -> memref<128xi32, #tpu.memory_space<hbm>>
    %dma_start3A_168 = arith.constant 2048 : i32
    %dma_start3A_169 = tpu.memref_slice %arg5[%dma_start3A_168] : memref<6400xi32, #tpu.memory_space<vmem>> -> memref<128xi32, #tpu.memory_space<vmem>>
    %dma_start3A_170 = tpu.memref_slice %arg3[%add3A_164] : memref<204800xi32, #tpu.memory_space<hbm>> -> memref<128xi32, #tpu.memory_space<hbm>>
    tpu.enqueue_dma source(%dma_start3A_170 : memref<128xi32, #tpu.memory_space<hbm>>) target(%dma_start3A_169 : memref<128xi32, #tpu.memory_space<vmem>>) target_semaphore(%arg10 : memref<!tpu.dma_semaphore, #tpu.memory_space<semaphore_mem>>)
    %mul3A_171 = arith.constant 128 : i32
    %mul3A_172 = arith.muli %add3A, %mul3A_171 : i32
    %add3A_173 = arith.constant 69632 : i32
    %add3A_174 = arith.addi %add3A_173, %mul3A_172 : i32
    %dma_start3A_175 = arith.constant 2176 : i32
    %dma_start3A_176 = tpu.memref_slice %arg5[%dma_start3A_175] : memref<6400xi32, #tpu.memory_space<vmem>> -> memref<128xi32, #tpu.memory_space<vmem>>
    %dma_start3A_177 = tpu.memref_slice %arg3[%add3A_174] : memref<204800xi32, #tpu.memory_space<hbm>> -> memref<128xi32, #tpu.memory_space<hbm>>
    %dma_start3A_178 = arith.constant 2176 : i32
    %dma_start3A_179 = tpu.memref_slice %arg5[%dma_start3A_178] : memref<6400xi32, #tpu.memory_space<vmem>> -> memref<128xi32, #tpu.memory_space<vmem>>
    %dma_start3A_180 = tpu.memref_slice %arg3[%add3A_174] : memref<204800xi32, #tpu.memory_space<hbm>> -> memref<128xi32, #tpu.memory_space<hbm>>
    tpu.enqueue_dma source(%dma_start3A_180 : memref<128xi32, #tpu.memory_space<hbm>>) target(%dma_start3A_179 : memref<128xi32, #tpu.memory_space<vmem>>) target_semaphore(%arg10 : memref<!tpu.dma_semaphore, #tpu.memory_space<semaphore_mem>>)
    %mul3A_181 = arith.constant 128 : i32
    %mul3A_182 = arith.muli %add3A, %mul3A_181 : i32
    %add3A_183 = arith.constant 73728 : i32
    %add3A_184 = arith.addi %add3A_183, %mul3A_182 : i32
    %dma_start3A_185 = arith.constant 2304 : i32
    %dma_start3A_186 = tpu.memref_slice %arg5[%dma_start3A_185] : memref<6400xi32, #tpu.memory_space<vmem>> -> memref<128xi32, #tpu.memory_space<vmem>>
    %dma_start3A_187 = tpu.memref_slice %arg3[%add3A_184] : memref<204800xi32, #tpu.memory_space<hbm>> -> memref<128xi32, #tpu.memory_space<hbm>>
    %dma_start3A_188 = arith.constant 2304 : i32
    %dma_start3A_189 = tpu.memref_slice %arg5[%dma_start3A_188] : memref<6400xi32, #tpu.memory_space<vmem>> -> memref<128xi32, #tpu.memory_space<vmem>>
    %dma_start3A_190 = tpu.memref_slice %arg3[%add3A_184] : memref<204800xi32, #tpu.memory_space<hbm>> -> memref<128xi32, #tpu.memory_space<hbm>>
    tpu.enqueue_dma source(%dma_start3A_190 : memref<128xi32, #tpu.memory_space<hbm>>) target(%dma_start3A_189 : memref<128xi32, #tpu.memory_space<vmem>>) target_semaphore(%arg10 : memref<!tpu.dma_semaphore, #tpu.memory_space<semaphore_mem>>)
    %mul3A_191 = arith.constant 128 : i32
    %mul3A_192 = arith.muli %add3A, %mul3A_191 : i32
    %add3A_193 = arith.constant 77824 : i32
    %add3A_194 = arith.addi %add3A_193, %mul3A_192 : i32
    %dma_start3A_195 = arith.constant 2432 : i32
    %dma_start3A_196 = tpu.memref_slice %arg5[%dma_start3A_195] : memref<6400xi32, #tpu.memory_space<vmem>> -> memref<128xi32, #tpu.memory_space<vmem>>
    %dma_start3A_197 = tpu.memref_slice %arg3[%add3A_194] : memref<204800xi32, #tpu.memory_space<hbm>> -> memref<128xi32, #tpu.memory_space<hbm>>
    %dma_start3A_198 = arith.constant 2432 : i32
    %dma_start3A_199 = tpu.memref_slice %arg5[%dma_start3A_198] : memref<6400xi32, #tpu.memory_space<vmem>> -> memref<128xi32, #tpu.memory_space<vmem>>
    %dma_start3A_200 = tpu.memref_slice %arg3[%add3A_194] : memref<204800xi32, #tpu.memory_space<hbm>> -> memref<128xi32, #tpu.memory_space<hbm>>
    tpu.enqueue_dma source(%dma_start3A_200 : memref<128xi32, #tpu.memory_space<hbm>>) target(%dma_start3A_199 : memref<128xi32, #tpu.memory_space<vmem>>) target_semaphore(%arg10 : memref<!tpu.dma_semaphore, #tpu.memory_space<semaphore_mem>>)
    %mul3A_201 = arith.constant 128 : i32
    %mul3A_202 = arith.muli %add3A, %mul3A_201 : i32
    %add3A_203 = arith.constant 81920 : i32
    %add3A_204 = arith.addi %add3A_203, %mul3A_202 : i32
    %dma_start3A_205 = arith.constant 2560 : i32
    %dma_start3A_206 = tpu.memref_slice %arg5[%dma_start3A_205] : memref<6400xi32, #tpu.memory_space<vmem>> -> memref<128xi32, #tpu.memory_space<vmem>>
    %dma_start3A_207 = tpu.memref_slice %arg3[%add3A_204] : memref<204800xi32, #tpu.memory_space<hbm>> -> memref<128xi32, #tpu.memory_space<hbm>>
    %dma_start3A_208 = arith.constant 2560 : i32
    %dma_start3A_209 = tpu.memref_slice %arg5[%dma_start3A_208] : memref<6400xi32, #tpu.memory_space<vmem>> -> memref<128xi32, #tpu.memory_space<vmem>>
    %dma_start3A_210 = tpu.memref_slice %arg3[%add3A_204] : memref<204800xi32, #tpu.memory_space<hbm>> -> memref<128xi32, #tpu.memory_space<hbm>>
    tpu.enqueue_dma source(%dma_start3A_210 : memref<128xi32, #tpu.memory_space<hbm>>) target(%dma_start3A_209 : memref<128xi32, #tpu.memory_space<vmem>>) target_semaphore(%arg10 : memref<!tpu.dma_semaphore, #tpu.memory_space<semaphore_mem>>)
    %mul3A_211 = arith.constant 128 : i32
    %mul3A_212 = arith.muli %add3A, %mul3A_211 : i32
    %add3A_213 = arith.constant 86016 : i32
    %add3A_214 = arith.addi %add3A_213, %mul3A_212 : i32
    %dma_start3A_215 = arith.constant 2688 : i32
    %dma_start3A_216 = tpu.memref_slice %arg5[%dma_start3A_215] : memref<6400xi32, #tpu.memory_space<vmem>> -> memref<128xi32, #tpu.memory_space<vmem>>
    %dma_start3A_217 = tpu.memref_slice %arg3[%add3A_214] : memref<204800xi32, #tpu.memory_space<hbm>> -> memref<128xi32, #tpu.memory_space<hbm>>
    %dma_start3A_218 = arith.constant 2688 : i32
    %dma_start3A_219 = tpu.memref_slice %arg5[%dma_start3A_218] : memref<6400xi32, #tpu.memory_space<vmem>> -> memref<128xi32, #tpu.memory_space<vmem>>
    %dma_start3A_220 = tpu.memref_slice %arg3[%add3A_214] : memref<204800xi32, #tpu.memory_space<hbm>> -> memref<128xi32, #tpu.memory_space<hbm>>
    tpu.enqueue_dma source(%dma_start3A_220 : memref<128xi32, #tpu.memory_space<hbm>>) target(%dma_start3A_219 : memref<128xi32, #tpu.memory_space<vmem>>) target_semaphore(%arg10 : memref<!tpu.dma_semaphore, #tpu.memory_space<semaphore_mem>>)
    %mul3A_221 = arith.constant 128 : i32
    %mul3A_222 = arith.muli %add3A, %mul3A_221 : i32
    %add3A_223 = arith.constant 90112 : i32
    %add3A_224 = arith.addi %add3A_223, %mul3A_222 : i32
    %dma_start3A_225 = arith.constant 2816 : i32
    %dma_start3A_226 = tpu.memref_slice %arg5[%dma_start3A_225] : memref<6400xi32, #tpu.memory_space<vmem>> -> memref<128xi32, #tpu.memory_space<vmem>>
    %dma_start3A_227 = tpu.memref_slice %arg3[%add3A_224] : memref<204800xi32, #tpu.memory_space<hbm>> -> memref<128xi32, #tpu.memory_space<hbm>>
    %dma_start3A_228 = arith.constant 2816 : i32
    %dma_start3A_229 = tpu.memref_slice %arg5[%dma_start3A_228] : memref<6400xi32, #tpu.memory_space<vmem>> -> memref<128xi32, #tpu.memory_space<vmem>>
    %dma_start3A_230 = tpu.memref_slice %arg3[%add3A_224] : memref<204800xi32, #tpu.memory_space<hbm>> -> memref<128xi32, #tpu.memory_space<hbm>>
    tpu.enqueue_dma source(%dma_start3A_230 : memref<128xi32, #tpu.memory_space<hbm>>) target(%dma_start3A_229 : memref<128xi32, #tpu.memory_space<vmem>>) target_semaphore(%arg10 : memref<!tpu.dma_semaphore, #tpu.memory_space<semaphore_mem>>)
    %mul3A_231 = arith.constant 128 : i32
    %mul3A_232 = arith.muli %add3A, %mul3A_231 : i32
    %add3A_233 = arith.constant 94208 : i32
    %add3A_234 = arith.addi %add3A_233, %mul3A_232 : i32
    %dma_start3A_235 = arith.constant 2944 : i32
    %dma_start3A_236 = tpu.memref_slice %arg5[%dma_start3A_235] : memref<6400xi32, #tpu.memory_space<vmem>> -> memref<128xi32, #tpu.memory_space<vmem>>
    %dma_start3A_237 = tpu.memref_slice %arg3[%add3A_234] : memref<204800xi32, #tpu.memory_space<hbm>> -> memref<128xi32, #tpu.memory_space<hbm>>
    %dma_start3A_238 = arith.constant 2944 : i32
    %dma_start3A_239 = tpu.memref_slice %arg5[%dma_start3A_238] : memref<6400xi32, #tpu.memory_space<vmem>> -> memref<128xi32, #tpu.memory_space<vmem>>
    %dma_start3A_240 = tpu.memref_slice %arg3[%add3A_234] : memref<204800xi32, #tpu.memory_space<hbm>> -> memref<128xi32, #tpu.memory_space<hbm>>
    tpu.enqueue_dma source(%dma_start3A_240 : memref<128xi32, #tpu.memory_space<hbm>>) target(%dma_start3A_239 : memref<128xi32, #tpu.memory_space<vmem>>) target_semaphore(%arg10 : memref<!tpu.dma_semaphore, #tpu.memory_space<semaphore_mem>>)
    %mul3A_241 = arith.constant 128 : i32
    %mul3A_242 = arith.muli %add3A, %mul3A_241 : i32
    %add3A_243 = arith.constant 98304 : i32
    %add3A_244 = arith.addi %add3A_243, %mul3A_242 : i32
    %dma_start3A_245 = arith.constant 3072 : i32
    %dma_start3A_246 = tpu.memref_slice %arg5[%dma_start3A_245] : memref<6400xi32, #tpu.memory_space<vmem>> -> memref<128xi32, #tpu.memory_space<vmem>>
    %dma_start3A_247 = tpu.memref_slice %arg3[%add3A_244] : memref<204800xi32, #tpu.memory_space<hbm>> -> memref<128xi32, #tpu.memory_space<hbm>>
    %dma_start3A_248 = arith.constant 3072 : i32
    %dma_start3A_249 = tpu.memref_slice %arg5[%dma_start3A_248] : memref<6400xi32, #tpu.memory_space<vmem>> -> memref<128xi32, #tpu.memory_space<vmem>>
    %dma_start3A_250 = tpu.memref_slice %arg3[%add3A_244] : memref<204800xi32, #tpu.memory_space<hbm>> -> memref<128xi32, #tpu.memory_space<hbm>>
    tpu.enqueue_dma source(%dma_start3A_250 : memref<128xi32, #tpu.memory_space<hbm>>) target(%dma_start3A_249 : memref<128xi32, #tpu.memory_space<vmem>>) target_semaphore(%arg10 : memref<!tpu.dma_semaphore, #tpu.memory_space<semaphore_mem>>)
    %mul3A_251 = arith.constant 128 : i32
    %mul3A_252 = arith.muli %add3A, %mul3A_251 : i32
    %add3A_253 = arith.constant 102400 : i32
    %add3A_254 = arith.addi %add3A_253, %mul3A_252 : i32
    %dma_start3A_255 = arith.constant 3200 : i32
    %dma_start3A_256 = tpu.memref_slice %arg5[%dma_start3A_255] : memref<6400xi32, #tpu.memory_space<vmem>> -> memref<128xi32, #tpu.memory_space<vmem>>
    %dma_start3A_257 = tpu.memref_slice %arg3[%add3A_254] : memref<204800xi32, #tpu.memory_space<hbm>> -> memref<128xi32, #tpu.memory_space<hbm>>
    %dma_start3A_258 = arith.constant 3200 : i32
    %dma_start3A_259 = tpu.memref_slice %arg5[%dma_start3A_258] : memref<6400xi32, #tpu.memory_space<vmem>> -> memref<128xi32, #tpu.memory_space<vmem>>
    %dma_start3A_260 = tpu.memref_slice %arg3[%add3A_254] : memref<204800xi32, #tpu.memory_space<hbm>> -> memref<128xi32, #tpu.memory_space<hbm>>
    tpu.enqueue_dma source(%dma_start3A_260 : memref<128xi32, #tpu.memory_space<hbm>>) target(%dma_start3A_259 : memref<128xi32, #tpu.memory_space<vmem>>) target_semaphore(%arg10 : memref<!tpu.dma_semaphore, #tpu.memory_space<semaphore_mem>>)
    %mul3A_261 = arith.constant 128 : i32
    %mul3A_262 = arith.muli %add3A, %mul3A_261 : i32
    %add3A_263 = arith.constant 106496 : i32
    %add3A_264 = arith.addi %add3A_263, %mul3A_262 : i32
    %dma_start3A_265 = arith.constant 3328 : i32
    %dma_start3A_266 = tpu.memref_slice %arg5[%dma_start3A_265] : memref<6400xi32, #tpu.memory_space<vmem>> -> memref<128xi32, #tpu.memory_space<vmem>>
    %dma_start3A_267 = tpu.memref_slice %arg3[%add3A_264] : memref<204800xi32, #tpu.memory_space<hbm>> -> memref<128xi32, #tpu.memory_space<hbm>>
    %dma_start3A_268 = arith.constant 3328 : i32
    %dma_start3A_269 = tpu.memref_slice %arg5[%dma_start3A_268] : memref<6400xi32, #tpu.memory_space<vmem>> -> memref<128xi32, #tpu.memory_space<vmem>>
    %dma_start3A_270 = tpu.memref_slice %arg3[%add3A_264] : memref<204800xi32, #tpu.memory_space<hbm>> -> memref<128xi32, #tpu.memory_space<hbm>>
    tpu.enqueue_dma source(%dma_start3A_270 : memref<128xi32, #tpu.memory_space<hbm>>) target(%dma_start3A_269 : memref<128xi32, #tpu.memory_space<vmem>>) target_semaphore(%arg10 : memref<!tpu.dma_semaphore, #tpu.memory_space<semaphore_mem>>)
    %mul3A_271 = arith.constant 128 : i32
    %mul3A_272 = arith.muli %add3A, %mul3A_271 : i32
    %add3A_273 = arith.constant 110592 : i32
    %add3A_274 = arith.addi %add3A_273, %mul3A_272 : i32
    %dma_start3A_275 = arith.constant 3456 : i32
    %dma_start3A_276 = tpu.memref_slice %arg5[%dma_start3A_275] : memref<6400xi32, #tpu.memory_space<vmem>> -> memref<128xi32, #tpu.memory_space<vmem>>
    %dma_start3A_277 = tpu.memref_slice %arg3[%add3A_274] : memref<204800xi32, #tpu.memory_space<hbm>> -> memref<128xi32, #tpu.memory_space<hbm>>
    %dma_start3A_278 = arith.constant 3456 : i32
    %dma_start3A_279 = tpu.memref_slice %arg5[%dma_start3A_278] : memref<6400xi32, #tpu.memory_space<vmem>> -> memref<128xi32, #tpu.memory_space<vmem>>
    %dma_start3A_280 = tpu.memref_slice %arg3[%add3A_274] : memref<204800xi32, #tpu.memory_space<hbm>> -> memref<128xi32, #tpu.memory_space<hbm>>
    tpu.enqueue_dma source(%dma_start3A_280 : memref<128xi32, #tpu.memory_space<hbm>>) target(%dma_start3A_279 : memref<128xi32, #tpu.memory_space<vmem>>) target_semaphore(%arg10 : memref<!tpu.dma_semaphore, #tpu.memory_space<semaphore_mem>>)
    %mul3A_281 = arith.constant 128 : i32
    %mul3A_282 = arith.muli %add3A, %mul3A_281 : i32
    %add3A_283 = arith.constant 114688 : i32
    %add3A_284 = arith.addi %add3A_283, %mul3A_282 : i32
    %dma_start3A_285 = arith.constant 3584 : i32
    %dma_start3A_286 = tpu.memref_slice %arg5[%dma_start3A_285] : memref<6400xi32, #tpu.memory_space<vmem>> -> memref<128xi32, #tpu.memory_space<vmem>>
    %dma_start3A_287 = tpu.memref_slice %arg3[%add3A_284] : memref<204800xi32, #tpu.memory_space<hbm>> -> memref<128xi32, #tpu.memory_space<hbm>>
    %dma_start3A_288 = arith.constant 3584 : i32
    %dma_start3A_289 = tpu.memref_slice %arg5[%dma_start3A_288] : memref<6400xi32, #tpu.memory_space<vmem>> -> memref<128xi32, #tpu.memory_space<vmem>>
    %dma_start3A_290 = tpu.memref_slice %arg3[%add3A_284] : memref<204800xi32, #tpu.memory_space<hbm>> -> memref<128xi32, #tpu.memory_space<hbm>>
    tpu.enqueue_dma source(%dma_start3A_290 : memref<128xi32, #tpu.memory_space<hbm>>) target(%dma_start3A_289 : memref<128xi32, #tpu.memory_space<vmem>>) target_semaphore(%arg10 : memref<!tpu.dma_semaphore, #tpu.memory_space<semaphore_mem>>)
    %mul3A_291 = arith.constant 128 : i32
    %mul3A_292 = arith.muli %add3A, %mul3A_291 : i32
    %add3A_293 = arith.constant 118784 : i32
    %add3A_294 = arith.addi %add3A_293, %mul3A_292 : i32
    %dma_start3A_295 = arith.constant 3712 : i32
    %dma_start3A_296 = tpu.memref_slice %arg5[%dma_start3A_295] : memref<6400xi32, #tpu.memory_space<vmem>> -> memref<128xi32, #tpu.memory_space<vmem>>
    %dma_start3A_297 = tpu.memref_slice %arg3[%add3A_294] : memref<204800xi32, #tpu.memory_space<hbm>> -> memref<128xi32, #tpu.memory_space<hbm>>
    %dma_start3A_298 = arith.constant 3712 : i32
    %dma_start3A_299 = tpu.memref_slice %arg5[%dma_start3A_298] : memref<6400xi32, #tpu.memory_space<vmem>> -> memref<128xi32, #tpu.memory_space<vmem>>
    %dma_start3A_300 = tpu.memref_slice %arg3[%add3A_294] : memref<204800xi32, #tpu.memory_space<hbm>> -> memref<128xi32, #tpu.memory_space<hbm>>
    tpu.enqueue_dma source(%dma_start3A_300 : memref<128xi32, #tpu.memory_space<hbm>>) target(%dma_start3A_299 : memref<128xi32, #tpu.memory_space<vmem>>) target_semaphore(%arg10 : memref<!tpu.dma_semaphore, #tpu.memory_space<semaphore_mem>>)
    %mul3A_301 = arith.constant 128 : i32
    %mul3A_302 = arith.muli %add3A, %mul3A_301 : i32
    %add3A_303 = arith.constant 122880 : i32
    %add3A_304 = arith.addi %add3A_303, %mul3A_302 : i32
    %dma_start3A_305 = arith.constant 3840 : i32
    %dma_start3A_306 = tpu.memref_slice %arg5[%dma_start3A_305] : memref<6400xi32, #tpu.memory_space<vmem>> -> memref<128xi32, #tpu.memory_space<vmem>>
    %dma_start3A_307 = tpu.memref_slice %arg3[%add3A_304] : memref<204800xi32, #tpu.memory_space<hbm>> -> memref<128xi32, #tpu.memory_space<hbm>>
    %dma_start3A_308 = arith.constant 3840 : i32
    %dma_start3A_309 = tpu.memref_slice %arg5[%dma_start3A_308] : memref<6400xi32, #tpu.memory_space<vmem>> -> memref<128xi32, #tpu.memory_space<vmem>>
    %dma_start3A_310 = tpu.memref_slice %arg3[%add3A_304] : memref<204800xi32, #tpu.memory_space<hbm>> -> memref<128xi32, #tpu.memory_space<hbm>>
    tpu.enqueue_dma source(%dma_start3A_310 : memref<128xi32, #tpu.memory_space<hbm>>) target(%dma_start3A_309 : memref<128xi32, #tpu.memory_space<vmem>>) target_semaphore(%arg10 : memref<!tpu.dma_semaphore, #tpu.memory_space<semaphore_mem>>)
    %mul3A_311 = arith.constant 128 : i32
    %mul3A_312 = arith.muli %add3A, %mul3A_311 : i32
    %add3A_313 = arith.constant 126976 : i32
    %add3A_314 = arith.addi %add3A_313, %mul3A_312 : i32
    %dma_start3A_315 = arith.constant 3968 : i32
    %dma_start3A_316 = tpu.memref_slice %arg5[%dma_start3A_315] : memref<6400xi32, #tpu.memory_space<vmem>> -> memref<128xi32, #tpu.memory_space<vmem>>
    %dma_start3A_317 = tpu.memref_slice %arg3[%add3A_314] : memref<204800xi32, #tpu.memory_space<hbm>> -> memref<128xi32, #tpu.memory_space<hbm>>
    %dma_start3A_318 = arith.constant 3968 : i32
    %dma_start3A_319 = tpu.memref_slice %arg5[%dma_start3A_318] : memref<6400xi32, #tpu.memory_space<vmem>> -> memref<128xi32, #tpu.memory_space<vmem>>
    %dma_start3A_320 = tpu.memref_slice %arg3[%add3A_314] : memref<204800xi32, #tpu.memory_space<hbm>> -> memref<128xi32, #tpu.memory_space<hbm>>
    tpu.enqueue_dma source(%dma_start3A_320 : memref<128xi32, #tpu.memory_space<hbm>>) target(%dma_start3A_319 : memref<128xi32, #tpu.memory_space<vmem>>) target_semaphore(%arg10 : memref<!tpu.dma_semaphore, #tpu.memory_space<semaphore_mem>>)
    %mul3A_321 = arith.constant 128 : i32
    %mul3A_322 = arith.muli %add3A, %mul3A_321 : i32
    %add3A_323 = arith.constant 131072 : i32
    %add3A_324 = arith.addi %add3A_323, %mul3A_322 : i32
    %dma_start3A_325 = arith.constant 4096 : i32
    %dma_start3A_326 = tpu.memref_slice %arg5[%dma_start3A_325] : memref<6400xi32, #tpu.memory_space<vmem>> -> memref<128xi32, #tpu.memory_space<vmem>>
    %dma_start3A_327 = tpu.memref_slice %arg3[%add3A_324] : memref<204800xi32, #tpu.memory_space<hbm>> -> memref<128xi32, #tpu.memory_space<hbm>>
    %dma_start3A_328 = arith.constant 4096 : i32
    %dma_start3A_329 = tpu.memref_slice %arg5[%dma_start3A_328] : memref<6400xi32, #tpu.memory_space<vmem>> -> memref<128xi32, #tpu.memory_space<vmem>>
    %dma_start3A_330 = tpu.memref_slice %arg3[%add3A_324] : memref<204800xi32, #tpu.memory_space<hbm>> -> memref<128xi32, #tpu.memory_space<hbm>>
    tpu.enqueue_dma source(%dma_start3A_330 : memref<128xi32, #tpu.memory_space<hbm>>) target(%dma_start3A_329 : memref<128xi32, #tpu.memory_space<vmem>>) target_semaphore(%arg10 : memref<!tpu.dma_semaphore, #tpu.memory_space<semaphore_mem>>)
    %mul3A_331 = arith.constant 128 : i32
    %mul3A_332 = arith.muli %add3A, %mul3A_331 : i32
    %add3A_333 = arith.constant 135168 : i32
    %add3A_334 = arith.addi %add3A_333, %mul3A_332 : i32
    %dma_start3A_335 = arith.constant 4224 : i32
    %dma_start3A_336 = tpu.memref_slice %arg5[%dma_start3A_335] : memref<6400xi32, #tpu.memory_space<vmem>> -> memref<128xi32, #tpu.memory_space<vmem>>
    %dma_start3A_337 = tpu.memref_slice %arg3[%add3A_334] : memref<204800xi32, #tpu.memory_space<hbm>> -> memref<128xi32, #tpu.memory_space<hbm>>
    %dma_start3A_338 = arith.constant 4224 : i32
    %dma_start3A_339 = tpu.memref_slice %arg5[%dma_start3A_338] : memref<6400xi32, #tpu.memory_space<vmem>> -> memref<128xi32, #tpu.memory_space<vmem>>
    %dma_start3A_340 = tpu.memref_slice %arg3[%add3A_334] : memref<204800xi32, #tpu.memory_space<hbm>> -> memref<128xi32, #tpu.memory_space<hbm>>
    tpu.enqueue_dma source(%dma_start3A_340 : memref<128xi32, #tpu.memory_space<hbm>>) target(%dma_start3A_339 : memref<128xi32, #tpu.memory_space<vmem>>) target_semaphore(%arg10 : memref<!tpu.dma_semaphore, #tpu.memory_space<semaphore_mem>>)
    %mul3A_341 = arith.constant 128 : i32
    %mul3A_342 = arith.muli %add3A, %mul3A_341 : i32
    %add3A_343 = arith.constant 139264 : i32
    %add3A_344 = arith.addi %add3A_343, %mul3A_342 : i32
    %dma_start3A_345 = arith.constant 4352 : i32
    %dma_start3A_346 = tpu.memref_slice %arg5[%dma_start3A_345] : memref<6400xi32, #tpu.memory_space<vmem>> -> memref<128xi32, #tpu.memory_space<vmem>>
    %dma_start3A_347 = tpu.memref_slice %arg3[%add3A_344] : memref<204800xi32, #tpu.memory_space<hbm>> -> memref<128xi32, #tpu.memory_space<hbm>>
    %dma_start3A_348 = arith.constant 4352 : i32
    %dma_start3A_349 = tpu.memref_slice %arg5[%dma_start3A_348] : memref<6400xi32, #tpu.memory_space<vmem>> -> memref<128xi32, #tpu.memory_space<vmem>>
    %dma_start3A_350 = tpu.memref_slice %arg3[%add3A_344] : memref<204800xi32, #tpu.memory_space<hbm>> -> memref<128xi32, #tpu.memory_space<hbm>>
    tpu.enqueue_dma source(%dma_start3A_350 : memref<128xi32, #tpu.memory_space<hbm>>) target(%dma_start3A_349 : memref<128xi32, #tpu.memory_space<vmem>>) target_semaphore(%arg10 : memref<!tpu.dma_semaphore, #tpu.memory_space<semaphore_mem>>)
    %mul3A_351 = arith.constant 128 : i32
    %mul3A_352 = arith.muli %add3A, %mul3A_351 : i32
    %add3A_353 = arith.constant 143360 : i32
    %add3A_354 = arith.addi %add3A_353, %mul3A_352 : i32
    %dma_start3A_355 = arith.constant 4480 : i32
    %dma_start3A_356 = tpu.memref_slice %arg5[%dma_start3A_355] : memref<6400xi32, #tpu.memory_space<vmem>> -> memref<128xi32, #tpu.memory_space<vmem>>
    %dma_start3A_357 = tpu.memref_slice %arg3[%add3A_354] : memref<204800xi32, #tpu.memory_space<hbm>> -> memref<128xi32, #tpu.memory_space<hbm>>
    %dma_start3A_358 = arith.constant 4480 : i32
    %dma_start3A_359 = tpu.memref_slice %arg5[%dma_start3A_358] : memref<6400xi32, #tpu.memory_space<vmem>> -> memref<128xi32, #tpu.memory_space<vmem>>
    %dma_start3A_360 = tpu.memref_slice %arg3[%add3A_354] : memref<204800xi32, #tpu.memory_space<hbm>> -> memref<128xi32, #tpu.memory_space<hbm>>
    tpu.enqueue_dma source(%dma_start3A_360 : memref<128xi32, #tpu.memory_space<hbm>>) target(%dma_start3A_359 : memref<128xi32, #tpu.memory_space<vmem>>) target_semaphore(%arg10 : memref<!tpu.dma_semaphore, #tpu.memory_space<semaphore_mem>>)
    %mul3A_361 = arith.constant 128 : i32
    %mul3A_362 = arith.muli %add3A, %mul3A_361 : i32
    %add3A_363 = arith.constant 147456 : i32
    %add3A_364 = arith.addi %add3A_363, %mul3A_362 : i32
    %dma_start3A_365 = arith.constant 4608 : i32
    %dma_start3A_366 = tpu.memref_slice %arg5[%dma_start3A_365] : memref<6400xi32, #tpu.memory_space<vmem>> -> memref<128xi32, #tpu.memory_space<vmem>>
    %dma_start3A_367 = tpu.memref_slice %arg3[%add3A_364] : memref<204800xi32, #tpu.memory_space<hbm>> -> memref<128xi32, #tpu.memory_space<hbm>>
    %dma_start3A_368 = arith.constant 4608 : i32
    %dma_start3A_369 = tpu.memref_slice %arg5[%dma_start3A_368] : memref<6400xi32, #tpu.memory_space<vmem>> -> memref<128xi32, #tpu.memory_space<vmem>>
    %dma_start3A_370 = tpu.memref_slice %arg3[%add3A_364] : memref<204800xi32, #tpu.memory_space<hbm>> -> memref<128xi32, #tpu.memory_space<hbm>>
    tpu.enqueue_dma source(%dma_start3A_370 : memref<128xi32, #tpu.memory_space<hbm>>) target(%dma_start3A_369 : memref<128xi32, #tpu.memory_space<vmem>>) target_semaphore(%arg10 : memref<!tpu.dma_semaphore, #tpu.memory_space<semaphore_mem>>)
    %mul3A_371 = arith.constant 128 : i32
    %mul3A_372 = arith.muli %add3A, %mul3A_371 : i32
    %add3A_373 = arith.constant 151552 : i32
    %add3A_374 = arith.addi %add3A_373, %mul3A_372 : i32
    %dma_start3A_375 = arith.constant 4736 : i32
    %dma_start3A_376 = tpu.memref_slice %arg5[%dma_start3A_375] : memref<6400xi32, #tpu.memory_space<vmem>> -> memref<128xi32, #tpu.memory_space<vmem>>
    %dma_start3A_377 = tpu.memref_slice %arg3[%add3A_374] : memref<204800xi32, #tpu.memory_space<hbm>> -> memref<128xi32, #tpu.memory_space<hbm>>
    %dma_start3A_378 = arith.constant 4736 : i32
    %dma_start3A_379 = tpu.memref_slice %arg5[%dma_start3A_378] : memref<6400xi32, #tpu.memory_space<vmem>> -> memref<128xi32, #tpu.memory_space<vmem>>
    %dma_start3A_380 = tpu.memref_slice %arg3[%add3A_374] : memref<204800xi32, #tpu.memory_space<hbm>> -> memref<128xi32, #tpu.memory_space<hbm>>
    tpu.enqueue_dma source(%dma_start3A_380 : memref<128xi32, #tpu.memory_space<hbm>>) target(%dma_start3A_379 : memref<128xi32, #tpu.memory_space<vmem>>) target_semaphore(%arg10 : memref<!tpu.dma_semaphore, #tpu.memory_space<semaphore_mem>>)
    %mul3A_381 = arith.constant 128 : i32
    %mul3A_382 = arith.muli %add3A, %mul3A_381 : i32
    %add3A_383 = arith.constant 155648 : i32
    %add3A_384 = arith.addi %add3A_383, %mul3A_382 : i32
    %dma_start3A_385 = arith.constant 4864 : i32
    %dma_start3A_386 = tpu.memref_slice %arg5[%dma_start3A_385] : memref<6400xi32, #tpu.memory_space<vmem>> -> memref<128xi32, #tpu.memory_space<vmem>>
    %dma_start3A_387 = tpu.memref_slice %arg3[%add3A_384] : memref<204800xi32, #tpu.memory_space<hbm>> -> memref<128xi32, #tpu.memory_space<hbm>>
    %dma_start3A_388 = arith.constant 4864 : i32
    %dma_start3A_389 = tpu.memref_slice %arg5[%dma_start3A_388] : memref<6400xi32, #tpu.memory_space<vmem>> -> memref<128xi32, #tpu.memory_space<vmem>>
    %dma_start3A_390 = tpu.memref_slice %arg3[%add3A_384] : memref<204800xi32, #tpu.memory_space<hbm>> -> memref<128xi32, #tpu.memory_space<hbm>>
    tpu.enqueue_dma source(%dma_start3A_390 : memref<128xi32, #tpu.memory_space<hbm>>) target(%dma_start3A_389 : memref<128xi32, #tpu.memory_space<vmem>>) target_semaphore(%arg10 : memref<!tpu.dma_semaphore, #tpu.memory_space<semaphore_mem>>)
    %mul3A_391 = arith.constant 128 : i32
    %mul3A_392 = arith.muli %add3A, %mul3A_391 : i32
    %add3A_393 = arith.constant 159744 : i32
    %add3A_394 = arith.addi %add3A_393, %mul3A_392 : i32
    %dma_start3A_395 = arith.constant 4992 : i32
    %dma_start3A_396 = tpu.memref_slice %arg5[%dma_start3A_395] : memref<6400xi32, #tpu.memory_space<vmem>> -> memref<128xi32, #tpu.memory_space<vmem>>
    %dma_start3A_397 = tpu.memref_slice %arg3[%add3A_394] : memref<204800xi32, #tpu.memory_space<hbm>> -> memref<128xi32, #tpu.memory_space<hbm>>
    %dma_start3A_398 = arith.constant 4992 : i32
    %dma_start3A_399 = tpu.memref_slice %arg5[%dma_start3A_398] : memref<6400xi32, #tpu.memory_space<vmem>> -> memref<128xi32, #tpu.memory_space<vmem>>
    %dma_start3A_400 = tpu.memref_slice %arg3[%add3A_394] : memref<204800xi32, #tpu.memory_space<hbm>> -> memref<128xi32, #tpu.memory_space<hbm>>
    tpu.enqueue_dma source(%dma_start3A_400 : memref<128xi32, #tpu.memory_space<hbm>>) target(%dma_start3A_399 : memref<128xi32, #tpu.memory_space<vmem>>) target_semaphore(%arg10 : memref<!tpu.dma_semaphore, #tpu.memory_space<semaphore_mem>>)
    %mul3A_401 = arith.constant 128 : i32
    %mul3A_402 = arith.muli %add3A, %mul3A_401 : i32
    %add3A_403 = arith.constant 163840 : i32
    %add3A_404 = arith.addi %add3A_403, %mul3A_402 : i32
    %dma_start3A_405 = arith.constant 5120 : i32
    %dma_start3A_406 = tpu.memref_slice %arg5[%dma_start3A_405] : memref<6400xi32, #tpu.memory_space<vmem>> -> memref<128xi32, #tpu.memory_space<vmem>>
    %dma_start3A_407 = tpu.memref_slice %arg3[%add3A_404] : memref<204800xi32, #tpu.memory_space<hbm>> -> memref<128xi32, #tpu.memory_space<hbm>>
    %dma_start3A_408 = arith.constant 5120 : i32
    %dma_start3A_409 = tpu.memref_slice %arg5[%dma_start3A_408] : memref<6400xi32, #tpu.memory_space<vmem>> -> memref<128xi32, #tpu.memory_space<vmem>>
    %dma_start3A_410 = tpu.memref_slice %arg3[%add3A_404] : memref<204800xi32, #tpu.memory_space<hbm>> -> memref<128xi32, #tpu.memory_space<hbm>>
    tpu.enqueue_dma source(%dma_start3A_410 : memref<128xi32, #tpu.memory_space<hbm>>) target(%dma_start3A_409 : memref<128xi32, #tpu.memory_space<vmem>>) target_semaphore(%arg10 : memref<!tpu.dma_semaphore, #tpu.memory_space<semaphore_mem>>)
    %mul3A_411 = arith.constant 128 : i32
    %mul3A_412 = arith.muli %add3A, %mul3A_411 : i32
    %add3A_413 = arith.constant 167936 : i32
    %add3A_414 = arith.addi %add3A_413, %mul3A_412 : i32
    %dma_start3A_415 = arith.constant 5248 : i32
    %dma_start3A_416 = tpu.memref_slice %arg5[%dma_start3A_415] : memref<6400xi32, #tpu.memory_space<vmem>> -> memref<128xi32, #tpu.memory_space<vmem>>
    %dma_start3A_417 = tpu.memref_slice %arg3[%add3A_414] : memref<204800xi32, #tpu.memory_space<hbm>> -> memref<128xi32, #tpu.memory_space<hbm>>
    %dma_start3A_418 = arith.constant 5248 : i32
    %dma_start3A_419 = tpu.memref_slice %arg5[%dma_start3A_418] : memref<6400xi32, #tpu.memory_space<vmem>> -> memref<128xi32, #tpu.memory_space<vmem>>
    %dma_start3A_420 = tpu.memref_slice %arg3[%add3A_414] : memref<204800xi32, #tpu.memory_space<hbm>> -> memref<128xi32, #tpu.memory_space<hbm>>
    tpu.enqueue_dma source(%dma_start3A_420 : memref<128xi32, #tpu.memory_space<hbm>>) target(%dma_start3A_419 : memref<128xi32, #tpu.memory_space<vmem>>) target_semaphore(%arg10 : memref<!tpu.dma_semaphore, #tpu.memory_space<semaphore_mem>>)
    %mul3A_421 = arith.constant 128 : i32
    %mul3A_422 = arith.muli %add3A, %mul3A_421 : i32
    %add3A_423 = arith.constant 172032 : i32
    %add3A_424 = arith.addi %add3A_423, %mul3A_422 : i32
    %dma_start3A_425 = arith.constant 5376 : i32
    %dma_start3A_426 = tpu.memref_slice %arg5[%dma_start3A_425] : memref<6400xi32, #tpu.memory_space<vmem>> -> memref<128xi32, #tpu.memory_space<vmem>>
    %dma_start3A_427 = tpu.memref_slice %arg3[%add3A_424] : memref<204800xi32, #tpu.memory_space<hbm>> -> memref<128xi32, #tpu.memory_space<hbm>>
    %dma_start3A_428 = arith.constant 5376 : i32
    %dma_start3A_429 = tpu.memref_slice %arg5[%dma_start3A_428] : memref<6400xi32, #tpu.memory_space<vmem>> -> memref<128xi32, #tpu.memory_space<vmem>>
    %dma_start3A_430 = tpu.memref_slice %arg3[%add3A_424] : memref<204800xi32, #tpu.memory_space<hbm>> -> memref<128xi32, #tpu.memory_space<hbm>>
    tpu.enqueue_dma source(%dma_start3A_430 : memref<128xi32, #tpu.memory_space<hbm>>) target(%dma_start3A_429 : memref<128xi32, #tpu.memory_space<vmem>>) target_semaphore(%arg10 : memref<!tpu.dma_semaphore, #tpu.memory_space<semaphore_mem>>)
    %mul3A_431 = arith.constant 128 : i32
    %mul3A_432 = arith.muli %add3A, %mul3A_431 : i32
    %add3A_433 = arith.constant 176128 : i32
    %add3A_434 = arith.addi %add3A_433, %mul3A_432 : i32
    %dma_start3A_435 = arith.constant 5504 : i32
    %dma_start3A_436 = tpu.memref_slice %arg5[%dma_start3A_435] : memref<6400xi32, #tpu.memory_space<vmem>> -> memref<128xi32, #tpu.memory_space<vmem>>
    %dma_start3A_437 = tpu.memref_slice %arg3[%add3A_434] : memref<204800xi32, #tpu.memory_space<hbm>> -> memref<128xi32, #tpu.memory_space<hbm>>
    %dma_start3A_438 = arith.constant 5504 : i32
    %dma_start3A_439 = tpu.memref_slice %arg5[%dma_start3A_438] : memref<6400xi32, #tpu.memory_space<vmem>> -> memref<128xi32, #tpu.memory_space<vmem>>
    %dma_start3A_440 = tpu.memref_slice %arg3[%add3A_434] : memref<204800xi32, #tpu.memory_space<hbm>> -> memref<128xi32, #tpu.memory_space<hbm>>
    tpu.enqueue_dma source(%dma_start3A_440 : memref<128xi32, #tpu.memory_space<hbm>>) target(%dma_start3A_439 : memref<128xi32, #tpu.memory_space<vmem>>) target_semaphore(%arg10 : memref<!tpu.dma_semaphore, #tpu.memory_space<semaphore_mem>>)
    %mul3A_441 = arith.constant 128 : i32
    %mul3A_442 = arith.muli %add3A, %mul3A_441 : i32
    %add3A_443 = arith.constant 180224 : i32
    %add3A_444 = arith.addi %add3A_443, %mul3A_442 : i32
    %dma_start3A_445 = arith.constant 5632 : i32
    %dma_start3A_446 = tpu.memref_slice %arg5[%dma_start3A_445] : memref<6400xi32, #tpu.memory_space<vmem>> -> memref<128xi32, #tpu.memory_space<vmem>>
    %dma_start3A_447 = tpu.memref_slice %arg3[%add3A_444] : memref<204800xi32, #tpu.memory_space<hbm>> -> memref<128xi32, #tpu.memory_space<hbm>>
    %dma_start3A_448 = arith.constant 5632 : i32
    %dma_start3A_449 = tpu.memref_slice %arg5[%dma_start3A_448] : memref<6400xi32, #tpu.memory_space<vmem>> -> memref<128xi32, #tpu.memory_space<vmem>>
    %dma_start3A_450 = tpu.memref_slice %arg3[%add3A_444] : memref<204800xi32, #tpu.memory_space<hbm>> -> memref<128xi32, #tpu.memory_space<hbm>>
    tpu.enqueue_dma source(%dma_start3A_450 : memref<128xi32, #tpu.memory_space<hbm>>) target(%dma_start3A_449 : memref<128xi32, #tpu.memory_space<vmem>>) target_semaphore(%arg10 : memref<!tpu.dma_semaphore, #tpu.memory_space<semaphore_mem>>)
    %mul3A_451 = arith.constant 128 : i32
    %mul3A_452 = arith.muli %add3A, %mul3A_451 : i32
    %add3A_453 = arith.constant 184320 : i32
    %add3A_454 = arith.addi %add3A_453, %mul3A_452 : i32
    %dma_start3A_455 = arith.constant 5760 : i32
    %dma_start3A_456 = tpu.memref_slice %arg5[%dma_start3A_455] : memref<6400xi32, #tpu.memory_space<vmem>> -> memref<128xi32, #tpu.memory_space<vmem>>
    %dma_start3A_457 = tpu.memref_slice %arg3[%add3A_454] : memref<204800xi32, #tpu.memory_space<hbm>> -> memref<128xi32, #tpu.memory_space<hbm>>
    %dma_start3A_458 = arith.constant 5760 : i32
    %dma_start3A_459 = tpu.memref_slice %arg5[%dma_start3A_458] : memref<6400xi32, #tpu.memory_space<vmem>> -> memref<128xi32, #tpu.memory_space<vmem>>
    %dma_start3A_460 = tpu.memref_slice %arg3[%add3A_454] : memref<204800xi32, #tpu.memory_space<hbm>> -> memref<128xi32, #tpu.memory_space<hbm>>
    tpu.enqueue_dma source(%dma_start3A_460 : memref<128xi32, #tpu.memory_space<hbm>>) target(%dma_start3A_459 : memref<128xi32, #tpu.memory_space<vmem>>) target_semaphore(%arg10 : memref<!tpu.dma_semaphore, #tpu.memory_space<semaphore_mem>>)
    %mul3A_461 = arith.constant 128 : i32
    %mul3A_462 = arith.muli %add3A, %mul3A_461 : i32
    %add3A_463 = arith.constant 188416 : i32
    %add3A_464 = arith.addi %add3A_463, %mul3A_462 : i32
    %dma_start3A_465 = arith.constant 5888 : i32
    %dma_start3A_466 = tpu.memref_slice %arg5[%dma_start3A_465] : memref<6400xi32, #tpu.memory_space<vmem>> -> memref<128xi32, #tpu.memory_space<vmem>>
    %dma_start3A_467 = tpu.memref_slice %arg3[%add3A_464] : memref<204800xi32, #tpu.memory_space<hbm>> -> memref<128xi32, #tpu.memory_space<hbm>>
    %dma_start3A_468 = arith.constant 5888 : i32
    %dma_start3A_469 = tpu.memref_slice %arg5[%dma_start3A_468] : memref<6400xi32, #tpu.memory_space<vmem>> -> memref<128xi32, #tpu.memory_space<vmem>>
    %dma_start3A_470 = tpu.memref_slice %arg3[%add3A_464] : memref<204800xi32, #tpu.memory_space<hbm>> -> memref<128xi32, #tpu.memory_space<hbm>>
    tpu.enqueue_dma source(%dma_start3A_470 : memref<128xi32, #tpu.memory_space<hbm>>) target(%dma_start3A_469 : memref<128xi32, #tpu.memory_space<vmem>>) target_semaphore(%arg10 : memref<!tpu.dma_semaphore, #tpu.memory_space<semaphore_mem>>)
    %mul3A_471 = arith.constant 128 : i32
    %mul3A_472 = arith.muli %add3A, %mul3A_471 : i32
    %add3A_473 = arith.constant 192512 : i32
    %add3A_474 = arith.addi %add3A_473, %mul3A_472 : i32
    %dma_start3A_475 = arith.constant 6016 : i32
    %dma_start3A_476 = tpu.memref_slice %arg5[%dma_start3A_475] : memref<6400xi32, #tpu.memory_space<vmem>> -> memref<128xi32, #tpu.memory_space<vmem>>
    %dma_start3A_477 = tpu.memref_slice %arg3[%add3A_474] : memref<204800xi32, #tpu.memory_space<hbm>> -> memref<128xi32, #tpu.memory_space<hbm>>
    %dma_start3A_478 = arith.constant 6016 : i32
    %dma_start3A_479 = tpu.memref_slice %arg5[%dma_start3A_478] : memref<6400xi32, #tpu.memory_space<vmem>> -> memref<128xi32, #tpu.memory_space<vmem>>
    %dma_start3A_480 = tpu.memref_slice %arg3[%add3A_474] : memref<204800xi32, #tpu.memory_space<hbm>> -> memref<128xi32, #tpu.memory_space<hbm>>
    tpu.enqueue_dma source(%dma_start3A_480 : memref<128xi32, #tpu.memory_space<hbm>>) target(%dma_start3A_479 : memref<128xi32, #tpu.memory_space<vmem>>) target_semaphore(%arg10 : memref<!tpu.dma_semaphore, #tpu.memory_space<semaphore_mem>>)
    %mul3A_481 = arith.constant 128 : i32
    %mul3A_482 = arith.muli %add3A, %mul3A_481 : i32
    %add3A_483 = arith.constant 196608 : i32
    %add3A_484 = arith.addi %add3A_483, %mul3A_482 : i32
    %dma_start3A_485 = arith.constant 6144 : i32
    %dma_start3A_486 = tpu.memref_slice %arg5[%dma_start3A_485] : memref<6400xi32, #tpu.memory_space<vmem>> -> memref<128xi32, #tpu.memory_space<vmem>>
    %dma_start3A_487 = tpu.memref_slice %arg3[%add3A_484] : memref<204800xi32, #tpu.memory_space<hbm>> -> memref<128xi32, #tpu.memory_space<hbm>>
    %dma_start3A_488 = arith.constant 6144 : i32
    %dma_start3A_489 = tpu.memref_slice %arg5[%dma_start3A_488] : memref<6400xi32, #tpu.memory_space<vmem>> -> memref<128xi32, #tpu.memory_space<vmem>>
    %dma_start3A_490 = tpu.memref_slice %arg3[%add3A_484] : memref<204800xi32, #tpu.memory_space<hbm>> -> memref<128xi32, #tpu.memory_space<hbm>>
    tpu.enqueue_dma source(%dma_start3A_490 : memref<128xi32, #tpu.memory_space<hbm>>) target(%dma_start3A_489 : memref<128xi32, #tpu.memory_space<vmem>>) target_semaphore(%arg10 : memref<!tpu.dma_semaphore, #tpu.memory_space<semaphore_mem>>)
    %mul3A_491 = arith.constant 128 : i32
    %mul3A_492 = arith.muli %add3A, %mul3A_491 : i32
    %add3A_493 = arith.constant 200704 : i32
    %add3A_494 = arith.addi %add3A_493, %mul3A_492 : i32
    %dma_start3A_495 = arith.constant 6272 : i32
    %dma_start3A_496 = tpu.memref_slice %arg5[%dma_start3A_495] : memref<6400xi32, #tpu.memory_space<vmem>> -> memref<128xi32, #tpu.memory_space<vmem>>
    %dma_start3A_497 = tpu.memref_slice %arg3[%add3A_494] : memref<204800xi32, #tpu.memory_space<hbm>> -> memref<128xi32, #tpu.memory_space<hbm>>
    %dma_start3A_498 = arith.constant 6272 : i32
    %dma_start3A_499 = tpu.memref_slice %arg5[%dma_start3A_498] : memref<6400xi32, #tpu.memory_space<vmem>> -> memref<128xi32, #tpu.memory_space<vmem>>
    %dma_start3A_500 = tpu.memref_slice %arg3[%add3A_494] : memref<204800xi32, #tpu.memory_space<hbm>> -> memref<128xi32, #tpu.memory_space<hbm>>
    tpu.enqueue_dma source(%dma_start3A_500 : memref<128xi32, #tpu.memory_space<hbm>>) target(%dma_start3A_499 : memref<128xi32, #tpu.memory_space<vmem>>) target_semaphore(%arg10 : memref<!tpu.dma_semaphore, #tpu.memory_space<semaphore_mem>>)
    %dma_wait3A = arith.constant 0 : i32
    %dma_wait3A_501 = tpu.memref_slice %arg3[%dma_wait3A] : memref<204800xi32, #tpu.memory_space<hbm>> -> memref<6400xi32, #tpu.memory_space<hbm>>
    %dma_wait3A_502 = arith.constant 0 : i32
    %dma_wait3A_503 = tpu.memref_slice %arg3[%dma_wait3A_502] : memref<204800xi32, #tpu.memory_space<hbm>> -> memref<6400xi32, #tpu.memory_space<hbm>>
    tpu.wait_dma2 semaphore(%arg10 : memref<!tpu.dma_semaphore, #tpu.memory_space<semaphore_mem>>) src(%dma_wait3A_503 : memref<6400xi32, #tpu.memory_space<hbm>>) dst(%arg5 : memref<6400xi32, #tpu.memory_space<vmem>>)
    %dma_start3A_504 = arith.constant 0 : i32
    %dma_start3A_505 = tpu.memref_slice %arg5[%dma_start3A_504] : memref<6400xi32, #tpu.memory_space<vmem>> -> memref<128xi32, #tpu.memory_space<vmem>>
    %dma_start3A_506 = arith.constant 0 : i32
    %dma_start3A_507 = arith.constant 0 : i32
    %dma_start3A_508 = tpu.memref_slice %arg2[%dma_start3A_506, %dma_start3A_507] : memref<100000x64xf32, #tpu.memory_space<hbm>> -> memref<100000x64xf32, #tpu.memory_space<hbm>>
    tpu.enqueue_indirect_dma source(%dma_start3A_508 : memref<100000x64xf32, #tpu.memory_space<hbm>>) target(%arg6 : memref<128x64xf32, #tpu.memory_space<vmem>>) offsets(%dma_start3A_505 : memref<128xi32, #tpu.memory_space<vmem>>) semaphore(%arg11 : memref<!tpu.dma_semaphore, #tpu.memory_space<semaphore_mem>>)
    %add3A_509 = arith.constant 0 : i32
    %add3A_510 = arith.addi %add3A_509, %add3A : i32
    %mul3A_511 = arith.constant 8 : i32
    %mul3A_512 = arith.muli %add3A_510, %mul3A_511 : i32
    %dma_start3A_513 = arith.constant 0 : i32
    %dma_start3A_514 = arith.constant 0 : i32
    %dma_start3A_515 = tpu.memref_slice %arg8[%dma_start3A_513, %dma_start3A_514] : memref<64x128xf32, #tpu.memory_space<vmem>> -> memref<8x128xf32, #tpu.memory_space<vmem>>
    %dma_start3A_516 = arith.constant 0 : i32
    %dma_start3A_517 = tpu.memref_slice %arg4[%mul3A_512, %dma_start3A_516] : memref<102400x128xf32, #tpu.memory_space<hbm>> -> memref<8x128xf32, #tpu.memory_space<hbm>>
    %dma_start3A_518 = arith.constant 0 : i32
    %dma_start3A_519 = tpu.memref_slice %arg4[%mul3A_512, %dma_start3A_518] : memref<102400x128xf32, #tpu.memory_space<hbm>> -> memref<8x128xf32, #tpu.memory_space<hbm>>
    %dma_start3A_520 = arith.constant 0 : i32
    %dma_start3A_521 = arith.constant 0 : i32
    %dma_start3A_522 = tpu.memref_slice %arg8[%dma_start3A_520, %dma_start3A_521] : memref<64x128xf32, #tpu.memory_space<vmem>> -> memref<8x128xf32, #tpu.memory_space<vmem>>
    tpu.enqueue_dma source(%dma_start3A_522 : memref<8x128xf32, #tpu.memory_space<vmem>>) target(%dma_start3A_519 : memref<8x128xf32, #tpu.memory_space<hbm>>) target_semaphore(%arg13 : memref<!tpu.dma_semaphore, #tpu.memory_space<semaphore_mem>>)
    %add3A_523 = arith.constant 32 : i32
    %add3A_524 = arith.addi %add3A_523, %add3A : i32
    %mul3A_525 = arith.constant 8 : i32
    %mul3A_526 = arith.muli %add3A_524, %mul3A_525 : i32
    %dma_start3A_527 = arith.constant 8 : i32
    %dma_start3A_528 = arith.constant 0 : i32
    %dma_start3A_529 = tpu.memref_slice %arg8[%dma_start3A_527, %dma_start3A_528] : memref<64x128xf32, #tpu.memory_space<vmem>> -> memref<8x128xf32, #tpu.memory_space<vmem>>
    %dma_start3A_530 = arith.constant 0 : i32
    %dma_start3A_531 = tpu.memref_slice %arg4[%mul3A_526, %dma_start3A_530] : memref<102400x128xf32, #tpu.memory_space<hbm>> -> memref<8x128xf32, #tpu.memory_space<hbm>>
    %dma_start3A_532 = arith.constant 0 : i32
    %dma_start3A_533 = tpu.memref_slice %arg4[%mul3A_526, %dma_start3A_532] : memref<102400x128xf32, #tpu.memory_space<hbm>> -> memref<8x128xf32, #tpu.memory_space<hbm>>
    %dma_start3A_534 = arith.constant 8 : i32
    %dma_start3A_535 = arith.constant 0 : i32
    %dma_start3A_536 = tpu.memref_slice %arg8[%dma_start3A_534, %dma_start3A_535] : memref<64x128xf32, #tpu.memory_space<vmem>> -> memref<8x128xf32, #tpu.memory_space<vmem>>
    tpu.enqueue_dma source(%dma_start3A_536 : memref<8x128xf32, #tpu.memory_space<vmem>>) target(%dma_start3A_533 : memref<8x128xf32, #tpu.memory_space<hbm>>) target_semaphore(%arg13 : memref<!tpu.dma_semaphore, #tpu.memory_space<semaphore_mem>>)
    %add3A_537 = arith.constant 64 : i32
    %add3A_538 = arith.addi %add3A_537, %add3A : i32
    %mul3A_539 = arith.constant 8 : i32
    %mul3A_540 = arith.muli %add3A_538, %mul3A_539 : i32
    %dma_start3A_541 = arith.constant 16 : i32
    %dma_start3A_542 = arith.constant 0 : i32
    %dma_start3A_543 = tpu.memref_slice %arg8[%dma_start3A_541, %dma_start3A_542] : memref<64x128xf32, #tpu.memory_space<vmem>> -> memref<8x128xf32, #tpu.memory_space<vmem>>
    %dma_start3A_544 = arith.constant 0 : i32
    %dma_start3A_545 = tpu.memref_slice %arg4[%mul3A_540, %dma_start3A_544] : memref<102400x128xf32, #tpu.memory_space<hbm>> -> memref<8x128xf32, #tpu.memory_space<hbm>>
    %dma_start3A_546 = arith.constant 0 : i32
    %dma_start3A_547 = tpu.memref_slice %arg4[%mul3A_540, %dma_start3A_546] : memref<102400x128xf32, #tpu.memory_space<hbm>> -> memref<8x128xf32, #tpu.memory_space<hbm>>
    %dma_start3A_548 = arith.constant 16 : i32
    %dma_start3A_549 = arith.constant 0 : i32
    %dma_start3A_550 = tpu.memref_slice %arg8[%dma_start3A_548, %dma_start3A_549] : memref<64x128xf32, #tpu.memory_space<vmem>> -> memref<8x128xf32, #tpu.memory_space<vmem>>
    tpu.enqueue_dma source(%dma_start3A_550 : memref<8x128xf32, #tpu.memory_space<vmem>>) target(%dma_start3A_547 : memref<8x128xf32, #tpu.memory_space<hbm>>) target_semaphore(%arg13 : memref<!tpu.dma_semaphore, #tpu.memory_space<semaphore_mem>>)
    %add3A_551 = arith.constant 96 : i32
    %add3A_552 = arith.addi %add3A_551, %add3A : i32
    %mul3A_553 = arith.constant 8 : i32
    %mul3A_554 = arith.muli %add3A_552, %mul3A_553 : i32
    %dma_start3A_555 = arith.constant 24 : i32
    %dma_start3A_556 = arith.constant 0 : i32
    %dma_start3A_557 = tpu.memref_slice %arg8[%dma_start3A_555, %dma_start3A_556] : memref<64x128xf32, #tpu.memory_space<vmem>> -> memref<8x128xf32, #tpu.memory_space<vmem>>
    %dma_start3A_558 = arith.constant 0 : i32
    %dma_start3A_559 = tpu.memref_slice %arg4[%mul3A_554, %dma_start3A_558] : memref<102400x128xf32, #tpu.memory_space<hbm>> -> memref<8x128xf32, #tpu.memory_space<hbm>>
    %dma_start3A_560 = arith.constant 0 : i32
    %dma_start3A_561 = tpu.memref_slice %arg4[%mul3A_554, %dma_start3A_560] : memref<102400x128xf32, #tpu.memory_space<hbm>> -> memref<8x128xf32, #tpu.memory_space<hbm>>
    %dma_start3A_562 = arith.constant 24 : i32
    %dma_start3A_563 = arith.constant 0 : i32
    %dma_start3A_564 = tpu.memref_slice %arg8[%dma_start3A_562, %dma_start3A_563] : memref<64x128xf32, #tpu.memory_space<vmem>> -> memref<8x128xf32, #tpu.memory_space<vmem>>
    tpu.enqueue_dma source(%dma_start3A_564 : memref<8x128xf32, #tpu.memory_space<vmem>>) target(%dma_start3A_561 : memref<8x128xf32, #tpu.memory_space<hbm>>) target_semaphore(%arg13 : memref<!tpu.dma_semaphore, #tpu.memory_space<semaphore_mem>>)
    %add3A_565 = arith.constant 128 : i32
    %add3A_566 = arith.addi %add3A_565, %add3A : i32
    %mul3A_567 = arith.constant 8 : i32
    %mul3A_568 = arith.muli %add3A_566, %mul3A_567 : i32
    %dma_start3A_569 = arith.constant 32 : i32
    %dma_start3A_570 = arith.constant 0 : i32
    %dma_start3A_571 = tpu.memref_slice %arg8[%dma_start3A_569, %dma_start3A_570] : memref<64x128xf32, #tpu.memory_space<vmem>> -> memref<8x128xf32, #tpu.memory_space<vmem>>
    %dma_start3A_572 = arith.constant 0 : i32
    %dma_start3A_573 = tpu.memref_slice %arg4[%mul3A_568, %dma_start3A_572] : memref<102400x128xf32, #tpu.memory_space<hbm>> -> memref<8x128xf32, #tpu.memory_space<hbm>>
    %dma_start3A_574 = arith.constant 0 : i32
    %dma_start3A_575 = tpu.memref_slice %arg4[%mul3A_568, %dma_start3A_574] : memref<102400x128xf32, #tpu.memory_space<hbm>> -> memref<8x128xf32, #tpu.memory_space<hbm>>
    %dma_start3A_576 = arith.constant 32 : i32
    %dma_start3A_577 = arith.constant 0 : i32
    %dma_start3A_578 = tpu.memref_slice %arg8[%dma_start3A_576, %dma_start3A_577] : memref<64x128xf32, #tpu.memory_space<vmem>> -> memref<8x128xf32, #tpu.memory_space<vmem>>
    tpu.enqueue_dma source(%dma_start3A_578 : memref<8x128xf32, #tpu.memory_space<vmem>>) target(%dma_start3A_575 : memref<8x128xf32, #tpu.memory_space<hbm>>) target_semaphore(%arg13 : memref<!tpu.dma_semaphore, #tpu.memory_space<semaphore_mem>>)
    %add3A_579 = arith.constant 160 : i32
    %add3A_580 = arith.addi %add3A_579, %add3A : i32
    %mul3A_581 = arith.constant 8 : i32
    %mul3A_582 = arith.muli %add3A_580, %mul3A_581 : i32
    %dma_start3A_583 = arith.constant 40 : i32
    %dma_start3A_584 = arith.constant 0 : i32
    %dma_start3A_585 = tpu.memref_slice %arg8[%dma_start3A_583, %dma_start3A_584] : memref<64x128xf32, #tpu.memory_space<vmem>> -> memref<8x128xf32, #tpu.memory_space<vmem>>
    %dma_start3A_586 = arith.constant 0 : i32
    %dma_start3A_587 = tpu.memref_slice %arg4[%mul3A_582, %dma_start3A_586] : memref<102400x128xf32, #tpu.memory_space<hbm>> -> memref<8x128xf32, #tpu.memory_space<hbm>>
    %dma_start3A_588 = arith.constant 0 : i32
    %dma_start3A_589 = tpu.memref_slice %arg4[%mul3A_582, %dma_start3A_588] : memref<102400x128xf32, #tpu.memory_space<hbm>> -> memref<8x128xf32, #tpu.memory_space<hbm>>
    %dma_start3A_590 = arith.constant 40 : i32
    %dma_start3A_591 = arith.constant 0 : i32
    %dma_start3A_592 = tpu.memref_slice %arg8[%dma_start3A_590, %dma_start3A_591] : memref<64x128xf32, #tpu.memory_space<vmem>> -> memref<8x128xf32, #tpu.memory_space<vmem>>
    tpu.enqueue_dma source(%dma_start3A_592 : memref<8x128xf32, #tpu.memory_space<vmem>>) target(%dma_start3A_589 : memref<8x128xf32, #tpu.memory_space<hbm>>) target_semaphore(%arg13 : memref<!tpu.dma_semaphore, #tpu.memory_space<semaphore_mem>>)
    %add3A_593 = arith.constant 192 : i32
    %add3A_594 = arith.addi %add3A_593, %add3A : i32
    %mul3A_595 = arith.constant 8 : i32
    %mul3A_596 = arith.muli %add3A_594, %mul3A_595 : i32
    %dma_start3A_597 = arith.constant 48 : i32
    %dma_start3A_598 = arith.constant 0 : i32
    %dma_start3A_599 = tpu.memref_slice %arg8[%dma_start3A_597, %dma_start3A_598] : memref<64x128xf32, #tpu.memory_space<vmem>> -> memref<8x128xf32, #tpu.memory_space<vmem>>
    %dma_start3A_600 = arith.constant 0 : i32
    %dma_start3A_601 = tpu.memref_slice %arg4[%mul3A_596, %dma_start3A_600] : memref<102400x128xf32, #tpu.memory_space<hbm>> -> memref<8x128xf32, #tpu.memory_space<hbm>>
    %dma_start3A_602 = arith.constant 0 : i32
    %dma_start3A_603 = tpu.memref_slice %arg4[%mul3A_596, %dma_start3A_602] : memref<102400x128xf32, #tpu.memory_space<hbm>> -> memref<8x128xf32, #tpu.memory_space<hbm>>
    %dma_start3A_604 = arith.constant 48 : i32
    %dma_start3A_605 = arith.constant 0 : i32
    %dma_start3A_606 = tpu.memref_slice %arg8[%dma_start3A_604, %dma_start3A_605] : memref<64x128xf32, #tpu.memory_space<vmem>> -> memref<8x128xf32, #tpu.memory_space<vmem>>
    tpu.enqueue_dma source(%dma_start3A_606 : memref<8x128xf32, #tpu.memory_space<vmem>>) target(%dma_start3A_603 : memref<8x128xf32, #tpu.memory_space<hbm>>) target_semaphore(%arg13 : memref<!tpu.dma_semaphore, #tpu.memory_space<semaphore_mem>>)
    %add3A_607 = arith.constant 224 : i32
    %add3A_608 = arith.addi %add3A_607, %add3A : i32
    %mul3A_609 = arith.constant 8 : i32
    %mul3A_610 = arith.muli %add3A_608, %mul3A_609 : i32
    %dma_start3A_611 = arith.constant 56 : i32
    %dma_start3A_612 = arith.constant 0 : i32
    %dma_start3A_613 = tpu.memref_slice %arg8[%dma_start3A_611, %dma_start3A_612] : memref<64x128xf32, #tpu.memory_space<vmem>> -> memref<8x128xf32, #tpu.memory_space<vmem>>
    %dma_start3A_614 = arith.constant 0 : i32
    %dma_start3A_615 = tpu.memref_slice %arg4[%mul3A_610, %dma_start3A_614] : memref<102400x128xf32, #tpu.memory_space<hbm>> -> memref<8x128xf32, #tpu.memory_space<hbm>>
    %dma_start3A_616 = arith.constant 0 : i32
    %dma_start3A_617 = tpu.memref_slice %arg4[%mul3A_610, %dma_start3A_616] : memref<102400x128xf32, #tpu.memory_space<hbm>> -> memref<8x128xf32, #tpu.memory_space<hbm>>
    %dma_start3A_618 = arith.constant 56 : i32
    %dma_start3A_619 = arith.constant 0 : i32
    %dma_start3A_620 = tpu.memref_slice %arg8[%dma_start3A_618, %dma_start3A_619] : memref<64x128xf32, #tpu.memory_space<vmem>> -> memref<8x128xf32, #tpu.memory_space<vmem>>
    tpu.enqueue_dma source(%dma_start3A_620 : memref<8x128xf32, #tpu.memory_space<vmem>>) target(%dma_start3A_617 : memref<8x128xf32, #tpu.memory_space<hbm>>) target_semaphore(%arg13 : memref<!tpu.dma_semaphore, #tpu.memory_space<semaphore_mem>>)
    %add3A_621 = arith.constant 256 : i32
    %add3A_622 = arith.addi %add3A_621, %add3A : i32
    %mul3A_623 = arith.constant 8 : i32
    %mul3A_624 = arith.muli %add3A_622, %mul3A_623 : i32
    %dma_start3A_625 = arith.constant 0 : i32
    %dma_start3A_626 = arith.constant 0 : i32
    %dma_start3A_627 = tpu.memref_slice %arg9[%dma_start3A_625, %dma_start3A_626] : memref<64x128xf32, #tpu.memory_space<vmem>> -> memref<8x128xf32, #tpu.memory_space<vmem>>
    %dma_start3A_628 = arith.constant 0 : i32
    %dma_start3A_629 = tpu.memref_slice %arg4[%mul3A_624, %dma_start3A_628] : memref<102400x128xf32, #tpu.memory_space<hbm>> -> memref<8x128xf32, #tpu.memory_space<hbm>>
    %dma_start3A_630 = arith.constant 0 : i32
    %dma_start3A_631 = tpu.memref_slice %arg4[%mul3A_624, %dma_start3A_630] : memref<102400x128xf32, #tpu.memory_space<hbm>> -> memref<8x128xf32, #tpu.memory_space<hbm>>
    %dma_start3A_632 = arith.constant 0 : i32
    %dma_start3A_633 = arith.constant 0 : i32
    %dma_start3A_634 = tpu.memref_slice %arg9[%dma_start3A_632, %dma_start3A_633] : memref<64x128xf32, #tpu.memory_space<vmem>> -> memref<8x128xf32, #tpu.memory_space<vmem>>
    tpu.enqueue_dma source(%dma_start3A_634 : memref<8x128xf32, #tpu.memory_space<vmem>>) target(%dma_start3A_631 : memref<8x128xf32, #tpu.memory_space<hbm>>) target_semaphore(%arg14 : memref<!tpu.dma_semaphore, #tpu.memory_space<semaphore_mem>>)
    %add3A_635 = arith.constant 288 : i32
    %add3A_636 = arith.addi %add3A_635, %add3A : i32
    %mul3A_637 = arith.constant 8 : i32
    %mul3A_638 = arith.muli %add3A_636, %mul3A_637 : i32
    %dma_start3A_639 = arith.constant 8 : i32
    %dma_start3A_640 = arith.constant 0 : i32
    %dma_start3A_641 = tpu.memref_slice %arg9[%dma_start3A_639, %dma_start3A_640] : memref<64x128xf32, #tpu.memory_space<vmem>> -> memref<8x128xf32, #tpu.memory_space<vmem>>
    %dma_start3A_642 = arith.constant 0 : i32
    %dma_start3A_643 = tpu.memref_slice %arg4[%mul3A_638, %dma_start3A_642] : memref<102400x128xf32, #tpu.memory_space<hbm>> -> memref<8x128xf32, #tpu.memory_space<hbm>>
    %dma_start3A_644 = arith.constant 0 : i32
    %dma_start3A_645 = tpu.memref_slice %arg4[%mul3A_638, %dma_start3A_644] : memref<102400x128xf32, #tpu.memory_space<hbm>> -> memref<8x128xf32, #tpu.memory_space<hbm>>
    %dma_start3A_646 = arith.constant 8 : i32
    %dma_start3A_647 = arith.constant 0 : i32
    %dma_start3A_648 = tpu.memref_slice %arg9[%dma_start3A_646, %dma_start3A_647] : memref<64x128xf32, #tpu.memory_space<vmem>> -> memref<8x128xf32, #tpu.memory_space<vmem>>
    tpu.enqueue_dma source(%dma_start3A_648 : memref<8x128xf32, #tpu.memory_space<vmem>>) target(%dma_start3A_645 : memref<8x128xf32, #tpu.memory_space<hbm>>) target_semaphore(%arg14 : memref<!tpu.dma_semaphore, #tpu.memory_space<semaphore_mem>>)
    %add3A_649 = arith.constant 320 : i32
    %add3A_650 = arith.addi %add3A_649, %add3A : i32
    %mul3A_651 = arith.constant 8 : i32
    %mul3A_652 = arith.muli %add3A_650, %mul3A_651 : i32
    %dma_start3A_653 = arith.constant 16 : i32
    %dma_start3A_654 = arith.constant 0 : i32
    %dma_start3A_655 = tpu.memref_slice %arg9[%dma_start3A_653, %dma_start3A_654] : memref<64x128xf32, #tpu.memory_space<vmem>> -> memref<8x128xf32, #tpu.memory_space<vmem>>
    %dma_start3A_656 = arith.constant 0 : i32
    %dma_start3A_657 = tpu.memref_slice %arg4[%mul3A_652, %dma_start3A_656] : memref<102400x128xf32, #tpu.memory_space<hbm>> -> memref<8x128xf32, #tpu.memory_space<hbm>>
    %dma_start3A_658 = arith.constant 0 : i32
    %dma_start3A_659 = tpu.memref_slice %arg4[%mul3A_652, %dma_start3A_658] : memref<102400x128xf32, #tpu.memory_space<hbm>> -> memref<8x128xf32, #tpu.memory_space<hbm>>
    %dma_start3A_660 = arith.constant 16 : i32
    %dma_start3A_661 = arith.constant 0 : i32
    %dma_start3A_662 = tpu.memref_slice %arg9[%dma_start3A_660, %dma_start3A_661] : memref<64x128xf32, #tpu.memory_space<vmem>> -> memref<8x128xf32, #tpu.memory_space<vmem>>
    tpu.enqueue_dma source(%dma_start3A_662 : memref<8x128xf32, #tpu.memory_space<vmem>>) target(%dma_start3A_659 : memref<8x128xf32, #tpu.memory_space<hbm>>) target_semaphore(%arg14 : memref<!tpu.dma_semaphore, #tpu.memory_space<semaphore_mem>>)
    %add3A_663 = arith.constant 352 : i32
    %add3A_664 = arith.addi %add3A_663, %add3A : i32
    %mul3A_665 = arith.constant 8 : i32
    %mul3A_666 = arith.muli %add3A_664, %mul3A_665 : i32
    %dma_start3A_667 = arith.constant 24 : i32
    %dma_start3A_668 = arith.constant 0 : i32
    %dma_start3A_669 = tpu.memref_slice %arg9[%dma_start3A_667, %dma_start3A_668] : memref<64x128xf32, #tpu.memory_space<vmem>> -> memref<8x128xf32, #tpu.memory_space<vmem>>
    %dma_start3A_670 = arith.constant 0 : i32
    %dma_start3A_671 = tpu.memref_slice %arg4[%mul3A_666, %dma_start3A_670] : memref<102400x128xf32, #tpu.memory_space<hbm>> -> memref<8x128xf32, #tpu.memory_space<hbm>>
    %dma_start3A_672 = arith.constant 0 : i32
    %dma_start3A_673 = tpu.memref_slice %arg4[%mul3A_666, %dma_start3A_672] : memref<102400x128xf32, #tpu.memory_space<hbm>> -> memref<8x128xf32, #tpu.memory_space<hbm>>
    %dma_start3A_674 = arith.constant 24 : i32
    %dma_start3A_675 = arith.constant 0 : i32
    %dma_start3A_676 = tpu.memref_slice %arg9[%dma_start3A_674, %dma_start3A_675] : memref<64x128xf32, #tpu.memory_space<vmem>> -> memref<8x128xf32, #tpu.memory_space<vmem>>
    tpu.enqueue_dma source(%dma_start3A_676 : memref<8x128xf32, #tpu.memory_space<vmem>>) target(%dma_start3A_673 : memref<8x128xf32, #tpu.memory_space<hbm>>) target_semaphore(%arg14 : memref<!tpu.dma_semaphore, #tpu.memory_space<semaphore_mem>>)
    %add3A_677 = arith.constant 384 : i32
    %add3A_678 = arith.addi %add3A_677, %add3A : i32
    %mul3A_679 = arith.constant 8 : i32
    %mul3A_680 = arith.muli %add3A_678, %mul3A_679 : i32
    %dma_start3A_681 = arith.constant 32 : i32
    %dma_start3A_682 = arith.constant 0 : i32
    %dma_start3A_683 = tpu.memref_slice %arg9[%dma_start3A_681, %dma_start3A_682] : memref<64x128xf32, #tpu.memory_space<vmem>> -> memref<8x128xf32, #tpu.memory_space<vmem>>
    %dma_start3A_684 = arith.constant 0 : i32
    %dma_start3A_685 = tpu.memref_slice %arg4[%mul3A_680, %dma_start3A_684] : memref<102400x128xf32, #tpu.memory_space<hbm>> -> memref<8x128xf32, #tpu.memory_space<hbm>>
    %dma_start3A_686 = arith.constant 0 : i32
    %dma_start3A_687 = tpu.memref_slice %arg4[%mul3A_680, %dma_start3A_686] : memref<102400x128xf32, #tpu.memory_space<hbm>> -> memref<8x128xf32, #tpu.memory_space<hbm>>
    %dma_start3A_688 = arith.constant 32 : i32
    %dma_start3A_689 = arith.constant 0 : i32
    %dma_start3A_690 = tpu.memref_slice %arg9[%dma_start3A_688, %dma_start3A_689] : memref<64x128xf32, #tpu.memory_space<vmem>> -> memref<8x128xf32, #tpu.memory_space<vmem>>
    tpu.enqueue_dma source(%dma_start3A_690 : memref<8x128xf32, #tpu.memory_space<vmem>>) target(%dma_start3A_687 : memref<8x128xf32, #tpu.memory_space<hbm>>) target_semaphore(%arg14 : memref<!tpu.dma_semaphore, #tpu.memory_space<semaphore_mem>>)
    %add3A_691 = arith.constant 416 : i32
    %add3A_692 = arith.addi %add3A_691, %add3A : i32
    %mul3A_693 = arith.constant 8 : i32
    %mul3A_694 = arith.muli %add3A_692, %mul3A_693 : i32
    %dma_start3A_695 = arith.constant 40 : i32
    %dma_start3A_696 = arith.constant 0 : i32
    %dma_start3A_697 = tpu.memref_slice %arg9[%dma_start3A_695, %dma_start3A_696] : memref<64x128xf32, #tpu.memory_space<vmem>> -> memref<8x128xf32, #tpu.memory_space<vmem>>
    %dma_start3A_698 = arith.constant 0 : i32
    %dma_start3A_699 = tpu.memref_slice %arg4[%mul3A_694, %dma_start3A_698] : memref<102400x128xf32, #tpu.memory_space<hbm>> -> memref<8x128xf32, #tpu.memory_space<hbm>>
    %dma_start3A_700 = arith.constant 0 : i32
    %dma_start3A_701 = tpu.memref_slice %arg4[%mul3A_694, %dma_start3A_700] : memref<102400x128xf32, #tpu.memory_space<hbm>> -> memref<8x128xf32, #tpu.memory_space<hbm>>
    %dma_start3A_702 = arith.constant 40 : i32
    %dma_start3A_703 = arith.constant 0 : i32
    %dma_start3A_704 = tpu.memref_slice %arg9[%dma_start3A_702, %dma_start3A_703] : memref<64x128xf32, #tpu.memory_space<vmem>> -> memref<8x128xf32, #tpu.memory_space<vmem>>
    tpu.enqueue_dma source(%dma_start3A_704 : memref<8x128xf32, #tpu.memory_space<vmem>>) target(%dma_start3A_701 : memref<8x128xf32, #tpu.memory_space<hbm>>) target_semaphore(%arg14 : memref<!tpu.dma_semaphore, #tpu.memory_space<semaphore_mem>>)
    %add3A_705 = arith.constant 448 : i32
    %add3A_706 = arith.addi %add3A_705, %add3A : i32
    %mul3A_707 = arith.constant 8 : i32
    %mul3A_708 = arith.muli %add3A_706, %mul3A_707 : i32
    %dma_start3A_709 = arith.constant 48 : i32
    %dma_start3A_710 = arith.constant 0 : i32
    %dma_start3A_711 = tpu.memref_slice %arg9[%dma_start3A_709, %dma_start3A_710] : memref<64x128xf32, #tpu.memory_space<vmem>> -> memref<8x128xf32, #tpu.memory_space<vmem>>
    %dma_start3A_712 = arith.constant 0 : i32
    %dma_start3A_713 = tpu.memref_slice %arg4[%mul3A_708, %dma_start3A_712] : memref<102400x128xf32, #tpu.memory_space<hbm>> -> memref<8x128xf32, #tpu.memory_space<hbm>>
    %dma_start3A_714 = arith.constant 0 : i32
    %dma_start3A_715 = tpu.memref_slice %arg4[%mul3A_708, %dma_start3A_714] : memref<102400x128xf32, #tpu.memory_space<hbm>> -> memref<8x128xf32, #tpu.memory_space<hbm>>
    %dma_start3A_716 = arith.constant 48 : i32
    %dma_start3A_717 = arith.constant 0 : i32
    %dma_start3A_718 = tpu.memref_slice %arg9[%dma_start3A_716, %dma_start3A_717] : memref<64x128xf32, #tpu.memory_space<vmem>> -> memref<8x128xf32, #tpu.memory_space<vmem>>
    tpu.enqueue_dma source(%dma_start3A_718 : memref<8x128xf32, #tpu.memory_space<vmem>>) target(%dma_start3A_715 : memref<8x128xf32, #tpu.memory_space<hbm>>) target_semaphore(%arg14 : memref<!tpu.dma_semaphore, #tpu.memory_space<semaphore_mem>>)
    %add3A_719 = arith.constant 480 : i32
    %add3A_720 = arith.addi %add3A_719, %add3A : i32
    %mul3A_721 = arith.constant 8 : i32
    %mul3A_722 = arith.muli %add3A_720, %mul3A_721 : i32
    %dma_start3A_723 = arith.constant 56 : i32
    %dma_start3A_724 = arith.constant 0 : i32
    %dma_start3A_725 = tpu.memref_slice %arg9[%dma_start3A_723, %dma_start3A_724] : memref<64x128xf32, #tpu.memory_space<vmem>> -> memref<8x128xf32, #tpu.memory_space<vmem>>
    %dma_start3A_726 = arith.constant 0 : i32
    %dma_start3A_727 = tpu.memref_slice %arg4[%mul3A_722, %dma_start3A_726] : memref<102400x128xf32, #tpu.memory_space<hbm>> -> memref<8x128xf32, #tpu.memory_space<hbm>>
    %dma_start3A_728 = arith.constant 0 : i32
    %dma_start3A_729 = tpu.memref_slice %arg4[%mul3A_722, %dma_start3A_728] : memref<102400x128xf32, #tpu.memory_space<hbm>> -> memref<8x128xf32, #tpu.memory_space<hbm>>
    %dma_start3A_730 = arith.constant 56 : i32
    %dma_start3A_731 = arith.constant 0 : i32
    %dma_start3A_732 = tpu.memref_slice %arg9[%dma_start3A_730, %dma_start3A_731] : memref<64x128xf32, #tpu.memory_space<vmem>> -> memref<8x128xf32, #tpu.memory_space<vmem>>
    tpu.enqueue_dma source(%dma_start3A_732 : memref<8x128xf32, #tpu.memory_space<vmem>>) target(%dma_start3A_729 : memref<8x128xf32, #tpu.memory_space<hbm>>) target_semaphore(%arg14 : memref<!tpu.dma_semaphore, #tpu.memory_space<semaphore_mem>>)
    %scan3A = arith.constant 0 : i32
    %scan3A_733 = arith.constant 0 : i32
    %scan3A_734 = arith.constant 25 : i32
    %scan3A_735 = arith.addi %scan3A_733, %scan3A_734 : i32
    %scan3A_736 = arith.constant 1 : i32
    scf.for %scan3A_755 = %scan3A_733 to %scan3A_735 step %scan3A_736  : i32 {
      %mul3A_756 = arith.constant 2 : i32
      %mul3A_757 = arith.muli %mul3A_756, %scan3A_755 : i32
      %add3A_758 = arith.constant 1 : i32
      %add3A_759 = arith.addi %mul3A_757, %add3A_758 : i32
      %mul3A_760 = arith.constant 128 : i32
      %mul3A_761 = arith.muli %add3A_759, %mul3A_760 : i32
      %dma_start3A_762 = tpu.memref_slice %arg5[%mul3A_761] : memref<6400xi32, #tpu.memory_space<vmem>> -> memref<128xi32, #tpu.memory_space<vmem>>
      %dma_start3A_763 = arith.constant 0 : i32
      %dma_start3A_764 = arith.constant 0 : i32
      %dma_start3A_765 = tpu.memref_slice %arg2[%dma_start3A_763, %dma_start3A_764] : memref<100000x64xf32, #tpu.memory_space<hbm>> -> memref<100000x64xf32, #tpu.memory_space<hbm>>
      tpu.enqueue_indirect_dma source(%dma_start3A_765 : memref<100000x64xf32, #tpu.memory_space<hbm>>) target(%arg7 : memref<128x64xf32, #tpu.memory_space<vmem>>) offsets(%dma_start3A_762 : memref<128xi32, #tpu.memory_space<vmem>>) semaphore(%arg12 : memref<!tpu.dma_semaphore, #tpu.memory_space<semaphore_mem>>)
      %dma_wait3A_766 = arith.constant 0 : i32
      %dma_wait3A_767 = tpu.memref_slice %arg5[%dma_wait3A_766] : memref<6400xi32, #tpu.memory_space<vmem>> -> memref<128xi32, #tpu.memory_space<vmem>>
      %dma_wait3A_768 = arith.constant 0 : i32
      %dma_wait3A_769 = arith.constant 0 : i32
      %dma_wait3A_770 = tpu.memref_slice %arg2[%dma_wait3A_768, %dma_wait3A_769] : memref<100000x64xf32, #tpu.memory_space<hbm>> -> memref<100000x64xf32, #tpu.memory_space<hbm>>
      tpu.wait_indirect_dma semaphore(%arg11 : memref<!tpu.dma_semaphore, #tpu.memory_space<semaphore_mem>>) src(%dma_wait3A_770 : memref<100000x64xf32, #tpu.memory_space<hbm>>) dst(%arg6 : memref<128x64xf32, #tpu.memory_space<vmem>>)
      %dma_wait3A_771 = arith.constant 0 : i32
      %dma_wait3A_772 = arith.constant 0 : i32
      %dma_wait3A_773 = tpu.memref_slice %arg4[%dma_wait3A_771, %dma_wait3A_772] : memref<102400x128xf32, #tpu.memory_space<hbm>> -> memref<64x128xf32, #tpu.memory_space<hbm>>
      %dma_wait3A_774 = arith.constant 0 : i32
      %dma_wait3A_775 = arith.constant 0 : i32
      %dma_wait3A_776 = tpu.memref_slice %arg4[%dma_wait3A_774, %dma_wait3A_775] : memref<102400x128xf32, #tpu.memory_space<hbm>> -> memref<64x128xf32, #tpu.memory_space<hbm>>
      tpu.wait_dma2 semaphore(%arg13 : memref<!tpu.dma_semaphore, #tpu.memory_space<semaphore_mem>>) src(%arg8 : memref<64x128xf32, #tpu.memory_space<vmem>>) dst(%dma_wait3A_776 : memref<64x128xf32, #tpu.memory_space<hbm>>)
      %parallel_loop3A = arith.constant 0 : i32
      %parallel_loop3A_777 = arith.constant 8 : i32
      %parallel_loop3A_778 = arith.constant 1 : i32
      scf.for %parallel_loop3A_1106 = %parallel_loop3A to %parallel_loop3A_777 step %parallel_loop3A_778  : i32 {
        %parallel_loop3A_1107 = arith.constant 16 : i32
        %parallel_loop3A_1108 = arith.muli %parallel_loop3A_1106, %parallel_loop3A_1107 : i32
        %parallel_loop3A_1109 = vector.broadcast %parallel_loop3A_1108 : i32 to vector<16xi32>
        %parallel_loop3A_1110 = arith.addi %parallel_loop3A_1109, %iota3A : vector<16xi32>
        %parallel_loop3A_1111 = arith.constant 0.000000e+00 : f32
        %parallel_loop3A_1112 = vector.broadcast %parallel_loop3A_1111 : f32 to vector<16xf32>
        %parallel_loop3A_1113 = arith.constant 0.000000e+00 : f32
        %parallel_loop3A_1114 = vector.broadcast %parallel_loop3A_1113 : f32 to vector<16xf32>
        %parallel_loop3A_1115 = arith.constant 0.000000e+00 : f32
        %parallel_loop3A_1116 = vector.broadcast %parallel_loop3A_1115 : f32 to vector<16xf32>
        %parallel_loop3A_1117 = arith.constant 0.000000e+00 : f32
        %parallel_loop3A_1118 = vector.broadcast %parallel_loop3A_1117 : f32 to vector<16xf32>
        %parallel_loop3A_1119 = arith.constant 0.000000e+00 : f32
        %parallel_loop3A_1120 = vector.broadcast %parallel_loop3A_1119 : f32 to vector<16xf32>
        %parallel_loop3A_1121 = arith.constant 0.000000e+00 : f32
        %parallel_loop3A_1122 = vector.broadcast %parallel_loop3A_1121 : f32 to vector<16xf32>
        %parallel_loop3A_1123 = arith.constant 0.000000e+00 : f32
        %parallel_loop3A_1124 = vector.broadcast %parallel_loop3A_1123 : f32 to vector<16xf32>
        %parallel_loop3A_1125 = arith.constant 0.000000e+00 : f32
        %parallel_loop3A_1126 = vector.broadcast %parallel_loop3A_1125 : f32 to vector<16xf32>
        %parallel_loop3A_1127 = arith.constant 0 : i32
        %parallel_loop3A_1128 = arith.constant 4 : i32
        %parallel_loop3A_1129 = arith.addi %parallel_loop3A_1127, %parallel_loop3A_1128 : i32
        %parallel_loop3A_1130 = arith.constant 1 : i32
        %parallel_loop3A_1131:8 = scf.for %scan3A_1185 = %parallel_loop3A_1127 to %parallel_loop3A_1129 step %parallel_loop3A_1130 iter_args(%scan3A_1186 = %parallel_loop3A_1112, %scan3A_1187 = %parallel_loop3A_1114, %scan3A_1188 = %parallel_loop3A_1116, %scan3A_1189 = %parallel_loop3A_1118, %scan3A_1190 = %parallel_loop3A_1120, %scan3A_1191 = %parallel_loop3A_1122, %scan3A_1192 = %parallel_loop3A_1124, %scan3A_1193 = %parallel_loop3A_1126) -> (vector<16xf32>, vector<16xf32>, vector<16xf32>, vector<16xf32>, vector<16xf32>, vector<16xf32>, vector<16xf32>, vector<16xf32>)  : i32 {
          %parallel_loop3A_1194 = arith.constant 16 : i32
          %parallel_loop3A_1195 = arith.muli %scan3A_1185, %parallel_loop3A_1194 : i32
          %parallel_loop3A_1196 = arith.constant 0 : i32
          %parallel_loop3A_1197 = arith.addi %parallel_loop3A_1195, %parallel_loop3A_1196 : i32
          %parallel_loop3A_1198 = vector.broadcast %parallel_loop3A_1197 : i32 to vector<16xi32>
          %parallel_loop3A_1199 = arith.addi %iota3A, %parallel_loop3A_1198 : vector<16xi32>
          %parallel_loop3A_1200 = arith.constant 63 : i32
          %parallel_loop3A_1201 = vector.broadcast %parallel_loop3A_1200 : i32 to vector<16xi32>
          %parallel_loop3A_1202 = arith.andi %parallel_loop3A_1199, %parallel_loop3A_1201 : vector<16xi32>
          %parallel_loop3A_1203 = tpu.vector_load_idx %arg6[%parallel_loop3A_1110, %parallel_loop3A_1202] : memref<128x64xf32, #tpu.memory_space<vmem>>[vector<16xi32>, vector<16xi32>], vector<16xf32>,
          %parallel_loop3A_1204 = arith.mulf %parallel_loop3A_1203, %parallel_loop3A_1203 : vector<16xf32>
          %parallel_loop3A_1205 = arith.addf %scan3A_1186, %parallel_loop3A_1204 : vector<16xf32>
          tpu.vector_store_idx %arg8[%parallel_loop3A_1202, %parallel_loop3A_1110], %parallel_loop3A_1203 : memref<64x128xf32, #tpu.memory_space<vmem>>[vector<16xi32>, vector<16xi32>], vector<16xf32>,
          %parallel_loop3A_1206 = arith.constant 16 : i32
          %parallel_loop3A_1207 = arith.muli %scan3A_1185, %parallel_loop3A_1206 : i32
          %parallel_loop3A_1208 = arith.constant 1 : i32
          %parallel_loop3A_1209 = arith.addi %parallel_loop3A_1207, %parallel_loop3A_1208 : i32
          %parallel_loop3A_1210 = vector.broadcast %parallel_loop3A_1209 : i32 to vector<16xi32>
          %parallel_loop3A_1211 = arith.addi %iota3A, %parallel_loop3A_1210 : vector<16xi32>
          %parallel_loop3A_1212 = arith.constant 63 : i32
          %parallel_loop3A_1213 = vector.broadcast %parallel_loop3A_1212 : i32 to vector<16xi32>
          %parallel_loop3A_1214 = arith.andi %parallel_loop3A_1211, %parallel_loop3A_1213 : vector<16xi32>
          %parallel_loop3A_1215 = tpu.vector_load_idx %arg6[%parallel_loop3A_1110, %parallel_loop3A_1214] : memref<128x64xf32, #tpu.memory_space<vmem>>[vector<16xi32>, vector<16xi32>], vector<16xf32>,
          %parallel_loop3A_1216 = arith.mulf %parallel_loop3A_1215, %parallel_loop3A_1215 : vector<16xf32>
          %parallel_loop3A_1217 = arith.addf %scan3A_1187, %parallel_loop3A_1216 : vector<16xf32>
          tpu.vector_store_idx %arg8[%parallel_loop3A_1214, %parallel_loop3A_1110], %parallel_loop3A_1215 : memref<64x128xf32, #tpu.memory_space<vmem>>[vector<16xi32>, vector<16xi32>], vector<16xf32>,
          %parallel_loop3A_1218 = arith.constant 16 : i32
          %parallel_loop3A_1219 = arith.muli %scan3A_1185, %parallel_loop3A_1218 : i32
          %parallel_loop3A_1220 = arith.constant 2 : i32
          %parallel_loop3A_1221 = arith.addi %parallel_loop3A_1219, %parallel_loop3A_1220 : i32
          %parallel_loop3A_1222 = vector.broadcast %parallel_loop3A_1221 : i32 to vector<16xi32>
          %parallel_loop3A_1223 = arith.addi %iota3A, %parallel_loop3A_1222 : vector<16xi32>
          %parallel_loop3A_1224 = arith.constant 63 : i32
          %parallel_loop3A_1225 = vector.broadcast %parallel_loop3A_1224 : i32 to vector<16xi32>
          %parallel_loop3A_1226 = arith.andi %parallel_loop3A_1223, %parallel_loop3A_1225 : vector<16xi32>
          %parallel_loop3A_1227 = tpu.vector_load_idx %arg6[%parallel_loop3A_1110, %parallel_loop3A_1226] : memref<128x64xf32, #tpu.memory_space<vmem>>[vector<16xi32>, vector<16xi32>], vector<16xf32>,
          %parallel_loop3A_1228 = arith.mulf %parallel_loop3A_1227, %parallel_loop3A_1227 : vector<16xf32>
          %parallel_loop3A_1229 = arith.addf %scan3A_1188, %parallel_loop3A_1228 : vector<16xf32>
          tpu.vector_store_idx %arg8[%parallel_loop3A_1226, %parallel_loop3A_1110], %parallel_loop3A_1227 : memref<64x128xf32, #tpu.memory_space<vmem>>[vector<16xi32>, vector<16xi32>], vector<16xf32>,
          %parallel_loop3A_1230 = arith.constant 16 : i32
          %parallel_loop3A_1231 = arith.muli %scan3A_1185, %parallel_loop3A_1230 : i32
          %parallel_loop3A_1232 = arith.constant 3 : i32
          %parallel_loop3A_1233 = arith.addi %parallel_loop3A_1231, %parallel_loop3A_1232 : i32
          %parallel_loop3A_1234 = vector.broadcast %parallel_loop3A_1233 : i32 to vector<16xi32>
          %parallel_loop3A_1235 = arith.addi %iota3A, %parallel_loop3A_1234 : vector<16xi32>
          %parallel_loop3A_1236 = arith.constant 63 : i32
          %parallel_loop3A_1237 = vector.broadcast %parallel_loop3A_1236 : i32 to vector<16xi32>
          %parallel_loop3A_1238 = arith.andi %parallel_loop3A_1235, %parallel_loop3A_1237 : vector<16xi32>
          %parallel_loop3A_1239 = tpu.vector_load_idx %arg6[%parallel_loop3A_1110, %parallel_loop3A_1238] : memref<128x64xf32, #tpu.memory_space<vmem>>[vector<16xi32>, vector<16xi32>], vector<16xf32>,
          %parallel_loop3A_1240 = arith.mulf %parallel_loop3A_1239, %parallel_loop3A_1239 : vector<16xf32>
          %parallel_loop3A_1241 = arith.addf %scan3A_1189, %parallel_loop3A_1240 : vector<16xf32>
          tpu.vector_store_idx %arg8[%parallel_loop3A_1238, %parallel_loop3A_1110], %parallel_loop3A_1239 : memref<64x128xf32, #tpu.memory_space<vmem>>[vector<16xi32>, vector<16xi32>], vector<16xf32>,
          %parallel_loop3A_1242 = arith.constant 16 : i32
          %parallel_loop3A_1243 = arith.muli %scan3A_1185, %parallel_loop3A_1242 : i32
          %parallel_loop3A_1244 = arith.constant 4 : i32
          %parallel_loop3A_1245 = arith.addi %parallel_loop3A_1243, %parallel_loop3A_1244 : i32
          %parallel_loop3A_1246 = vector.broadcast %parallel_loop3A_1245 : i32 to vector<16xi32>
          %parallel_loop3A_1247 = arith.addi %iota3A, %parallel_loop3A_1246 : vector<16xi32>
          %parallel_loop3A_1248 = arith.constant 63 : i32
          %parallel_loop3A_1249 = vector.broadcast %parallel_loop3A_1248 : i32 to vector<16xi32>
          %parallel_loop3A_1250 = arith.andi %parallel_loop3A_1247, %parallel_loop3A_1249 : vector<16xi32>
          %parallel_loop3A_1251 = tpu.vector_load_idx %arg6[%parallel_loop3A_1110, %parallel_loop3A_1250] : memref<128x64xf32, #tpu.memory_space<vmem>>[vector<16xi32>, vector<16xi32>], vector<16xf32>,
          %parallel_loop3A_1252 = arith.mulf %parallel_loop3A_1251, %parallel_loop3A_1251 : vector<16xf32>
          %parallel_loop3A_1253 = arith.addf %scan3A_1190, %parallel_loop3A_1252 : vector<16xf32>
          tpu.vector_store_idx %arg8[%parallel_loop3A_1250, %parallel_loop3A_1110], %parallel_loop3A_1251 : memref<64x128xf32, #tpu.memory_space<vmem>>[vector<16xi32>, vector<16xi32>], vector<16xf32>,
          %parallel_loop3A_1254 = arith.constant 16 : i32
          %parallel_loop3A_1255 = arith.muli %scan3A_1185, %parallel_loop3A_1254 : i32
          %parallel_loop3A_1256 = arith.constant 5 : i32
          %parallel_loop3A_1257 = arith.addi %parallel_loop3A_1255, %parallel_loop3A_1256 : i32
          %parallel_loop3A_1258 = vector.broadcast %parallel_loop3A_1257 : i32 to vector<16xi32>
          %parallel_loop3A_1259 = arith.addi %iota3A, %parallel_loop3A_1258 : vector<16xi32>
          %parallel_loop3A_1260 = arith.constant 63 : i32
          %parallel_loop3A_1261 = vector.broadcast %parallel_loop3A_1260 : i32 to vector<16xi32>
          %parallel_loop3A_1262 = arith.andi %parallel_loop3A_1259, %parallel_loop3A_1261 : vector<16xi32>
          %parallel_loop3A_1263 = tpu.vector_load_idx %arg6[%parallel_loop3A_1110, %parallel_loop3A_1262] : memref<128x64xf32, #tpu.memory_space<vmem>>[vector<16xi32>, vector<16xi32>], vector<16xf32>,
          %parallel_loop3A_1264 = arith.mulf %parallel_loop3A_1263, %parallel_loop3A_1263 : vector<16xf32>
          %parallel_loop3A_1265 = arith.addf %scan3A_1191, %parallel_loop3A_1264 : vector<16xf32>
          tpu.vector_store_idx %arg8[%parallel_loop3A_1262, %parallel_loop3A_1110], %parallel_loop3A_1263 : memref<64x128xf32, #tpu.memory_space<vmem>>[vector<16xi32>, vector<16xi32>], vector<16xf32>,
          %parallel_loop3A_1266 = arith.constant 16 : i32
          %parallel_loop3A_1267 = arith.muli %scan3A_1185, %parallel_loop3A_1266 : i32
          %parallel_loop3A_1268 = arith.constant 6 : i32
          %parallel_loop3A_1269 = arith.addi %parallel_loop3A_1267, %parallel_loop3A_1268 : i32
          %parallel_loop3A_1270 = vector.broadcast %parallel_loop3A_1269 : i32 to vector<16xi32>
          %parallel_loop3A_1271 = arith.addi %iota3A, %parallel_loop3A_1270 : vector<16xi32>
          %parallel_loop3A_1272 = arith.constant 63 : i32
          %parallel_loop3A_1273 = vector.broadcast %parallel_loop3A_1272 : i32 to vector<16xi32>
          %parallel_loop3A_1274 = arith.andi %parallel_loop3A_1271, %parallel_loop3A_1273 : vector<16xi32>
          %parallel_loop3A_1275 = tpu.vector_load_idx %arg6[%parallel_loop3A_1110, %parallel_loop3A_1274] : memref<128x64xf32, #tpu.memory_space<vmem>>[vector<16xi32>, vector<16xi32>], vector<16xf32>,
          %parallel_loop3A_1276 = arith.mulf %parallel_loop3A_1275, %parallel_loop3A_1275 : vector<16xf32>
          %parallel_loop3A_1277 = arith.addf %scan3A_1192, %parallel_loop3A_1276 : vector<16xf32>
          tpu.vector_store_idx %arg8[%parallel_loop3A_1274, %parallel_loop3A_1110], %parallel_loop3A_1275 : memref<64x128xf32, #tpu.memory_space<vmem>>[vector<16xi32>, vector<16xi32>], vector<16xf32>,
          %parallel_loop3A_1278 = arith.constant 16 : i32
          %parallel_loop3A_1279 = arith.muli %scan3A_1185, %parallel_loop3A_1278 : i32
          %parallel_loop3A_1280 = arith.constant 7 : i32
          %parallel_loop3A_1281 = arith.addi %parallel_loop3A_1279, %parallel_loop3A_1280 : i32
          %parallel_loop3A_1282 = vector.broadcast %parallel_loop3A_1281 : i32 to vector<16xi32>
          %parallel_loop3A_1283 = arith.addi %iota3A, %parallel_loop3A_1282 : vector<16xi32>
          %parallel_loop3A_1284 = arith.constant 63 : i32
          %parallel_loop3A_1285 = vector.broadcast %parallel_loop3A_1284 : i32 to vector<16xi32>
          %parallel_loop3A_1286 = arith.andi %parallel_loop3A_1283, %parallel_loop3A_1285 : vector<16xi32>
          %parallel_loop3A_1287 = tpu.vector_load_idx %arg6[%parallel_loop3A_1110, %parallel_loop3A_1286] : memref<128x64xf32, #tpu.memory_space<vmem>>[vector<16xi32>, vector<16xi32>], vector<16xf32>,
          %parallel_loop3A_1288 = arith.mulf %parallel_loop3A_1287, %parallel_loop3A_1287 : vector<16xf32>
          %parallel_loop3A_1289 = arith.addf %scan3A_1193, %parallel_loop3A_1288 : vector<16xf32>
          tpu.vector_store_idx %arg8[%parallel_loop3A_1286, %parallel_loop3A_1110], %parallel_loop3A_1287 : memref<64x128xf32, #tpu.memory_space<vmem>>[vector<16xi32>, vector<16xi32>], vector<16xf32>,
          %parallel_loop3A_1290 = arith.constant 16 : i32
          %parallel_loop3A_1291 = arith.muli %scan3A_1185, %parallel_loop3A_1290 : i32
          %parallel_loop3A_1292 = arith.constant 8 : i32
          %parallel_loop3A_1293 = arith.addi %parallel_loop3A_1291, %parallel_loop3A_1292 : i32
          %parallel_loop3A_1294 = vector.broadcast %parallel_loop3A_1293 : i32 to vector<16xi32>
          %parallel_loop3A_1295 = arith.addi %iota3A, %parallel_loop3A_1294 : vector<16xi32>
          %parallel_loop3A_1296 = arith.constant 63 : i32
          %parallel_loop3A_1297 = vector.broadcast %parallel_loop3A_1296 : i32 to vector<16xi32>
          %parallel_loop3A_1298 = arith.andi %parallel_loop3A_1295, %parallel_loop3A_1297 : vector<16xi32>
          %parallel_loop3A_1299 = tpu.vector_load_idx %arg6[%parallel_loop3A_1110, %parallel_loop3A_1298] : memref<128x64xf32, #tpu.memory_space<vmem>>[vector<16xi32>, vector<16xi32>], vector<16xf32>,
          %parallel_loop3A_1300 = arith.mulf %parallel_loop3A_1299, %parallel_loop3A_1299 : vector<16xf32>
          %parallel_loop3A_1301 = arith.addf %parallel_loop3A_1205, %parallel_loop3A_1300 : vector<16xf32>
          tpu.vector_store_idx %arg8[%parallel_loop3A_1298, %parallel_loop3A_1110], %parallel_loop3A_1299 : memref<64x128xf32, #tpu.memory_space<vmem>>[vector<16xi32>, vector<16xi32>], vector<16xf32>,
          %parallel_loop3A_1302 = arith.constant 16 : i32
          %parallel_loop3A_1303 = arith.muli %scan3A_1185, %parallel_loop3A_1302 : i32
          %parallel_loop3A_1304 = arith.constant 9 : i32
          %parallel_loop3A_1305 = arith.addi %parallel_loop3A_1303, %parallel_loop3A_1304 : i32
          %parallel_loop3A_1306 = vector.broadcast %parallel_loop3A_1305 : i32 to vector<16xi32>
          %parallel_loop3A_1307 = arith.addi %iota3A, %parallel_loop3A_1306 : vector<16xi32>
          %parallel_loop3A_1308 = arith.constant 63 : i32
          %parallel_loop3A_1309 = vector.broadcast %parallel_loop3A_1308 : i32 to vector<16xi32>
          %parallel_loop3A_1310 = arith.andi %parallel_loop3A_1307, %parallel_loop3A_1309 : vector<16xi32>
          %parallel_loop3A_1311 = tpu.vector_load_idx %arg6[%parallel_loop3A_1110, %parallel_loop3A_1310] : memref<128x64xf32, #tpu.memory_space<vmem>>[vector<16xi32>, vector<16xi32>], vector<16xf32>,
          %parallel_loop3A_1312 = arith.mulf %parallel_loop3A_1311, %parallel_loop3A_1311 : vector<16xf32>
          %parallel_loop3A_1313 = arith.addf %parallel_loop3A_1217, %parallel_loop3A_1312 : vector<16xf32>
          tpu.vector_store_idx %arg8[%parallel_loop3A_1310, %parallel_loop3A_1110], %parallel_loop3A_1311 : memref<64x128xf32, #tpu.memory_space<vmem>>[vector<16xi32>, vector<16xi32>], vector<16xf32>,
          %parallel_loop3A_1314 = arith.constant 16 : i32
          %parallel_loop3A_1315 = arith.muli %scan3A_1185, %parallel_loop3A_1314 : i32
          %parallel_loop3A_1316 = arith.constant 10 : i32
          %parallel_loop3A_1317 = arith.addi %parallel_loop3A_1315, %parallel_loop3A_1316 : i32
          %parallel_loop3A_1318 = vector.broadcast %parallel_loop3A_1317 : i32 to vector<16xi32>
          %parallel_loop3A_1319 = arith.addi %iota3A, %parallel_loop3A_1318 : vector<16xi32>
          %parallel_loop3A_1320 = arith.constant 63 : i32
          %parallel_loop3A_1321 = vector.broadcast %parallel_loop3A_1320 : i32 to vector<16xi32>
          %parallel_loop3A_1322 = arith.andi %parallel_loop3A_1319, %parallel_loop3A_1321 : vector<16xi32>
          %parallel_loop3A_1323 = tpu.vector_load_idx %arg6[%parallel_loop3A_1110, %parallel_loop3A_1322] : memref<128x64xf32, #tpu.memory_space<vmem>>[vector<16xi32>, vector<16xi32>], vector<16xf32>,
          %parallel_loop3A_1324 = arith.mulf %parallel_loop3A_1323, %parallel_loop3A_1323 : vector<16xf32>
          %parallel_loop3A_1325 = arith.addf %parallel_loop3A_1229, %parallel_loop3A_1324 : vector<16xf32>
          tpu.vector_store_idx %arg8[%parallel_loop3A_1322, %parallel_loop3A_1110], %parallel_loop3A_1323 : memref<64x128xf32, #tpu.memory_space<vmem>>[vector<16xi32>, vector<16xi32>], vector<16xf32>,
          %parallel_loop3A_1326 = arith.constant 16 : i32
          %parallel_loop3A_1327 = arith.muli %scan3A_1185, %parallel_loop3A_1326 : i32
          %parallel_loop3A_1328 = arith.constant 11 : i32
          %parallel_loop3A_1329 = arith.addi %parallel_loop3A_1327, %parallel_loop3A_1328 : i32
          %parallel_loop3A_1330 = vector.broadcast %parallel_loop3A_1329 : i32 to vector<16xi32>
          %parallel_loop3A_1331 = arith.addi %iota3A, %parallel_loop3A_1330 : vector<16xi32>
          %parallel_loop3A_1332 = arith.constant 63 : i32
          %parallel_loop3A_1333 = vector.broadcast %parallel_loop3A_1332 : i32 to vector<16xi32>
          %parallel_loop3A_1334 = arith.andi %parallel_loop3A_1331, %parallel_loop3A_1333 : vector<16xi32>
          %parallel_loop3A_1335 = tpu.vector_load_idx %arg6[%parallel_loop3A_1110, %parallel_loop3A_1334] : memref<128x64xf32, #tpu.memory_space<vmem>>[vector<16xi32>, vector<16xi32>], vector<16xf32>,
          %parallel_loop3A_1336 = arith.mulf %parallel_loop3A_1335, %parallel_loop3A_1335 : vector<16xf32>
          %parallel_loop3A_1337 = arith.addf %parallel_loop3A_1241, %parallel_loop3A_1336 : vector<16xf32>
          tpu.vector_store_idx %arg8[%parallel_loop3A_1334, %parallel_loop3A_1110], %parallel_loop3A_1335 : memref<64x128xf32, #tpu.memory_space<vmem>>[vector<16xi32>, vector<16xi32>], vector<16xf32>,
          %parallel_loop3A_1338 = arith.constant 16 : i32
          %parallel_loop3A_1339 = arith.muli %scan3A_1185, %parallel_loop3A_1338 : i32
          %parallel_loop3A_1340 = arith.constant 12 : i32
          %parallel_loop3A_1341 = arith.addi %parallel_loop3A_1339, %parallel_loop3A_1340 : i32
          %parallel_loop3A_1342 = vector.broadcast %parallel_loop3A_1341 : i32 to vector<16xi32>
          %parallel_loop3A_1343 = arith.addi %iota3A, %parallel_loop3A_1342 : vector<16xi32>
          %parallel_loop3A_1344 = arith.constant 63 : i32
          %parallel_loop3A_1345 = vector.broadcast %parallel_loop3A_1344 : i32 to vector<16xi32>
          %parallel_loop3A_1346 = arith.andi %parallel_loop3A_1343, %parallel_loop3A_1345 : vector<16xi32>
          %parallel_loop3A_1347 = tpu.vector_load_idx %arg6[%parallel_loop3A_1110, %parallel_loop3A_1346] : memref<128x64xf32, #tpu.memory_space<vmem>>[vector<16xi32>, vector<16xi32>], vector<16xf32>,
          %parallel_loop3A_1348 = arith.mulf %parallel_loop3A_1347, %parallel_loop3A_1347 : vector<16xf32>
          %parallel_loop3A_1349 = arith.addf %parallel_loop3A_1253, %parallel_loop3A_1348 : vector<16xf32>
          tpu.vector_store_idx %arg8[%parallel_loop3A_1346, %parallel_loop3A_1110], %parallel_loop3A_1347 : memref<64x128xf32, #tpu.memory_space<vmem>>[vector<16xi32>, vector<16xi32>], vector<16xf32>,
          %parallel_loop3A_1350 = arith.constant 16 : i32
          %parallel_loop3A_1351 = arith.muli %scan3A_1185, %parallel_loop3A_1350 : i32
          %parallel_loop3A_1352 = arith.constant 13 : i32
          %parallel_loop3A_1353 = arith.addi %parallel_loop3A_1351, %parallel_loop3A_1352 : i32
          %parallel_loop3A_1354 = vector.broadcast %parallel_loop3A_1353 : i32 to vector<16xi32>
          %parallel_loop3A_1355 = arith.addi %iota3A, %parallel_loop3A_1354 : vector<16xi32>
          %parallel_loop3A_1356 = arith.constant 63 : i32
          %parallel_loop3A_1357 = vector.broadcast %parallel_loop3A_1356 : i32 to vector<16xi32>
          %parallel_loop3A_1358 = arith.andi %parallel_loop3A_1355, %parallel_loop3A_1357 : vector<16xi32>
          %parallel_loop3A_1359 = tpu.vector_load_idx %arg6[%parallel_loop3A_1110, %parallel_loop3A_1358] : memref<128x64xf32, #tpu.memory_space<vmem>>[vector<16xi32>, vector<16xi32>], vector<16xf32>,
          %parallel_loop3A_1360 = arith.mulf %parallel_loop3A_1359, %parallel_loop3A_1359 : vector<16xf32>
          %parallel_loop3A_1361 = arith.addf %parallel_loop3A_1265, %parallel_loop3A_1360 : vector<16xf32>
          tpu.vector_store_idx %arg8[%parallel_loop3A_1358, %parallel_loop3A_1110], %parallel_loop3A_1359 : memref<64x128xf32, #tpu.memory_space<vmem>>[vector<16xi32>, vector<16xi32>], vector<16xf32>,
          %parallel_loop3A_1362 = arith.constant 16 : i32
          %parallel_loop3A_1363 = arith.muli %scan3A_1185, %parallel_loop3A_1362 : i32
          %parallel_loop3A_1364 = arith.constant 14 : i32
          %parallel_loop3A_1365 = arith.addi %parallel_loop3A_1363, %parallel_loop3A_1364 : i32
          %parallel_loop3A_1366 = vector.broadcast %parallel_loop3A_1365 : i32 to vector<16xi32>
          %parallel_loop3A_1367 = arith.addi %iota3A, %parallel_loop3A_1366 : vector<16xi32>
          %parallel_loop3A_1368 = arith.constant 63 : i32
          %parallel_loop3A_1369 = vector.broadcast %parallel_loop3A_1368 : i32 to vector<16xi32>
          %parallel_loop3A_1370 = arith.andi %parallel_loop3A_1367, %parallel_loop3A_1369 : vector<16xi32>
          %parallel_loop3A_1371 = tpu.vector_load_idx %arg6[%parallel_loop3A_1110, %parallel_loop3A_1370] : memref<128x64xf32, #tpu.memory_space<vmem>>[vector<16xi32>, vector<16xi32>], vector<16xf32>,
          %parallel_loop3A_1372 = arith.mulf %parallel_loop3A_1371, %parallel_loop3A_1371 : vector<16xf32>
          %parallel_loop3A_1373 = arith.addf %parallel_loop3A_1277, %parallel_loop3A_1372 : vector<16xf32>
          tpu.vector_store_idx %arg8[%parallel_loop3A_1370, %parallel_loop3A_1110], %parallel_loop3A_1371 : memref<64x128xf32, #tpu.memory_space<vmem>>[vector<16xi32>, vector<16xi32>], vector<16xf32>,
          %parallel_loop3A_1374 = arith.constant 16 : i32
          %parallel_loop3A_1375 = arith.muli %scan3A_1185, %parallel_loop3A_1374 : i32
          %parallel_loop3A_1376 = arith.constant 15 : i32
          %parallel_loop3A_1377 = arith.addi %parallel_loop3A_1375, %parallel_loop3A_1376 : i32
          %parallel_loop3A_1378 = vector.broadcast %parallel_loop3A_1377 : i32 to vector<16xi32>
          %parallel_loop3A_1379 = arith.addi %iota3A, %parallel_loop3A_1378 : vector<16xi32>
          %parallel_loop3A_1380 = arith.constant 63 : i32
          %parallel_loop3A_1381 = vector.broadcast %parallel_loop3A_1380 : i32 to vector<16xi32>
          %parallel_loop3A_1382 = arith.andi %parallel_loop3A_1379, %parallel_loop3A_1381 : vector<16xi32>
          %parallel_loop3A_1383 = tpu.vector_load_idx %arg6[%parallel_loop3A_1110, %parallel_loop3A_1382] : memref<128x64xf32, #tpu.memory_space<vmem>>[vector<16xi32>, vector<16xi32>], vector<16xf32>,
          %parallel_loop3A_1384 = arith.mulf %parallel_loop3A_1383, %parallel_loop3A_1383 : vector<16xf32>
          %parallel_loop3A_1385 = arith.addf %parallel_loop3A_1289, %parallel_loop3A_1384 : vector<16xf32>
          tpu.vector_store_idx %arg8[%parallel_loop3A_1382, %parallel_loop3A_1110], %parallel_loop3A_1383 : memref<64x128xf32, #tpu.memory_space<vmem>>[vector<16xi32>, vector<16xi32>], vector<16xf32>,
          scf.yield %parallel_loop3A_1301, %parallel_loop3A_1313, %parallel_loop3A_1325, %parallel_loop3A_1337, %parallel_loop3A_1349, %parallel_loop3A_1361, %parallel_loop3A_1373, %parallel_loop3A_1385 : vector<16xf32>, vector<16xf32>, vector<16xf32>, vector<16xf32>, vector<16xf32>, vector<16xf32>, vector<16xf32>, vector<16xf32>
        }
        %parallel_loop3A_1132 = arith.constant 4 : i32
        %parallel_loop3A_1133 = tpu.vector_load_idx %arg6[%parallel_loop3A_1110, %broadcast_in_dim3A_1] : memref<128x64xf32, #tpu.memory_space<vmem>>[vector<16xi32>, vector<16xi32>], vector<16xf32>,
        %parallel_loop3A_1134 = arith.addf %parallel_loop3A_1131#0, %parallel_loop3A_1131#1 : vector<16xf32>
        %parallel_loop3A_1135 = arith.addf %parallel_loop3A_1131#2, %parallel_loop3A_1131#3 : vector<16xf32>
        %parallel_loop3A_1136 = arith.addf %parallel_loop3A_1131#4, %parallel_loop3A_1131#5 : vector<16xf32>
        %parallel_loop3A_1137 = arith.addf %parallel_loop3A_1131#6, %parallel_loop3A_1131#7 : vector<16xf32>
        %parallel_loop3A_1138 = arith.addf %parallel_loop3A_1134, %parallel_loop3A_1135 : vector<16xf32>
        %parallel_loop3A_1139 = arith.addf %parallel_loop3A_1136, %parallel_loop3A_1137 : vector<16xf32>
        %parallel_loop3A_1140 = arith.addf %parallel_loop3A_1138, %parallel_loop3A_1139 : vector<16xf32>
        %parallel_loop3A_1141 = arith.mulf %parallel_loop3A_1133, %parallel_loop3A_1133 : vector<16xf32>
        %parallel_loop3A_1142 = arith.subf %parallel_loop3A_1140, %parallel_loop3A_1141 : vector<16xf32>
        %parallel_loop3A_1143 = arith.constant 1.000000e+00 : f32
        %parallel_loop3A_1144 = vector.broadcast %parallel_loop3A_1143 : f32 to vector<16xf32>
        %parallel_loop3A_1145 = arith.addf %parallel_loop3A_1142, %parallel_loop3A_1144 : vector<16xf32>
        %parallel_loop3A_1146 = arith.constant 1.000000e+00 : f32
        %parallel_loop3A_1147 = vector.broadcast %parallel_loop3A_1146 : f32 to vector<16xf32>
        %parallel_loop3A_1148 = arith.maximumf %parallel_loop3A_1145, %parallel_loop3A_1147 : vector<16xf32>
        %parallel_loop3A_1149 = tpu.bitcast %parallel_loop3A_1148 : vector<16xf32> -> vector<16xi32>
        %parallel_loop3A_1150 = arith.constant 1 : i32
        %parallel_loop3A_1151 = vector.broadcast %parallel_loop3A_1150 : i32 to vector<16xi32>
        %parallel_loop3A_1152 = arith.shrsi %parallel_loop3A_1149, %parallel_loop3A_1151 : vector<16xi32>
        %parallel_loop3A_1153 = arith.constant 1597463007 : i32
        %parallel_loop3A_1154 = vector.broadcast %parallel_loop3A_1153 : i32 to vector<16xi32>
        %parallel_loop3A_1155 = arith.subi %parallel_loop3A_1154, %parallel_loop3A_1152 : vector<16xi32>
        %parallel_loop3A_1156 = tpu.bitcast %parallel_loop3A_1155 : vector<16xi32> -> vector<16xf32>
        %parallel_loop3A_1157 = arith.constant 5.000000e-01 : f32
        %parallel_loop3A_1158 = vector.broadcast %parallel_loop3A_1157 : f32 to vector<16xf32>
        %parallel_loop3A_1159 = arith.mulf %parallel_loop3A_1158, %parallel_loop3A_1148 : vector<16xf32>
        %parallel_loop3A_1160 = arith.mulf %parallel_loop3A_1159, %parallel_loop3A_1156 : vector<16xf32>
        %parallel_loop3A_1161 = arith.mulf %parallel_loop3A_1160, %parallel_loop3A_1156 : vector<16xf32>
        %parallel_loop3A_1162 = arith.constant 1.500000e+00 : f32
        %parallel_loop3A_1163 = vector.broadcast %parallel_loop3A_1162 : f32 to vector<16xf32>
        %parallel_loop3A_1164 = arith.subf %parallel_loop3A_1163, %parallel_loop3A_1161 : vector<16xf32>
        %parallel_loop3A_1165 = arith.mulf %parallel_loop3A_1156, %parallel_loop3A_1164 : vector<16xf32>
        %parallel_loop3A_1166 = arith.constant 5.000000e-01 : f32
        %parallel_loop3A_1167 = vector.broadcast %parallel_loop3A_1166 : f32 to vector<16xf32>
        %parallel_loop3A_1168 = arith.mulf %parallel_loop3A_1167, %parallel_loop3A_1148 : vector<16xf32>
        %parallel_loop3A_1169 = arith.mulf %parallel_loop3A_1168, %parallel_loop3A_1165 : vector<16xf32>
        %parallel_loop3A_1170 = arith.mulf %parallel_loop3A_1169, %parallel_loop3A_1165 : vector<16xf32>
        %parallel_loop3A_1171 = arith.constant 1.500000e+00 : f32
        %parallel_loop3A_1172 = vector.broadcast %parallel_loop3A_1171 : f32 to vector<16xf32>
        %parallel_loop3A_1173 = arith.subf %parallel_loop3A_1172, %parallel_loop3A_1170 : vector<16xf32>
        %parallel_loop3A_1174 = arith.mulf %parallel_loop3A_1165, %parallel_loop3A_1173 : vector<16xf32>
        %parallel_loop3A_1175 = arith.constant 5.000000e-01 : f32
        %parallel_loop3A_1176 = vector.broadcast %parallel_loop3A_1175 : f32 to vector<16xf32>
        %parallel_loop3A_1177 = arith.mulf %parallel_loop3A_1176, %parallel_loop3A_1148 : vector<16xf32>
        %parallel_loop3A_1178 = arith.mulf %parallel_loop3A_1177, %parallel_loop3A_1174 : vector<16xf32>
        %parallel_loop3A_1179 = arith.mulf %parallel_loop3A_1178, %parallel_loop3A_1174 : vector<16xf32>
        %parallel_loop3A_1180 = arith.constant 1.500000e+00 : f32
        %parallel_loop3A_1181 = vector.broadcast %parallel_loop3A_1180 : f32 to vector<16xf32>
        %parallel_loop3A_1182 = arith.subf %parallel_loop3A_1181, %parallel_loop3A_1179 : vector<16xf32>
        %parallel_loop3A_1183 = arith.mulf %parallel_loop3A_1174, %parallel_loop3A_1182 : vector<16xf32>
        %parallel_loop3A_1184 = arith.mulf %parallel_loop3A_1148, %parallel_loop3A_1183 : vector<16xf32>
        tpu.vector_store_idx %arg8[%broadcast_in_dim3A_1, %parallel_loop3A_1110], %parallel_loop3A_1184 : memref<64x128xf32, #tpu.memory_space<vmem>>[vector<16xi32>, vector<16xi32>], vector<16xf32>,
      } {sc.loop_unroll_factor = 1 : i64, sc.parallel_access}
      %mul3A_779 = arith.constant 8 : i32
      %mul3A_780 = arith.muli %mul3A_757, %mul3A_779 : i32
      %add3A_781 = arith.constant 0 : i32
      %add3A_782 = arith.addi %mul3A_780, %add3A_781 : i32
      %mul3A_783 = arith.constant 32 : i32
      %mul3A_784 = arith.muli %add3A_782, %mul3A_783 : i32
      %add3A_785 = arith.addi %mul3A_784, %add3A : i32
      %mul3A_786 = arith.constant 8 : i32
      %mul3A_787 = arith.muli %add3A_785, %mul3A_786 : i32
      %dma_start3A_788 = arith.constant 0 : i32
      %dma_start3A_789 = arith.constant 0 : i32
      %dma_start3A_790 = tpu.memref_slice %arg8[%dma_start3A_788, %dma_start3A_789] : memref<64x128xf32, #tpu.memory_space<vmem>> -> memref<8x128xf32, #tpu.memory_space<vmem>>
      %dma_start3A_791 = arith.constant 0 : i32
      %dma_start3A_792 = tpu.memref_slice %arg4[%mul3A_787, %dma_start3A_791] : memref<102400x128xf32, #tpu.memory_space<hbm>> -> memref<8x128xf32, #tpu.memory_space<hbm>>
      %dma_start3A_793 = arith.constant 0 : i32
      %dma_start3A_794 = tpu.memref_slice %arg4[%mul3A_787, %dma_start3A_793] : memref<102400x128xf32, #tpu.memory_space<hbm>> -> memref<8x128xf32, #tpu.memory_space<hbm>>
      %dma_start3A_795 = arith.constant 0 : i32
      %dma_start3A_796 = arith.constant 0 : i32
      %dma_start3A_797 = tpu.memref_slice %arg8[%dma_start3A_795, %dma_start3A_796] : memref<64x128xf32, #tpu.memory_space<vmem>> -> memref<8x128xf32, #tpu.memory_space<vmem>>
      tpu.enqueue_dma source(%dma_start3A_797 : memref<8x128xf32, #tpu.memory_space<vmem>>) target(%dma_start3A_794 : memref<8x128xf32, #tpu.memory_space<hbm>>) target_semaphore(%arg13 : memref<!tpu.dma_semaphore, #tpu.memory_space<semaphore_mem>>)
      %mul3A_798 = arith.constant 8 : i32
      %mul3A_799 = arith.muli %mul3A_757, %mul3A_798 : i32
      %add3A_800 = arith.constant 1 : i32
      %add3A_801 = arith.addi %mul3A_799, %add3A_800 : i32
      %mul3A_802 = arith.constant 32 : i32
      %mul3A_803 = arith.muli %add3A_801, %mul3A_802 : i32
      %add3A_804 = arith.addi %mul3A_803, %add3A : i32
      %mul3A_805 = arith.constant 8 : i32
      %mul3A_806 = arith.muli %add3A_804, %mul3A_805 : i32
      %dma_start3A_807 = arith.constant 8 : i32
      %dma_start3A_808 = arith.constant 0 : i32
      %dma_start3A_809 = tpu.memref_slice %arg8[%dma_start3A_807, %dma_start3A_808] : memref<64x128xf32, #tpu.memory_space<vmem>> -> memref<8x128xf32, #tpu.memory_space<vmem>>
      %dma_start3A_810 = arith.constant 0 : i32
      %dma_start3A_811 = tpu.memref_slice %arg4[%mul3A_806, %dma_start3A_810] : memref<102400x128xf32, #tpu.memory_space<hbm>> -> memref<8x128xf32, #tpu.memory_space<hbm>>
      %dma_start3A_812 = arith.constant 0 : i32
      %dma_start3A_813 = tpu.memref_slice %arg4[%mul3A_806, %dma_start3A_812] : memref<102400x128xf32, #tpu.memory_space<hbm>> -> memref<8x128xf32, #tpu.memory_space<hbm>>
      %dma_start3A_814 = arith.constant 8 : i32
      %dma_start3A_815 = arith.constant 0 : i32
      %dma_start3A_816 = tpu.memref_slice %arg8[%dma_start3A_814, %dma_start3A_815] : memref<64x128xf32, #tpu.memory_space<vmem>> -> memref<8x128xf32, #tpu.memory_space<vmem>>
      tpu.enqueue_dma source(%dma_start3A_816 : memref<8x128xf32, #tpu.memory_space<vmem>>) target(%dma_start3A_813 : memref<8x128xf32, #tpu.memory_space<hbm>>) target_semaphore(%arg13 : memref<!tpu.dma_semaphore, #tpu.memory_space<semaphore_mem>>)
      %mul3A_817 = arith.constant 8 : i32
      %mul3A_818 = arith.muli %mul3A_757, %mul3A_817 : i32
      %add3A_819 = arith.constant 2 : i32
      %add3A_820 = arith.addi %mul3A_818, %add3A_819 : i32
      %mul3A_821 = arith.constant 32 : i32
      %mul3A_822 = arith.muli %add3A_820, %mul3A_821 : i32
      %add3A_823 = arith.addi %mul3A_822, %add3A : i32
      %mul3A_824 = arith.constant 8 : i32
      %mul3A_825 = arith.muli %add3A_823, %mul3A_824 : i32
      %dma_start3A_826 = arith.constant 16 : i32
      %dma_start3A_827 = arith.constant 0 : i32
      %dma_start3A_828 = tpu.memref_slice %arg8[%dma_start3A_826, %dma_start3A_827] : memref<64x128xf32, #tpu.memory_space<vmem>> -> memref<8x128xf32, #tpu.memory_space<vmem>>
      %dma_start3A_829 = arith.constant 0 : i32
      %dma_start3A_830 = tpu.memref_slice %arg4[%mul3A_825, %dma_start3A_829] : memref<102400x128xf32, #tpu.memory_space<hbm>> -> memref<8x128xf32, #tpu.memory_space<hbm>>
      %dma_start3A_831 = arith.constant 0 : i32
      %dma_start3A_832 = tpu.memref_slice %arg4[%mul3A_825, %dma_start3A_831] : memref<102400x128xf32, #tpu.memory_space<hbm>> -> memref<8x128xf32, #tpu.memory_space<hbm>>
      %dma_start3A_833 = arith.constant 16 : i32
      %dma_start3A_834 = arith.constant 0 : i32
      %dma_start3A_835 = tpu.memref_slice %arg8[%dma_start3A_833, %dma_start3A_834] : memref<64x128xf32, #tpu.memory_space<vmem>> -> memref<8x128xf32, #tpu.memory_space<vmem>>
      tpu.enqueue_dma source(%dma_start3A_835 : memref<8x128xf32, #tpu.memory_space<vmem>>) target(%dma_start3A_832 : memref<8x128xf32, #tpu.memory_space<hbm>>) target_semaphore(%arg13 : memref<!tpu.dma_semaphore, #tpu.memory_space<semaphore_mem>>)
      %mul3A_836 = arith.constant 8 : i32
      %mul3A_837 = arith.muli %mul3A_757, %mul3A_836 : i32
      %add3A_838 = arith.constant 3 : i32
      %add3A_839 = arith.addi %mul3A_837, %add3A_838 : i32
      %mul3A_840 = arith.constant 32 : i32
      %mul3A_841 = arith.muli %add3A_839, %mul3A_840 : i32
      %add3A_842 = arith.addi %mul3A_841, %add3A : i32
      %mul3A_843 = arith.constant 8 : i32
      %mul3A_844 = arith.muli %add3A_842, %mul3A_843 : i32
      %dma_start3A_845 = arith.constant 24 : i32
      %dma_start3A_846 = arith.constant 0 : i32
      %dma_start3A_847 = tpu.memref_slice %arg8[%dma_start3A_845, %dma_start3A_846] : memref<64x128xf32, #tpu.memory_space<vmem>> -> memref<8x128xf32, #tpu.memory_space<vmem>>
      %dma_start3A_848 = arith.constant 0 : i32
      %dma_start3A_849 = tpu.memref_slice %arg4[%mul3A_844, %dma_start3A_848] : memref<102400x128xf32, #tpu.memory_space<hbm>> -> memref<8x128xf32, #tpu.memory_space<hbm>>
      %dma_start3A_850 = arith.constant 0 : i32
      %dma_start3A_851 = tpu.memref_slice %arg4[%mul3A_844, %dma_start3A_850] : memref<102400x128xf32, #tpu.memory_space<hbm>> -> memref<8x128xf32, #tpu.memory_space<hbm>>
      %dma_start3A_852 = arith.constant 24 : i32
      %dma_start3A_853 = arith.constant 0 : i32
      %dma_start3A_854 = tpu.memref_slice %arg8[%dma_start3A_852, %dma_start3A_853] : memref<64x128xf32, #tpu.memory_space<vmem>> -> memref<8x128xf32, #tpu.memory_space<vmem>>
      tpu.enqueue_dma source(%dma_start3A_854 : memref<8x128xf32, #tpu.memory_space<vmem>>) target(%dma_start3A_851 : memref<8x128xf32, #tpu.memory_space<hbm>>) target_semaphore(%arg13 : memref<!tpu.dma_semaphore, #tpu.memory_space<semaphore_mem>>)
      %mul3A_855 = arith.constant 8 : i32
      %mul3A_856 = arith.muli %mul3A_757, %mul3A_855 : i32
      %add3A_857 = arith.constant 4 : i32
      %add3A_858 = arith.addi %mul3A_856, %add3A_857 : i32
      %mul3A_859 = arith.constant 32 : i32
      %mul3A_860 = arith.muli %add3A_858, %mul3A_859 : i32
      %add3A_861 = arith.addi %mul3A_860, %add3A : i32
      %mul3A_862 = arith.constant 8 : i32
      %mul3A_863 = arith.muli %add3A_861, %mul3A_862 : i32
      %dma_start3A_864 = arith.constant 32 : i32
      %dma_start3A_865 = arith.constant 0 : i32
      %dma_start3A_866 = tpu.memref_slice %arg8[%dma_start3A_864, %dma_start3A_865] : memref<64x128xf32, #tpu.memory_space<vmem>> -> memref<8x128xf32, #tpu.memory_space<vmem>>
      %dma_start3A_867 = arith.constant 0 : i32
      %dma_start3A_868 = tpu.memref_slice %arg4[%mul3A_863, %dma_start3A_867] : memref<102400x128xf32, #tpu.memory_space<hbm>> -> memref<8x128xf32, #tpu.memory_space<hbm>>
      %dma_start3A_869 = arith.constant 0 : i32
      %dma_start3A_870 = tpu.memref_slice %arg4[%mul3A_863, %dma_start3A_869] : memref<102400x128xf32, #tpu.memory_space<hbm>> -> memref<8x128xf32, #tpu.memory_space<hbm>>
      %dma_start3A_871 = arith.constant 32 : i32
      %dma_start3A_872 = arith.constant 0 : i32
      %dma_start3A_873 = tpu.memref_slice %arg8[%dma_start3A_871, %dma_start3A_872] : memref<64x128xf32, #tpu.memory_space<vmem>> -> memref<8x128xf32, #tpu.memory_space<vmem>>
      tpu.enqueue_dma source(%dma_start3A_873 : memref<8x128xf32, #tpu.memory_space<vmem>>) target(%dma_start3A_870 : memref<8x128xf32, #tpu.memory_space<hbm>>) target_semaphore(%arg13 : memref<!tpu.dma_semaphore, #tpu.memory_space<semaphore_mem>>)
      %mul3A_874 = arith.constant 8 : i32
      %mul3A_875 = arith.muli %mul3A_757, %mul3A_874 : i32
      %add3A_876 = arith.constant 5 : i32
      %add3A_877 = arith.addi %mul3A_875, %add3A_876 : i32
      %mul3A_878 = arith.constant 32 : i32
      %mul3A_879 = arith.muli %add3A_877, %mul3A_878 : i32
      %add3A_880 = arith.addi %mul3A_879, %add3A : i32
      %mul3A_881 = arith.constant 8 : i32
      %mul3A_882 = arith.muli %add3A_880, %mul3A_881 : i32
      %dma_start3A_883 = arith.constant 40 : i32
      %dma_start3A_884 = arith.constant 0 : i32
      %dma_start3A_885 = tpu.memref_slice %arg8[%dma_start3A_883, %dma_start3A_884] : memref<64x128xf32, #tpu.memory_space<vmem>> -> memref<8x128xf32, #tpu.memory_space<vmem>>
      %dma_start3A_886 = arith.constant 0 : i32
      %dma_start3A_887 = tpu.memref_slice %arg4[%mul3A_882, %dma_start3A_886] : memref<102400x128xf32, #tpu.memory_space<hbm>> -> memref<8x128xf32, #tpu.memory_space<hbm>>
      %dma_start3A_888 = arith.constant 0 : i32
      %dma_start3A_889 = tpu.memref_slice %arg4[%mul3A_882, %dma_start3A_888] : memref<102400x128xf32, #tpu.memory_space<hbm>> -> memref<8x128xf32, #tpu.memory_space<hbm>>
      %dma_start3A_890 = arith.constant 40 : i32
      %dma_start3A_891 = arith.constant 0 : i32
      %dma_start3A_892 = tpu.memref_slice %arg8[%dma_start3A_890, %dma_start3A_891] : memref<64x128xf32, #tpu.memory_space<vmem>> -> memref<8x128xf32, #tpu.memory_space<vmem>>
      tpu.enqueue_dma source(%dma_start3A_892 : memref<8x128xf32, #tpu.memory_space<vmem>>) target(%dma_start3A_889 : memref<8x128xf32, #tpu.memory_space<hbm>>) target_semaphore(%arg13 : memref<!tpu.dma_semaphore, #tpu.memory_space<semaphore_mem>>)
      %mul3A_893 = arith.constant 8 : i32
      %mul3A_894 = arith.muli %mul3A_757, %mul3A_893 : i32
      %add3A_895 = arith.constant 6 : i32
      %add3A_896 = arith.addi %mul3A_894, %add3A_895 : i32
      %mul3A_897 = arith.constant 32 : i32
      %mul3A_898 = arith.muli %add3A_896, %mul3A_897 : i32
      %add3A_899 = arith.addi %mul3A_898, %add3A : i32
      %mul3A_900 = arith.constant 8 : i32
      %mul3A_901 = arith.muli %add3A_899, %mul3A_900 : i32
      %dma_start3A_902 = arith.constant 48 : i32
      %dma_start3A_903 = arith.constant 0 : i32
      %dma_start3A_904 = tpu.memref_slice %arg8[%dma_start3A_902, %dma_start3A_903] : memref<64x128xf32, #tpu.memory_space<vmem>> -> memref<8x128xf32, #tpu.memory_space<vmem>>
      %dma_start3A_905 = arith.constant 0 : i32
      %dma_start3A_906 = tpu.memref_slice %arg4[%mul3A_901, %dma_start3A_905] : memref<102400x128xf32, #tpu.memory_space<hbm>> -> memref<8x128xf32, #tpu.memory_space<hbm>>
      %dma_start3A_907 = arith.constant 0 : i32
      %dma_start3A_908 = tpu.memref_slice %arg4[%mul3A_901, %dma_start3A_907] : memref<102400x128xf32, #tpu.memory_space<hbm>> -> memref<8x128xf32, #tpu.memory_space<hbm>>
      %dma_start3A_909 = arith.constant 48 : i32
      %dma_start3A_910 = arith.constant 0 : i32
      %dma_start3A_911 = tpu.memref_slice %arg8[%dma_start3A_909, %dma_start3A_910] : memref<64x128xf32, #tpu.memory_space<vmem>> -> memref<8x128xf32, #tpu.memory_space<vmem>>
      tpu.enqueue_dma source(%dma_start3A_911 : memref<8x128xf32, #tpu.memory_space<vmem>>) target(%dma_start3A_908 : memref<8x128xf32, #tpu.memory_space<hbm>>) target_semaphore(%arg13 : memref<!tpu.dma_semaphore, #tpu.memory_space<semaphore_mem>>)
      %mul3A_912 = arith.constant 8 : i32
      %mul3A_913 = arith.muli %mul3A_757, %mul3A_912 : i32
      %add3A_914 = arith.constant 7 : i32
      %add3A_915 = arith.addi %mul3A_913, %add3A_914 : i32
      %mul3A_916 = arith.constant 32 : i32
      %mul3A_917 = arith.muli %add3A_915, %mul3A_916 : i32
      %add3A_918 = arith.addi %mul3A_917, %add3A : i32
      %mul3A_919 = arith.constant 8 : i32
      %mul3A_920 = arith.muli %add3A_918, %mul3A_919 : i32
      %dma_start3A_921 = arith.constant 56 : i32
      %dma_start3A_922 = arith.constant 0 : i32
      %dma_start3A_923 = tpu.memref_slice %arg8[%dma_start3A_921, %dma_start3A_922] : memref<64x128xf32, #tpu.memory_space<vmem>> -> memref<8x128xf32, #tpu.memory_space<vmem>>
      %dma_start3A_924 = arith.constant 0 : i32
      %dma_start3A_925 = tpu.memref_slice %arg4[%mul3A_920, %dma_start3A_924] : memref<102400x128xf32, #tpu.memory_space<hbm>> -> memref<8x128xf32, #tpu.memory_space<hbm>>
      %dma_start3A_926 = arith.constant 0 : i32
      %dma_start3A_927 = tpu.memref_slice %arg4[%mul3A_920, %dma_start3A_926] : memref<102400x128xf32, #tpu.memory_space<hbm>> -> memref<8x128xf32, #tpu.memory_space<hbm>>
      %dma_start3A_928 = arith.constant 56 : i32
      %dma_start3A_929 = arith.constant 0 : i32
      %dma_start3A_930 = tpu.memref_slice %arg8[%dma_start3A_928, %dma_start3A_929] : memref<64x128xf32, #tpu.memory_space<vmem>> -> memref<8x128xf32, #tpu.memory_space<vmem>>
      tpu.enqueue_dma source(%dma_start3A_930 : memref<8x128xf32, #tpu.memory_space<vmem>>) target(%dma_start3A_927 : memref<8x128xf32, #tpu.memory_space<hbm>>) target_semaphore(%arg13 : memref<!tpu.dma_semaphore, #tpu.memory_space<semaphore_mem>>)
      %add3A_931 = arith.constant 2 : i32
      %add3A_932 = arith.addi %mul3A_757, %add3A_931 : i32
      %min3A = arith.constant 48 : i32
      %min3A_933 = arith.minsi %add3A_932, %min3A : i32
      %mul3A_934 = arith.constant 128 : i32
      %mul3A_935 = arith.muli %min3A_933, %mul3A_934 : i32
      %dma_start3A_936 = tpu.memref_slice %arg5[%mul3A_935] : memref<6400xi32, #tpu.memory_space<vmem>> -> memref<128xi32, #tpu.memory_space<vmem>>
      %dma_start3A_937 = arith.constant 0 : i32
      %dma_start3A_938 = arith.constant 0 : i32
      %dma_start3A_939 = tpu.memref_slice %arg2[%dma_start3A_937, %dma_start3A_938] : memref<100000x64xf32, #tpu.memory_space<hbm>> -> memref<100000x64xf32, #tpu.memory_space<hbm>>
      tpu.enqueue_indirect_dma source(%dma_start3A_939 : memref<100000x64xf32, #tpu.memory_space<hbm>>) target(%arg6 : memref<128x64xf32, #tpu.memory_space<vmem>>) offsets(%dma_start3A_936 : memref<128xi32, #tpu.memory_space<vmem>>) semaphore(%arg11 : memref<!tpu.dma_semaphore, #tpu.memory_space<semaphore_mem>>)
      %dma_wait3A_940 = arith.constant 0 : i32
      %dma_wait3A_941 = tpu.memref_slice %arg5[%dma_wait3A_940] : memref<6400xi32, #tpu.memory_space<vmem>> -> memref<128xi32, #tpu.memory_space<vmem>>
      %dma_wait3A_942 = arith.constant 0 : i32
      %dma_wait3A_943 = arith.constant 0 : i32
      %dma_wait3A_944 = tpu.memref_slice %arg2[%dma_wait3A_942, %dma_wait3A_943] : memref<100000x64xf32, #tpu.memory_space<hbm>> -> memref<100000x64xf32, #tpu.memory_space<hbm>>
      tpu.wait_indirect_dma semaphore(%arg12 : memref<!tpu.dma_semaphore, #tpu.memory_space<semaphore_mem>>) src(%dma_wait3A_944 : memref<100000x64xf32, #tpu.memory_space<hbm>>) dst(%arg7 : memref<128x64xf32, #tpu.memory_space<vmem>>)
      %dma_wait3A_945 = arith.constant 0 : i32
      %dma_wait3A_946 = arith.constant 0 : i32
      %dma_wait3A_947 = tpu.memref_slice %arg4[%dma_wait3A_945, %dma_wait3A_946] : memref<102400x128xf32, #tpu.memory_space<hbm>> -> memref<64x128xf32, #tpu.memory_space<hbm>>
      %dma_wait3A_948 = arith.constant 0 : i32
      %dma_wait3A_949 = arith.constant 0 : i32
      %dma_wait3A_950 = tpu.memref_slice %arg4[%dma_wait3A_948, %dma_wait3A_949] : memref<102400x128xf32, #tpu.memory_space<hbm>> -> memref<64x128xf32, #tpu.memory_space<hbm>>
      tpu.wait_dma2 semaphore(%arg14 : memref<!tpu.dma_semaphore, #tpu.memory_space<semaphore_mem>>) src(%arg9 : memref<64x128xf32, #tpu.memory_space<vmem>>) dst(%dma_wait3A_950 : memref<64x128xf32, #tpu.memory_space<hbm>>)
      %parallel_loop3A_951 = arith.constant 0 : i32
      %parallel_loop3A_952 = arith.constant 8 : i32
      %parallel_loop3A_953 = arith.constant 1 : i32
      scf.for %parallel_loop3A_1106 = %parallel_loop3A_951 to %parallel_loop3A_952 step %parallel_loop3A_953  : i32 {
        %parallel_loop3A_1107 = arith.constant 16 : i32
        %parallel_loop3A_1108 = arith.muli %parallel_loop3A_1106, %parallel_loop3A_1107 : i32
        %parallel_loop3A_1109 = vector.broadcast %parallel_loop3A_1108 : i32 to vector<16xi32>
        %parallel_loop3A_1110 = arith.addi %parallel_loop3A_1109, %iota3A : vector<16xi32>
        %parallel_loop3A_1111 = arith.constant 0.000000e+00 : f32
        %parallel_loop3A_1112 = vector.broadcast %parallel_loop3A_1111 : f32 to vector<16xf32>
        %parallel_loop3A_1113 = arith.constant 0.000000e+00 : f32
        %parallel_loop3A_1114 = vector.broadcast %parallel_loop3A_1113 : f32 to vector<16xf32>
        %parallel_loop3A_1115 = arith.constant 0.000000e+00 : f32
        %parallel_loop3A_1116 = vector.broadcast %parallel_loop3A_1115 : f32 to vector<16xf32>
        %parallel_loop3A_1117 = arith.constant 0.000000e+00 : f32
        %parallel_loop3A_1118 = vector.broadcast %parallel_loop3A_1117 : f32 to vector<16xf32>
        %parallel_loop3A_1119 = arith.constant 0.000000e+00 : f32
        %parallel_loop3A_1120 = vector.broadcast %parallel_loop3A_1119 : f32 to vector<16xf32>
        %parallel_loop3A_1121 = arith.constant 0.000000e+00 : f32
        %parallel_loop3A_1122 = vector.broadcast %parallel_loop3A_1121 : f32 to vector<16xf32>
        %parallel_loop3A_1123 = arith.constant 0.000000e+00 : f32
        %parallel_loop3A_1124 = vector.broadcast %parallel_loop3A_1123 : f32 to vector<16xf32>
        %parallel_loop3A_1125 = arith.constant 0.000000e+00 : f32
        %parallel_loop3A_1126 = vector.broadcast %parallel_loop3A_1125 : f32 to vector<16xf32>
        %parallel_loop3A_1127 = arith.constant 0 : i32
        %parallel_loop3A_1128 = arith.constant 4 : i32
        %parallel_loop3A_1129 = arith.addi %parallel_loop3A_1127, %parallel_loop3A_1128 : i32
        %parallel_loop3A_1130 = arith.constant 1 : i32
        %parallel_loop3A_1131:8 = scf.for %scan3A_1185 = %parallel_loop3A_1127 to %parallel_loop3A_1129 step %parallel_loop3A_1130 iter_args(%scan3A_1186 = %parallel_loop3A_1112, %scan3A_1187 = %parallel_loop3A_1114, %scan3A_1188 = %parallel_loop3A_1116, %scan3A_1189 = %parallel_loop3A_1118, %scan3A_1190 = %parallel_loop3A_1120, %scan3A_1191 = %parallel_loop3A_1122, %scan3A_1192 = %parallel_loop3A_1124, %scan3A_1193 = %parallel_loop3A_1126) -> (vector<16xf32>, vector<16xf32>, vector<16xf32>, vector<16xf32>, vector<16xf32>, vector<16xf32>, vector<16xf32>, vector<16xf32>)  : i32 {
          %parallel_loop3A_1194 = arith.constant 16 : i32
          %parallel_loop3A_1195 = arith.muli %scan3A_1185, %parallel_loop3A_1194 : i32
          %parallel_loop3A_1196 = arith.constant 0 : i32
          %parallel_loop3A_1197 = arith.addi %parallel_loop3A_1195, %parallel_loop3A_1196 : i32
          %parallel_loop3A_1198 = vector.broadcast %parallel_loop3A_1197 : i32 to vector<16xi32>
          %parallel_loop3A_1199 = arith.addi %iota3A, %parallel_loop3A_1198 : vector<16xi32>
          %parallel_loop3A_1200 = arith.constant 63 : i32
          %parallel_loop3A_1201 = vector.broadcast %parallel_loop3A_1200 : i32 to vector<16xi32>
          %parallel_loop3A_1202 = arith.andi %parallel_loop3A_1199, %parallel_loop3A_1201 : vector<16xi32>
          %parallel_loop3A_1203 = tpu.vector_load_idx %arg7[%parallel_loop3A_1110, %parallel_loop3A_1202] : memref<128x64xf32, #tpu.memory_space<vmem>>[vector<16xi32>, vector<16xi32>], vector<16xf32>,
          %parallel_loop3A_1204 = arith.mulf %parallel_loop3A_1203, %parallel_loop3A_1203 : vector<16xf32>
          %parallel_loop3A_1205 = arith.addf %scan3A_1186, %parallel_loop3A_1204 : vector<16xf32>
          tpu.vector_store_idx %arg9[%parallel_loop3A_1202, %parallel_loop3A_1110], %parallel_loop3A_1203 : memref<64x128xf32, #tpu.memory_space<vmem>>[vector<16xi32>, vector<16xi32>], vector<16xf32>,
          %parallel_loop3A_1206 = arith.constant 16 : i32
          %parallel_loop3A_1207 = arith.muli %scan3A_1185, %parallel_loop3A_1206 : i32
          %parallel_loop3A_1208 = arith.constant 1 : i32
          %parallel_loop3A_1209 = arith.addi %parallel_loop3A_1207, %parallel_loop3A_1208 : i32
          %parallel_loop3A_1210 = vector.broadcast %parallel_loop3A_1209 : i32 to vector<16xi32>
          %parallel_loop3A_1211 = arith.addi %iota3A, %parallel_loop3A_1210 : vector<16xi32>
          %parallel_loop3A_1212 = arith.constant 63 : i32
          %parallel_loop3A_1213 = vector.broadcast %parallel_loop3A_1212 : i32 to vector<16xi32>
          %parallel_loop3A_1214 = arith.andi %parallel_loop3A_1211, %parallel_loop3A_1213 : vector<16xi32>
          %parallel_loop3A_1215 = tpu.vector_load_idx %arg7[%parallel_loop3A_1110, %parallel_loop3A_1214] : memref<128x64xf32, #tpu.memory_space<vmem>>[vector<16xi32>, vector<16xi32>], vector<16xf32>,
          %parallel_loop3A_1216 = arith.mulf %parallel_loop3A_1215, %parallel_loop3A_1215 : vector<16xf32>
          %parallel_loop3A_1217 = arith.addf %scan3A_1187, %parallel_loop3A_1216 : vector<16xf32>
          tpu.vector_store_idx %arg9[%parallel_loop3A_1214, %parallel_loop3A_1110], %parallel_loop3A_1215 : memref<64x128xf32, #tpu.memory_space<vmem>>[vector<16xi32>, vector<16xi32>], vector<16xf32>,
          %parallel_loop3A_1218 = arith.constant 16 : i32
          %parallel_loop3A_1219 = arith.muli %scan3A_1185, %parallel_loop3A_1218 : i32
          %parallel_loop3A_1220 = arith.constant 2 : i32
          %parallel_loop3A_1221 = arith.addi %parallel_loop3A_1219, %parallel_loop3A_1220 : i32
          %parallel_loop3A_1222 = vector.broadcast %parallel_loop3A_1221 : i32 to vector<16xi32>
          %parallel_loop3A_1223 = arith.addi %iota3A, %parallel_loop3A_1222 : vector<16xi32>
          %parallel_loop3A_1224 = arith.constant 63 : i32
          %parallel_loop3A_1225 = vector.broadcast %parallel_loop3A_1224 : i32 to vector<16xi32>
          %parallel_loop3A_1226 = arith.andi %parallel_loop3A_1223, %parallel_loop3A_1225 : vector<16xi32>
          %parallel_loop3A_1227 = tpu.vector_load_idx %arg7[%parallel_loop3A_1110, %parallel_loop3A_1226] : memref<128x64xf32, #tpu.memory_space<vmem>>[vector<16xi32>, vector<16xi32>], vector<16xf32>,
          %parallel_loop3A_1228 = arith.mulf %parallel_loop3A_1227, %parallel_loop3A_1227 : vector<16xf32>
          %parallel_loop3A_1229 = arith.addf %scan3A_1188, %parallel_loop3A_1228 : vector<16xf32>
          tpu.vector_store_idx %arg9[%parallel_loop3A_1226, %parallel_loop3A_1110], %parallel_loop3A_1227 : memref<64x128xf32, #tpu.memory_space<vmem>>[vector<16xi32>, vector<16xi32>], vector<16xf32>,
          %parallel_loop3A_1230 = arith.constant 16 : i32
          %parallel_loop3A_1231 = arith.muli %scan3A_1185, %parallel_loop3A_1230 : i32
          %parallel_loop3A_1232 = arith.constant 3 : i32
          %parallel_loop3A_1233 = arith.addi %parallel_loop3A_1231, %parallel_loop3A_1232 : i32
          %parallel_loop3A_1234 = vector.broadcast %parallel_loop3A_1233 : i32 to vector<16xi32>
          %parallel_loop3A_1235 = arith.addi %iota3A, %parallel_loop3A_1234 : vector<16xi32>
          %parallel_loop3A_1236 = arith.constant 63 : i32
          %parallel_loop3A_1237 = vector.broadcast %parallel_loop3A_1236 : i32 to vector<16xi32>
          %parallel_loop3A_1238 = arith.andi %parallel_loop3A_1235, %parallel_loop3A_1237 : vector<16xi32>
          %parallel_loop3A_1239 = tpu.vector_load_idx %arg7[%parallel_loop3A_1110, %parallel_loop3A_1238] : memref<128x64xf32, #tpu.memory_space<vmem>>[vector<16xi32>, vector<16xi32>], vector<16xf32>,
          %parallel_loop3A_1240 = arith.mulf %parallel_loop3A_1239, %parallel_loop3A_1239 : vector<16xf32>
          %parallel_loop3A_1241 = arith.addf %scan3A_1189, %parallel_loop3A_1240 : vector<16xf32>
          tpu.vector_store_idx %arg9[%parallel_loop3A_1238, %parallel_loop3A_1110], %parallel_loop3A_1239 : memref<64x128xf32, #tpu.memory_space<vmem>>[vector<16xi32>, vector<16xi32>], vector<16xf32>,
          %parallel_loop3A_1242 = arith.constant 16 : i32
          %parallel_loop3A_1243 = arith.muli %scan3A_1185, %parallel_loop3A_1242 : i32
          %parallel_loop3A_1244 = arith.constant 4 : i32
          %parallel_loop3A_1245 = arith.addi %parallel_loop3A_1243, %parallel_loop3A_1244 : i32
          %parallel_loop3A_1246 = vector.broadcast %parallel_loop3A_1245 : i32 to vector<16xi32>
          %parallel_loop3A_1247 = arith.addi %iota3A, %parallel_loop3A_1246 : vector<16xi32>
          %parallel_loop3A_1248 = arith.constant 63 : i32
          %parallel_loop3A_1249 = vector.broadcast %parallel_loop3A_1248 : i32 to vector<16xi32>
          %parallel_loop3A_1250 = arith.andi %parallel_loop3A_1247, %parallel_loop3A_1249 : vector<16xi32>
          %parallel_loop3A_1251 = tpu.vector_load_idx %arg7[%parallel_loop3A_1110, %parallel_loop3A_1250] : memref<128x64xf32, #tpu.memory_space<vmem>>[vector<16xi32>, vector<16xi32>], vector<16xf32>,
          %parallel_loop3A_1252 = arith.mulf %parallel_loop3A_1251, %parallel_loop3A_1251 : vector<16xf32>
          %parallel_loop3A_1253 = arith.addf %scan3A_1190, %parallel_loop3A_1252 : vector<16xf32>
          tpu.vector_store_idx %arg9[%parallel_loop3A_1250, %parallel_loop3A_1110], %parallel_loop3A_1251 : memref<64x128xf32, #tpu.memory_space<vmem>>[vector<16xi32>, vector<16xi32>], vector<16xf32>,
          %parallel_loop3A_1254 = arith.constant 16 : i32
          %parallel_loop3A_1255 = arith.muli %scan3A_1185, %parallel_loop3A_1254 : i32
          %parallel_loop3A_1256 = arith.constant 5 : i32
          %parallel_loop3A_1257 = arith.addi %parallel_loop3A_1255, %parallel_loop3A_1256 : i32
          %parallel_loop3A_1258 = vector.broadcast %parallel_loop3A_1257 : i32 to vector<16xi32>
          %parallel_loop3A_1259 = arith.addi %iota3A, %parallel_loop3A_1258 : vector<16xi32>
          %parallel_loop3A_1260 = arith.constant 63 : i32
          %parallel_loop3A_1261 = vector.broadcast %parallel_loop3A_1260 : i32 to vector<16xi32>
          %parallel_loop3A_1262 = arith.andi %parallel_loop3A_1259, %parallel_loop3A_1261 : vector<16xi32>
          %parallel_loop3A_1263 = tpu.vector_load_idx %arg7[%parallel_loop3A_1110, %parallel_loop3A_1262] : memref<128x64xf32, #tpu.memory_space<vmem>>[vector<16xi32>, vector<16xi32>], vector<16xf32>,
          %parallel_loop3A_1264 = arith.mulf %parallel_loop3A_1263, %parallel_loop3A_1263 : vector<16xf32>
          %parallel_loop3A_1265 = arith.addf %scan3A_1191, %parallel_loop3A_1264 : vector<16xf32>
          tpu.vector_store_idx %arg9[%parallel_loop3A_1262, %parallel_loop3A_1110], %parallel_loop3A_1263 : memref<64x128xf32, #tpu.memory_space<vmem>>[vector<16xi32>, vector<16xi32>], vector<16xf32>,
          %parallel_loop3A_1266 = arith.constant 16 : i32
          %parallel_loop3A_1267 = arith.muli %scan3A_1185, %parallel_loop3A_1266 : i32
          %parallel_loop3A_1268 = arith.constant 6 : i32
          %parallel_loop3A_1269 = arith.addi %parallel_loop3A_1267, %parallel_loop3A_1268 : i32
          %parallel_loop3A_1270 = vector.broadcast %parallel_loop3A_1269 : i32 to vector<16xi32>
          %parallel_loop3A_1271 = arith.addi %iota3A, %parallel_loop3A_1270 : vector<16xi32>
          %parallel_loop3A_1272 = arith.constant 63 : i32
          %parallel_loop3A_1273 = vector.broadcast %parallel_loop3A_1272 : i32 to vector<16xi32>
          %parallel_loop3A_1274 = arith.andi %parallel_loop3A_1271, %parallel_loop3A_1273 : vector<16xi32>
          %parallel_loop3A_1275 = tpu.vector_load_idx %arg7[%parallel_loop3A_1110, %parallel_loop3A_1274] : memref<128x64xf32, #tpu.memory_space<vmem>>[vector<16xi32>, vector<16xi32>], vector<16xf32>,
          %parallel_loop3A_1276 = arith.mulf %parallel_loop3A_1275, %parallel_loop3A_1275 : vector<16xf32>
          %parallel_loop3A_1277 = arith.addf %scan3A_1192, %parallel_loop3A_1276 : vector<16xf32>
          tpu.vector_store_idx %arg9[%parallel_loop3A_1274, %parallel_loop3A_1110], %parallel_loop3A_1275 : memref<64x128xf32, #tpu.memory_space<vmem>>[vector<16xi32>, vector<16xi32>], vector<16xf32>,
          %parallel_loop3A_1278 = arith.constant 16 : i32
          %parallel_loop3A_1279 = arith.muli %scan3A_1185, %parallel_loop3A_1278 : i32
          %parallel_loop3A_1280 = arith.constant 7 : i32
          %parallel_loop3A_1281 = arith.addi %parallel_loop3A_1279, %parallel_loop3A_1280 : i32
          %parallel_loop3A_1282 = vector.broadcast %parallel_loop3A_1281 : i32 to vector<16xi32>
          %parallel_loop3A_1283 = arith.addi %iota3A, %parallel_loop3A_1282 : vector<16xi32>
          %parallel_loop3A_1284 = arith.constant 63 : i32
          %parallel_loop3A_1285 = vector.broadcast %parallel_loop3A_1284 : i32 to vector<16xi32>
          %parallel_loop3A_1286 = arith.andi %parallel_loop3A_1283, %parallel_loop3A_1285 : vector<16xi32>
          %parallel_loop3A_1287 = tpu.vector_load_idx %arg7[%parallel_loop3A_1110, %parallel_loop3A_1286] : memref<128x64xf32, #tpu.memory_space<vmem>>[vector<16xi32>, vector<16xi32>], vector<16xf32>,
          %parallel_loop3A_1288 = arith.mulf %parallel_loop3A_1287, %parallel_loop3A_1287 : vector<16xf32>
          %parallel_loop3A_1289 = arith.addf %scan3A_1193, %parallel_loop3A_1288 : vector<16xf32>
          tpu.vector_store_idx %arg9[%parallel_loop3A_1286, %parallel_loop3A_1110], %parallel_loop3A_1287 : memref<64x128xf32, #tpu.memory_space<vmem>>[vector<16xi32>, vector<16xi32>], vector<16xf32>,
          %parallel_loop3A_1290 = arith.constant 16 : i32
          %parallel_loop3A_1291 = arith.muli %scan3A_1185, %parallel_loop3A_1290 : i32
          %parallel_loop3A_1292 = arith.constant 8 : i32
          %parallel_loop3A_1293 = arith.addi %parallel_loop3A_1291, %parallel_loop3A_1292 : i32
          %parallel_loop3A_1294 = vector.broadcast %parallel_loop3A_1293 : i32 to vector<16xi32>
          %parallel_loop3A_1295 = arith.addi %iota3A, %parallel_loop3A_1294 : vector<16xi32>
          %parallel_loop3A_1296 = arith.constant 63 : i32
          %parallel_loop3A_1297 = vector.broadcast %parallel_loop3A_1296 : i32 to vector<16xi32>
          %parallel_loop3A_1298 = arith.andi %parallel_loop3A_1295, %parallel_loop3A_1297 : vector<16xi32>
          %parallel_loop3A_1299 = tpu.vector_load_idx %arg7[%parallel_loop3A_1110, %parallel_loop3A_1298] : memref<128x64xf32, #tpu.memory_space<vmem>>[vector<16xi32>, vector<16xi32>], vector<16xf32>,
          %parallel_loop3A_1300 = arith.mulf %parallel_loop3A_1299, %parallel_loop3A_1299 : vector<16xf32>
          %parallel_loop3A_1301 = arith.addf %parallel_loop3A_1205, %parallel_loop3A_1300 : vector<16xf32>
          tpu.vector_store_idx %arg9[%parallel_loop3A_1298, %parallel_loop3A_1110], %parallel_loop3A_1299 : memref<64x128xf32, #tpu.memory_space<vmem>>[vector<16xi32>, vector<16xi32>], vector<16xf32>,
          %parallel_loop3A_1302 = arith.constant 16 : i32
          %parallel_loop3A_1303 = arith.muli %scan3A_1185, %parallel_loop3A_1302 : i32
          %parallel_loop3A_1304 = arith.constant 9 : i32
          %parallel_loop3A_1305 = arith.addi %parallel_loop3A_1303, %parallel_loop3A_1304 : i32
          %parallel_loop3A_1306 = vector.broadcast %parallel_loop3A_1305 : i32 to vector<16xi32>
          %parallel_loop3A_1307 = arith.addi %iota3A, %parallel_loop3A_1306 : vector<16xi32>
          %parallel_loop3A_1308 = arith.constant 63 : i32
          %parallel_loop3A_1309 = vector.broadcast %parallel_loop3A_1308 : i32 to vector<16xi32>
          %parallel_loop3A_1310 = arith.andi %parallel_loop3A_1307, %parallel_loop3A_1309 : vector<16xi32>
          %parallel_loop3A_1311 = tpu.vector_load_idx %arg7[%parallel_loop3A_1110, %parallel_loop3A_1310] : memref<128x64xf32, #tpu.memory_space<vmem>>[vector<16xi32>, vector<16xi32>], vector<16xf32>,
          %parallel_loop3A_1312 = arith.mulf %parallel_loop3A_1311, %parallel_loop3A_1311 : vector<16xf32>
          %parallel_loop3A_1313 = arith.addf %parallel_loop3A_1217, %parallel_loop3A_1312 : vector<16xf32>
          tpu.vector_store_idx %arg9[%parallel_loop3A_1310, %parallel_loop3A_1110], %parallel_loop3A_1311 : memref<64x128xf32, #tpu.memory_space<vmem>>[vector<16xi32>, vector<16xi32>], vector<16xf32>,
          %parallel_loop3A_1314 = arith.constant 16 : i32
          %parallel_loop3A_1315 = arith.muli %scan3A_1185, %parallel_loop3A_1314 : i32
          %parallel_loop3A_1316 = arith.constant 10 : i32
          %parallel_loop3A_1317 = arith.addi %parallel_loop3A_1315, %parallel_loop3A_1316 : i32
          %parallel_loop3A_1318 = vector.broadcast %parallel_loop3A_1317 : i32 to vector<16xi32>
          %parallel_loop3A_1319 = arith.addi %iota3A, %parallel_loop3A_1318 : vector<16xi32>
          %parallel_loop3A_1320 = arith.constant 63 : i32
          %parallel_loop3A_1321 = vector.broadcast %parallel_loop3A_1320 : i32 to vector<16xi32>
          %parallel_loop3A_1322 = arith.andi %parallel_loop3A_1319, %parallel_loop3A_1321 : vector<16xi32>
          %parallel_loop3A_1323 = tpu.vector_load_idx %arg7[%parallel_loop3A_1110, %parallel_loop3A_1322] : memref<128x64xf32, #tpu.memory_space<vmem>>[vector<16xi32>, vector<16xi32>], vector<16xf32>,
          %parallel_loop3A_1324 = arith.mulf %parallel_loop3A_1323, %parallel_loop3A_1323 : vector<16xf32>
          %parallel_loop3A_1325 = arith.addf %parallel_loop3A_1229, %parallel_loop3A_1324 : vector<16xf32>
          tpu.vector_store_idx %arg9[%parallel_loop3A_1322, %parallel_loop3A_1110], %parallel_loop3A_1323 : memref<64x128xf32, #tpu.memory_space<vmem>>[vector<16xi32>, vector<16xi32>], vector<16xf32>,
          %parallel_loop3A_1326 = arith.constant 16 : i32
          %parallel_loop3A_1327 = arith.muli %scan3A_1185, %parallel_loop3A_1326 : i32
          %parallel_loop3A_1328 = arith.constant 11 : i32
          %parallel_loop3A_1329 = arith.addi %parallel_loop3A_1327, %parallel_loop3A_1328 : i32
          %parallel_loop3A_1330 = vector.broadcast %parallel_loop3A_1329 : i32 to vector<16xi32>
          %parallel_loop3A_1331 = arith.addi %iota3A, %parallel_loop3A_1330 : vector<16xi32>
          %parallel_loop3A_1332 = arith.constant 63 : i32
          %parallel_loop3A_1333 = vector.broadcast %parallel_loop3A_1332 : i32 to vector<16xi32>
          %parallel_loop3A_1334 = arith.andi %parallel_loop3A_1331, %parallel_loop3A_1333 : vector<16xi32>
          %parallel_loop3A_1335 = tpu.vector_load_idx %arg7[%parallel_loop3A_1110, %parallel_loop3A_1334] : memref<128x64xf32, #tpu.memory_space<vmem>>[vector<16xi32>, vector<16xi32>], vector<16xf32>,
          %parallel_loop3A_1336 = arith.mulf %parallel_loop3A_1335, %parallel_loop3A_1335 : vector<16xf32>
          %parallel_loop3A_1337 = arith.addf %parallel_loop3A_1241, %parallel_loop3A_1336 : vector<16xf32>
          tpu.vector_store_idx %arg9[%parallel_loop3A_1334, %parallel_loop3A_1110], %parallel_loop3A_1335 : memref<64x128xf32, #tpu.memory_space<vmem>>[vector<16xi32>, vector<16xi32>], vector<16xf32>,
          %parallel_loop3A_1338 = arith.constant 16 : i32
          %parallel_loop3A_1339 = arith.muli %scan3A_1185, %parallel_loop3A_1338 : i32
          %parallel_loop3A_1340 = arith.constant 12 : i32
          %parallel_loop3A_1341 = arith.addi %parallel_loop3A_1339, %parallel_loop3A_1340 : i32
          %parallel_loop3A_1342 = vector.broadcast %parallel_loop3A_1341 : i32 to vector<16xi32>
          %parallel_loop3A_1343 = arith.addi %iota3A, %parallel_loop3A_1342 : vector<16xi32>
          %parallel_loop3A_1344 = arith.constant 63 : i32
          %parallel_loop3A_1345 = vector.broadcast %parallel_loop3A_1344 : i32 to vector<16xi32>
          %parallel_loop3A_1346 = arith.andi %parallel_loop3A_1343, %parallel_loop3A_1345 : vector<16xi32>
          %parallel_loop3A_1347 = tpu.vector_load_idx %arg7[%parallel_loop3A_1110, %parallel_loop3A_1346] : memref<128x64xf32, #tpu.memory_space<vmem>>[vector<16xi32>, vector<16xi32>], vector<16xf32>,
          %parallel_loop3A_1348 = arith.mulf %parallel_loop3A_1347, %parallel_loop3A_1347 : vector<16xf32>
          %parallel_loop3A_1349 = arith.addf %parallel_loop3A_1253, %parallel_loop3A_1348 : vector<16xf32>
          tpu.vector_store_idx %arg9[%parallel_loop3A_1346, %parallel_loop3A_1110], %parallel_loop3A_1347 : memref<64x128xf32, #tpu.memory_space<vmem>>[vector<16xi32>, vector<16xi32>], vector<16xf32>,
          %parallel_loop3A_1350 = arith.constant 16 : i32
          %parallel_loop3A_1351 = arith.muli %scan3A_1185, %parallel_loop3A_1350 : i32
          %parallel_loop3A_1352 = arith.constant 13 : i32
          %parallel_loop3A_1353 = arith.addi %parallel_loop3A_1351, %parallel_loop3A_1352 : i32
          %parallel_loop3A_1354 = vector.broadcast %parallel_loop3A_1353 : i32 to vector<16xi32>
          %parallel_loop3A_1355 = arith.addi %iota3A, %parallel_loop3A_1354 : vector<16xi32>
          %parallel_loop3A_1356 = arith.constant 63 : i32
          %parallel_loop3A_1357 = vector.broadcast %parallel_loop3A_1356 : i32 to vector<16xi32>
          %parallel_loop3A_1358 = arith.andi %parallel_loop3A_1355, %parallel_loop3A_1357 : vector<16xi32>
          %parallel_loop3A_1359 = tpu.vector_load_idx %arg7[%parallel_loop3A_1110, %parallel_loop3A_1358] : memref<128x64xf32, #tpu.memory_space<vmem>>[vector<16xi32>, vector<16xi32>], vector<16xf32>,
          %parallel_loop3A_1360 = arith.mulf %parallel_loop3A_1359, %parallel_loop3A_1359 : vector<16xf32>
          %parallel_loop3A_1361 = arith.addf %parallel_loop3A_1265, %parallel_loop3A_1360 : vector<16xf32>
          tpu.vector_store_idx %arg9[%parallel_loop3A_1358, %parallel_loop3A_1110], %parallel_loop3A_1359 : memref<64x128xf32, #tpu.memory_space<vmem>>[vector<16xi32>, vector<16xi32>], vector<16xf32>,
          %parallel_loop3A_1362 = arith.constant 16 : i32
          %parallel_loop3A_1363 = arith.muli %scan3A_1185, %parallel_loop3A_1362 : i32
          %parallel_loop3A_1364 = arith.constant 14 : i32
          %parallel_loop3A_1365 = arith.addi %parallel_loop3A_1363, %parallel_loop3A_1364 : i32
          %parallel_loop3A_1366 = vector.broadcast %parallel_loop3A_1365 : i32 to vector<16xi32>
          %parallel_loop3A_1367 = arith.addi %iota3A, %parallel_loop3A_1366 : vector<16xi32>
          %parallel_loop3A_1368 = arith.constant 63 : i32
          %parallel_loop3A_1369 = vector.broadcast %parallel_loop3A_1368 : i32 to vector<16xi32>
          %parallel_loop3A_1370 = arith.andi %parallel_loop3A_1367, %parallel_loop3A_1369 : vector<16xi32>
          %parallel_loop3A_1371 = tpu.vector_load_idx %arg7[%parallel_loop3A_1110, %parallel_loop3A_1370] : memref<128x64xf32, #tpu.memory_space<vmem>>[vector<16xi32>, vector<16xi32>], vector<16xf32>,
          %parallel_loop3A_1372 = arith.mulf %parallel_loop3A_1371, %parallel_loop3A_1371 : vector<16xf32>
          %parallel_loop3A_1373 = arith.addf %parallel_loop3A_1277, %parallel_loop3A_1372 : vector<16xf32>
          tpu.vector_store_idx %arg9[%parallel_loop3A_1370, %parallel_loop3A_1110], %parallel_loop3A_1371 : memref<64x128xf32, #tpu.memory_space<vmem>>[vector<16xi32>, vector<16xi32>], vector<16xf32>,
          %parallel_loop3A_1374 = arith.constant 16 : i32
          %parallel_loop3A_1375 = arith.muli %scan3A_1185, %parallel_loop3A_1374 : i32
          %parallel_loop3A_1376 = arith.constant 15 : i32
          %parallel_loop3A_1377 = arith.addi %parallel_loop3A_1375, %parallel_loop3A_1376 : i32
          %parallel_loop3A_1378 = vector.broadcast %parallel_loop3A_1377 : i32 to vector<16xi32>
          %parallel_loop3A_1379 = arith.addi %iota3A, %parallel_loop3A_1378 : vector<16xi32>
          %parallel_loop3A_1380 = arith.constant 63 : i32
          %parallel_loop3A_1381 = vector.broadcast %parallel_loop3A_1380 : i32 to vector<16xi32>
          %parallel_loop3A_1382 = arith.andi %parallel_loop3A_1379, %parallel_loop3A_1381 : vector<16xi32>
          %parallel_loop3A_1383 = tpu.vector_load_idx %arg7[%parallel_loop3A_1110, %parallel_loop3A_1382] : memref<128x64xf32, #tpu.memory_space<vmem>>[vector<16xi32>, vector<16xi32>], vector<16xf32>,
          %parallel_loop3A_1384 = arith.mulf %parallel_loop3A_1383, %parallel_loop3A_1383 : vector<16xf32>
          %parallel_loop3A_1385 = arith.addf %parallel_loop3A_1289, %parallel_loop3A_1384 : vector<16xf32>
          tpu.vector_store_idx %arg9[%parallel_loop3A_1382, %parallel_loop3A_1110], %parallel_loop3A_1383 : memref<64x128xf32, #tpu.memory_space<vmem>>[vector<16xi32>, vector<16xi32>], vector<16xf32>,
          scf.yield %parallel_loop3A_1301, %parallel_loop3A_1313, %parallel_loop3A_1325, %parallel_loop3A_1337, %parallel_loop3A_1349, %parallel_loop3A_1361, %parallel_loop3A_1373, %parallel_loop3A_1385 : vector<16xf32>, vector<16xf32>, vector<16xf32>, vector<16xf32>, vector<16xf32>, vector<16xf32>, vector<16xf32>, vector<16xf32>
        }
        %parallel_loop3A_1132 = arith.constant 4 : i32
        %parallel_loop3A_1133 = tpu.vector_load_idx %arg7[%parallel_loop3A_1110, %broadcast_in_dim3A_1] : memref<128x64xf32, #tpu.memory_space<vmem>>[vector<16xi32>, vector<16xi32>], vector<16xf32>,
        %parallel_loop3A_1134 = arith.addf %parallel_loop3A_1131#0, %parallel_loop3A_1131#1 : vector<16xf32>
        %parallel_loop3A_1135 = arith.addf %parallel_loop3A_1131#2, %parallel_loop3A_1131#3 : vector<16xf32>
        %parallel_loop3A_1136 = arith.addf %parallel_loop3A_1131#4, %parallel_loop3A_1131#5 : vector<16xf32>
        %parallel_loop3A_1137 = arith.addf %parallel_loop3A_1131#6, %parallel_loop3A_1131#7 : vector<16xf32>
        %parallel_loop3A_1138 = arith.addf %parallel_loop3A_1134, %parallel_loop3A_1135 : vector<16xf32>
        %parallel_loop3A_1139 = arith.addf %parallel_loop3A_1136, %parallel_loop3A_1137 : vector<16xf32>
        %parallel_loop3A_1140 = arith.addf %parallel_loop3A_1138, %parallel_loop3A_1139 : vector<16xf32>
        %parallel_loop3A_1141 = arith.mulf %parallel_loop3A_1133, %parallel_loop3A_1133 : vector<16xf32>
        %parallel_loop3A_1142 = arith.subf %parallel_loop3A_1140, %parallel_loop3A_1141 : vector<16xf32>
        %parallel_loop3A_1143 = arith.constant 1.000000e+00 : f32
        %parallel_loop3A_1144 = vector.broadcast %parallel_loop3A_1143 : f32 to vector<16xf32>
        %parallel_loop3A_1145 = arith.addf %parallel_loop3A_1142, %parallel_loop3A_1144 : vector<16xf32>
        %parallel_loop3A_1146 = arith.constant 1.000000e+00 : f32
        %parallel_loop3A_1147 = vector.broadcast %parallel_loop3A_1146 : f32 to vector<16xf32>
        %parallel_loop3A_1148 = arith.maximumf %parallel_loop3A_1145, %parallel_loop3A_1147 : vector<16xf32>
        %parallel_loop3A_1149 = tpu.bitcast %parallel_loop3A_1148 : vector<16xf32> -> vector<16xi32>
        %parallel_loop3A_1150 = arith.constant 1 : i32
        %parallel_loop3A_1151 = vector.broadcast %parallel_loop3A_1150 : i32 to vector<16xi32>
        %parallel_loop3A_1152 = arith.shrsi %parallel_loop3A_1149, %parallel_loop3A_1151 : vector<16xi32>
        %parallel_loop3A_1153 = arith.constant 1597463007 : i32
        %parallel_loop3A_1154 = vector.broadcast %parallel_loop3A_1153 : i32 to vector<16xi32>
        %parallel_loop3A_1155 = arith.subi %parallel_loop3A_1154, %parallel_loop3A_1152 : vector<16xi32>
        %parallel_loop3A_1156 = tpu.bitcast %parallel_loop3A_1155 : vector<16xi32> -> vector<16xf32>
        %parallel_loop3A_1157 = arith.constant 5.000000e-01 : f32
        %parallel_loop3A_1158 = vector.broadcast %parallel_loop3A_1157 : f32 to vector<16xf32>
        %parallel_loop3A_1159 = arith.mulf %parallel_loop3A_1158, %parallel_loop3A_1148 : vector<16xf32>
        %parallel_loop3A_1160 = arith.mulf %parallel_loop3A_1159, %parallel_loop3A_1156 : vector<16xf32>
        %parallel_loop3A_1161 = arith.mulf %parallel_loop3A_1160, %parallel_loop3A_1156 : vector<16xf32>
        %parallel_loop3A_1162 = arith.constant 1.500000e+00 : f32
        %parallel_loop3A_1163 = vector.broadcast %parallel_loop3A_1162 : f32 to vector<16xf32>
        %parallel_loop3A_1164 = arith.subf %parallel_loop3A_1163, %parallel_loop3A_1161 : vector<16xf32>
        %parallel_loop3A_1165 = arith.mulf %parallel_loop3A_1156, %parallel_loop3A_1164 : vector<16xf32>
        %parallel_loop3A_1166 = arith.constant 5.000000e-01 : f32
        %parallel_loop3A_1167 = vector.broadcast %parallel_loop3A_1166 : f32 to vector<16xf32>
        %parallel_loop3A_1168 = arith.mulf %parallel_loop3A_1167, %parallel_loop3A_1148 : vector<16xf32>
        %parallel_loop3A_1169 = arith.mulf %parallel_loop3A_1168, %parallel_loop3A_1165 : vector<16xf32>
        %parallel_loop3A_1170 = arith.mulf %parallel_loop3A_1169, %parallel_loop3A_1165 : vector<16xf32>
        %parallel_loop3A_1171 = arith.constant 1.500000e+00 : f32
        %parallel_loop3A_1172 = vector.broadcast %parallel_loop3A_1171 : f32 to vector<16xf32>
        %parallel_loop3A_1173 = arith.subf %parallel_loop3A_1172, %parallel_loop3A_1170 : vector<16xf32>
        %parallel_loop3A_1174 = arith.mulf %parallel_loop3A_1165, %parallel_loop3A_1173 : vector<16xf32>
        %parallel_loop3A_1175 = arith.constant 5.000000e-01 : f32
        %parallel_loop3A_1176 = vector.broadcast %parallel_loop3A_1175 : f32 to vector<16xf32>
        %parallel_loop3A_1177 = arith.mulf %parallel_loop3A_1176, %parallel_loop3A_1148 : vector<16xf32>
        %parallel_loop3A_1178 = arith.mulf %parallel_loop3A_1177, %parallel_loop3A_1174 : vector<16xf32>
        %parallel_loop3A_1179 = arith.mulf %parallel_loop3A_1178, %parallel_loop3A_1174 : vector<16xf32>
        %parallel_loop3A_1180 = arith.constant 1.500000e+00 : f32
        %parallel_loop3A_1181 = vector.broadcast %parallel_loop3A_1180 : f32 to vector<16xf32>
        %parallel_loop3A_1182 = arith.subf %parallel_loop3A_1181, %parallel_loop3A_1179 : vector<16xf32>
        %parallel_loop3A_1183 = arith.mulf %parallel_loop3A_1174, %parallel_loop3A_1182 : vector<16xf32>
        %parallel_loop3A_1184 = arith.mulf %parallel_loop3A_1148, %parallel_loop3A_1183 : vector<16xf32>
        tpu.vector_store_idx %arg9[%broadcast_in_dim3A_1, %parallel_loop3A_1110], %parallel_loop3A_1184 : memref<64x128xf32, #tpu.memory_space<vmem>>[vector<16xi32>, vector<16xi32>], vector<16xf32>,
      } {sc.loop_unroll_factor = 1 : i64, sc.parallel_access}
      %mul3A_954 = arith.constant 8 : i32
      %mul3A_955 = arith.muli %add3A_759, %mul3A_954 : i32
      %add3A_956 = arith.constant 0 : i32
      %add3A_957 = arith.addi %mul3A_955, %add3A_956 : i32
      %mul3A_958 = arith.constant 32 : i32
      %mul3A_959 = arith.muli %add3A_957, %mul3A_958 : i32
      %add3A_960 = arith.addi %mul3A_959, %add3A : i32
      %mul3A_961 = arith.constant 8 : i32
      %mul3A_962 = arith.muli %add3A_960, %mul3A_961 : i32
      %dma_start3A_963 = arith.constant 0 : i32
      %dma_start3A_964 = arith.constant 0 : i32
      %dma_start3A_965 = tpu.memref_slice %arg9[%dma_start3A_963, %dma_start3A_964] : memref<64x128xf32, #tpu.memory_space<vmem>> -> memref<8x128xf32, #tpu.memory_space<vmem>>
      %dma_start3A_966 = arith.constant 0 : i32
      %dma_start3A_967 = tpu.memref_slice %arg4[%mul3A_962, %dma_start3A_966] : memref<102400x128xf32, #tpu.memory_space<hbm>> -> memref<8x128xf32, #tpu.memory_space<hbm>>
      %dma_start3A_968 = arith.constant 0 : i32
      %dma_start3A_969 = tpu.memref_slice %arg4[%mul3A_962, %dma_start3A_968] : memref<102400x128xf32, #tpu.memory_space<hbm>> -> memref<8x128xf32, #tpu.memory_space<hbm>>
      %dma_start3A_970 = arith.constant 0 : i32
      %dma_start3A_971 = arith.constant 0 : i32
      %dma_start3A_972 = tpu.memref_slice %arg9[%dma_start3A_970, %dma_start3A_971] : memref<64x128xf32, #tpu.memory_space<vmem>> -> memref<8x128xf32, #tpu.memory_space<vmem>>
      tpu.enqueue_dma source(%dma_start3A_972 : memref<8x128xf32, #tpu.memory_space<vmem>>) target(%dma_start3A_969 : memref<8x128xf32, #tpu.memory_space<hbm>>) target_semaphore(%arg14 : memref<!tpu.dma_semaphore, #tpu.memory_space<semaphore_mem>>)
      %mul3A_973 = arith.constant 8 : i32
      %mul3A_974 = arith.muli %add3A_759, %mul3A_973 : i32
      %add3A_975 = arith.constant 1 : i32
      %add3A_976 = arith.addi %mul3A_974, %add3A_975 : i32
      %mul3A_977 = arith.constant 32 : i32
      %mul3A_978 = arith.muli %add3A_976, %mul3A_977 : i32
      %add3A_979 = arith.addi %mul3A_978, %add3A : i32
      %mul3A_980 = arith.constant 8 : i32
      %mul3A_981 = arith.muli %add3A_979, %mul3A_980 : i32
      %dma_start3A_982 = arith.constant 8 : i32
      %dma_start3A_983 = arith.constant 0 : i32
      %dma_start3A_984 = tpu.memref_slice %arg9[%dma_start3A_982, %dma_start3A_983] : memref<64x128xf32, #tpu.memory_space<vmem>> -> memref<8x128xf32, #tpu.memory_space<vmem>>
      %dma_start3A_985 = arith.constant 0 : i32
      %dma_start3A_986 = tpu.memref_slice %arg4[%mul3A_981, %dma_start3A_985] : memref<102400x128xf32, #tpu.memory_space<hbm>> -> memref<8x128xf32, #tpu.memory_space<hbm>>
      %dma_start3A_987 = arith.constant 0 : i32
      %dma_start3A_988 = tpu.memref_slice %arg4[%mul3A_981, %dma_start3A_987] : memref<102400x128xf32, #tpu.memory_space<hbm>> -> memref<8x128xf32, #tpu.memory_space<hbm>>
      %dma_start3A_989 = arith.constant 8 : i32
      %dma_start3A_990 = arith.constant 0 : i32
      %dma_start3A_991 = tpu.memref_slice %arg9[%dma_start3A_989, %dma_start3A_990] : memref<64x128xf32, #tpu.memory_space<vmem>> -> memref<8x128xf32, #tpu.memory_space<vmem>>
      tpu.enqueue_dma source(%dma_start3A_991 : memref<8x128xf32, #tpu.memory_space<vmem>>) target(%dma_start3A_988 : memref<8x128xf32, #tpu.memory_space<hbm>>) target_semaphore(%arg14 : memref<!tpu.dma_semaphore, #tpu.memory_space<semaphore_mem>>)
      %mul3A_992 = arith.constant 8 : i32
      %mul3A_993 = arith.muli %add3A_759, %mul3A_992 : i32
      %add3A_994 = arith.constant 2 : i32
      %add3A_995 = arith.addi %mul3A_993, %add3A_994 : i32
      %mul3A_996 = arith.constant 32 : i32
      %mul3A_997 = arith.muli %add3A_995, %mul3A_996 : i32
      %add3A_998 = arith.addi %mul3A_997, %add3A : i32
      %mul3A_999 = arith.constant 8 : i32
      %mul3A_1000 = arith.muli %add3A_998, %mul3A_999 : i32
      %dma_start3A_1001 = arith.constant 16 : i32
      %dma_start3A_1002 = arith.constant 0 : i32
      %dma_start3A_1003 = tpu.memref_slice %arg9[%dma_start3A_1001, %dma_start3A_1002] : memref<64x128xf32, #tpu.memory_space<vmem>> -> memref<8x128xf32, #tpu.memory_space<vmem>>
      %dma_start3A_1004 = arith.constant 0 : i32
      %dma_start3A_1005 = tpu.memref_slice %arg4[%mul3A_1000, %dma_start3A_1004] : memref<102400x128xf32, #tpu.memory_space<hbm>> -> memref<8x128xf32, #tpu.memory_space<hbm>>
      %dma_start3A_1006 = arith.constant 0 : i32
      %dma_start3A_1007 = tpu.memref_slice %arg4[%mul3A_1000, %dma_start3A_1006] : memref<102400x128xf32, #tpu.memory_space<hbm>> -> memref<8x128xf32, #tpu.memory_space<hbm>>
      %dma_start3A_1008 = arith.constant 16 : i32
      %dma_start3A_1009 = arith.constant 0 : i32
      %dma_start3A_1010 = tpu.memref_slice %arg9[%dma_start3A_1008, %dma_start3A_1009] : memref<64x128xf32, #tpu.memory_space<vmem>> -> memref<8x128xf32, #tpu.memory_space<vmem>>
      tpu.enqueue_dma source(%dma_start3A_1010 : memref<8x128xf32, #tpu.memory_space<vmem>>) target(%dma_start3A_1007 : memref<8x128xf32, #tpu.memory_space<hbm>>) target_semaphore(%arg14 : memref<!tpu.dma_semaphore, #tpu.memory_space<semaphore_mem>>)
      %mul3A_1011 = arith.constant 8 : i32
      %mul3A_1012 = arith.muli %add3A_759, %mul3A_1011 : i32
      %add3A_1013 = arith.constant 3 : i32
      %add3A_1014 = arith.addi %mul3A_1012, %add3A_1013 : i32
      %mul3A_1015 = arith.constant 32 : i32
      %mul3A_1016 = arith.muli %add3A_1014, %mul3A_1015 : i32
      %add3A_1017 = arith.addi %mul3A_1016, %add3A : i32
      %mul3A_1018 = arith.constant 8 : i32
      %mul3A_1019 = arith.muli %add3A_1017, %mul3A_1018 : i32
      %dma_start3A_1020 = arith.constant 24 : i32
      %dma_start3A_1021 = arith.constant 0 : i32
      %dma_start3A_1022 = tpu.memref_slice %arg9[%dma_start3A_1020, %dma_start3A_1021] : memref<64x128xf32, #tpu.memory_space<vmem>> -> memref<8x128xf32, #tpu.memory_space<vmem>>
      %dma_start3A_1023 = arith.constant 0 : i32
      %dma_start3A_1024 = tpu.memref_slice %arg4[%mul3A_1019, %dma_start3A_1023] : memref<102400x128xf32, #tpu.memory_space<hbm>> -> memref<8x128xf32, #tpu.memory_space<hbm>>
      %dma_start3A_1025 = arith.constant 0 : i32
      %dma_start3A_1026 = tpu.memref_slice %arg4[%mul3A_1019, %dma_start3A_1025] : memref<102400x128xf32, #tpu.memory_space<hbm>> -> memref<8x128xf32, #tpu.memory_space<hbm>>
      %dma_start3A_1027 = arith.constant 24 : i32
      %dma_start3A_1028 = arith.constant 0 : i32
      %dma_start3A_1029 = tpu.memref_slice %arg9[%dma_start3A_1027, %dma_start3A_1028] : memref<64x128xf32, #tpu.memory_space<vmem>> -> memref<8x128xf32, #tpu.memory_space<vmem>>
      tpu.enqueue_dma source(%dma_start3A_1029 : memref<8x128xf32, #tpu.memory_space<vmem>>) target(%dma_start3A_1026 : memref<8x128xf32, #tpu.memory_space<hbm>>) target_semaphore(%arg14 : memref<!tpu.dma_semaphore, #tpu.memory_space<semaphore_mem>>)
      %mul3A_1030 = arith.constant 8 : i32
      %mul3A_1031 = arith.muli %add3A_759, %mul3A_1030 : i32
      %add3A_1032 = arith.constant 4 : i32
      %add3A_1033 = arith.addi %mul3A_1031, %add3A_1032 : i32
      %mul3A_1034 = arith.constant 32 : i32
      %mul3A_1035 = arith.muli %add3A_1033, %mul3A_1034 : i32
      %add3A_1036 = arith.addi %mul3A_1035, %add3A : i32
      %mul3A_1037 = arith.constant 8 : i32
      %mul3A_1038 = arith.muli %add3A_1036, %mul3A_1037 : i32
      %dma_start3A_1039 = arith.constant 32 : i32
      %dma_start3A_1040 = arith.constant 0 : i32
      %dma_start3A_1041 = tpu.memref_slice %arg9[%dma_start3A_1039, %dma_start3A_1040] : memref<64x128xf32, #tpu.memory_space<vmem>> -> memref<8x128xf32, #tpu.memory_space<vmem>>
      %dma_start3A_1042 = arith.constant 0 : i32
      %dma_start3A_1043 = tpu.memref_slice %arg4[%mul3A_1038, %dma_start3A_1042] : memref<102400x128xf32, #tpu.memory_space<hbm>> -> memref<8x128xf32, #tpu.memory_space<hbm>>
      %dma_start3A_1044 = arith.constant 0 : i32
      %dma_start3A_1045 = tpu.memref_slice %arg4[%mul3A_1038, %dma_start3A_1044] : memref<102400x128xf32, #tpu.memory_space<hbm>> -> memref<8x128xf32, #tpu.memory_space<hbm>>
      %dma_start3A_1046 = arith.constant 32 : i32
      %dma_start3A_1047 = arith.constant 0 : i32
      %dma_start3A_1048 = tpu.memref_slice %arg9[%dma_start3A_1046, %dma_start3A_1047] : memref<64x128xf32, #tpu.memory_space<vmem>> -> memref<8x128xf32, #tpu.memory_space<vmem>>
      tpu.enqueue_dma source(%dma_start3A_1048 : memref<8x128xf32, #tpu.memory_space<vmem>>) target(%dma_start3A_1045 : memref<8x128xf32, #tpu.memory_space<hbm>>) target_semaphore(%arg14 : memref<!tpu.dma_semaphore, #tpu.memory_space<semaphore_mem>>)
      %mul3A_1049 = arith.constant 8 : i32
      %mul3A_1050 = arith.muli %add3A_759, %mul3A_1049 : i32
      %add3A_1051 = arith.constant 5 : i32
      %add3A_1052 = arith.addi %mul3A_1050, %add3A_1051 : i32
      %mul3A_1053 = arith.constant 32 : i32
      %mul3A_1054 = arith.muli %add3A_1052, %mul3A_1053 : i32
      %add3A_1055 = arith.addi %mul3A_1054, %add3A : i32
      %mul3A_1056 = arith.constant 8 : i32
      %mul3A_1057 = arith.muli %add3A_1055, %mul3A_1056 : i32
      %dma_start3A_1058 = arith.constant 40 : i32
      %dma_start3A_1059 = arith.constant 0 : i32
      %dma_start3A_1060 = tpu.memref_slice %arg9[%dma_start3A_1058, %dma_start3A_1059] : memref<64x128xf32, #tpu.memory_space<vmem>> -> memref<8x128xf32, #tpu.memory_space<vmem>>
      %dma_start3A_1061 = arith.constant 0 : i32
      %dma_start3A_1062 = tpu.memref_slice %arg4[%mul3A_1057, %dma_start3A_1061] : memref<102400x128xf32, #tpu.memory_space<hbm>> -> memref<8x128xf32, #tpu.memory_space<hbm>>
      %dma_start3A_1063 = arith.constant 0 : i32
      %dma_start3A_1064 = tpu.memref_slice %arg4[%mul3A_1057, %dma_start3A_1063] : memref<102400x128xf32, #tpu.memory_space<hbm>> -> memref<8x128xf32, #tpu.memory_space<hbm>>
      %dma_start3A_1065 = arith.constant 40 : i32
      %dma_start3A_1066 = arith.constant 0 : i32
      %dma_start3A_1067 = tpu.memref_slice %arg9[%dma_start3A_1065, %dma_start3A_1066] : memref<64x128xf32, #tpu.memory_space<vmem>> -> memref<8x128xf32, #tpu.memory_space<vmem>>
      tpu.enqueue_dma source(%dma_start3A_1067 : memref<8x128xf32, #tpu.memory_space<vmem>>) target(%dma_start3A_1064 : memref<8x128xf32, #tpu.memory_space<hbm>>) target_semaphore(%arg14 : memref<!tpu.dma_semaphore, #tpu.memory_space<semaphore_mem>>)
      %mul3A_1068 = arith.constant 8 : i32
      %mul3A_1069 = arith.muli %add3A_759, %mul3A_1068 : i32
      %add3A_1070 = arith.constant 6 : i32
      %add3A_1071 = arith.addi %mul3A_1069, %add3A_1070 : i32
      %mul3A_1072 = arith.constant 32 : i32
      %mul3A_1073 = arith.muli %add3A_1071, %mul3A_1072 : i32
      %add3A_1074 = arith.addi %mul3A_1073, %add3A : i32
      %mul3A_1075 = arith.constant 8 : i32
      %mul3A_1076 = arith.muli %add3A_1074, %mul3A_1075 : i32
      %dma_start3A_1077 = arith.constant 48 : i32
      %dma_start3A_1078 = arith.constant 0 : i32
      %dma_start3A_1079 = tpu.memref_slice %arg9[%dma_start3A_1077, %dma_start3A_1078] : memref<64x128xf32, #tpu.memory_space<vmem>> -> memref<8x128xf32, #tpu.memory_space<vmem>>
      %dma_start3A_1080 = arith.constant 0 : i32
      %dma_start3A_1081 = tpu.memref_slice %arg4[%mul3A_1076, %dma_start3A_1080] : memref<102400x128xf32, #tpu.memory_space<hbm>> -> memref<8x128xf32, #tpu.memory_space<hbm>>
      %dma_start3A_1082 = arith.constant 0 : i32
      %dma_start3A_1083 = tpu.memref_slice %arg4[%mul3A_1076, %dma_start3A_1082] : memref<102400x128xf32, #tpu.memory_space<hbm>> -> memref<8x128xf32, #tpu.memory_space<hbm>>
      %dma_start3A_1084 = arith.constant 48 : i32
      %dma_start3A_1085 = arith.constant 0 : i32
      %dma_start3A_1086 = tpu.memref_slice %arg9[%dma_start3A_1084, %dma_start3A_1085] : memref<64x128xf32, #tpu.memory_space<vmem>> -> memref<8x128xf32, #tpu.memory_space<vmem>>
      tpu.enqueue_dma source(%dma_start3A_1086 : memref<8x128xf32, #tpu.memory_space<vmem>>) target(%dma_start3A_1083 : memref<8x128xf32, #tpu.memory_space<hbm>>) target_semaphore(%arg14 : memref<!tpu.dma_semaphore, #tpu.memory_space<semaphore_mem>>)
      %mul3A_1087 = arith.constant 8 : i32
      %mul3A_1088 = arith.muli %add3A_759, %mul3A_1087 : i32
      %add3A_1089 = arith.constant 7 : i32
      %add3A_1090 = arith.addi %mul3A_1088, %add3A_1089 : i32
      %mul3A_1091 = arith.constant 32 : i32
      %mul3A_1092 = arith.muli %add3A_1090, %mul3A_1091 : i32
      %add3A_1093 = arith.addi %mul3A_1092, %add3A : i32
      %mul3A_1094 = arith.constant 8 : i32
      %mul3A_1095 = arith.muli %add3A_1093, %mul3A_1094 : i32
      %dma_start3A_1096 = arith.constant 56 : i32
      %dma_start3A_1097 = arith.constant 0 : i32
      %dma_start3A_1098 = tpu.memref_slice %arg9[%dma_start3A_1096, %dma_start3A_1097] : memref<64x128xf32, #tpu.memory_space<vmem>> -> memref<8x128xf32, #tpu.memory_space<vmem>>
      %dma_start3A_1099 = arith.constant 0 : i32
      %dma_start3A_1100 = tpu.memref_slice %arg4[%mul3A_1095, %dma_start3A_1099] : memref<102400x128xf32, #tpu.memory_space<hbm>> -> memref<8x128xf32, #tpu.memory_space<hbm>>
      %dma_start3A_1101 = arith.constant 0 : i32
      %dma_start3A_1102 = tpu.memref_slice %arg4[%mul3A_1095, %dma_start3A_1101] : memref<102400x128xf32, #tpu.memory_space<hbm>> -> memref<8x128xf32, #tpu.memory_space<hbm>>
      %dma_start3A_1103 = arith.constant 56 : i32
      %dma_start3A_1104 = arith.constant 0 : i32
      %dma_start3A_1105 = tpu.memref_slice %arg9[%dma_start3A_1103, %dma_start3A_1104] : memref<64x128xf32, #tpu.memory_space<vmem>> -> memref<8x128xf32, #tpu.memory_space<vmem>>
      tpu.enqueue_dma source(%dma_start3A_1105 : memref<8x128xf32, #tpu.memory_space<vmem>>) target(%dma_start3A_1102 : memref<8x128xf32, #tpu.memory_space<hbm>>) target_semaphore(%arg14 : memref<!tpu.dma_semaphore, #tpu.memory_space<semaphore_mem>>)
    }
    %scan3A_737 = arith.constant 25 : i32
    %dma_wait3A_738 = arith.constant 0 : i32
    %dma_wait3A_739 = tpu.memref_slice %arg5[%dma_wait3A_738] : memref<6400xi32, #tpu.memory_space<vmem>> -> memref<128xi32, #tpu.memory_space<vmem>>
    %dma_wait3A_740 = arith.constant 0 : i32
    %dma_wait3A_741 = arith.constant 0 : i32
    %dma_wait3A_742 = tpu.memref_slice %arg2[%dma_wait3A_740, %dma_wait3A_741] : memref<100000x64xf32, #tpu.memory_space<hbm>> -> memref<100000x64xf32, #tpu.memory_space<hbm>>
    tpu.wait_indirect_dma semaphore(%arg11 : memref<!tpu.dma_semaphore, #tpu.memory_space<semaphore_mem>>) src(%dma_wait3A_742 : memref<100000x64xf32, #tpu.memory_space<hbm>>) dst(%arg6 : memref<128x64xf32, #tpu.memory_space<vmem>>)
    %dma_wait3A_743 = arith.constant 0 : i32
    %dma_wait3A_744 = arith.constant 0 : i32
    %dma_wait3A_745 = tpu.memref_slice %arg4[%dma_wait3A_743, %dma_wait3A_744] : memref<102400x128xf32, #tpu.memory_space<hbm>> -> memref<64x128xf32, #tpu.memory_space<hbm>>
    %dma_wait3A_746 = arith.constant 0 : i32
    %dma_wait3A_747 = arith.constant 0 : i32
    %dma_wait3A_748 = tpu.memref_slice %arg4[%dma_wait3A_746, %dma_wait3A_747] : memref<102400x128xf32, #tpu.memory_space<hbm>> -> memref<64x128xf32, #tpu.memory_space<hbm>>
    tpu.wait_dma2 semaphore(%arg13 : memref<!tpu.dma_semaphore, #tpu.memory_space<semaphore_mem>>) src(%arg8 : memref<64x128xf32, #tpu.memory_space<vmem>>) dst(%dma_wait3A_748 : memref<64x128xf32, #tpu.memory_space<hbm>>)
    %dma_wait3A_749 = arith.constant 0 : i32
    %dma_wait3A_750 = arith.constant 0 : i32
    %dma_wait3A_751 = tpu.memref_slice %arg4[%dma_wait3A_749, %dma_wait3A_750] : memref<102400x128xf32, #tpu.memory_space<hbm>> -> memref<64x128xf32, #tpu.memory_space<hbm>>
    %dma_wait3A_752 = arith.constant 0 : i32
    %dma_wait3A_753 = arith.constant 0 : i32
    %dma_wait3A_754 = tpu.memref_slice %arg4[%dma_wait3A_752, %dma_wait3A_753] : memref<102400x128xf32, #tpu.memory_space<hbm>> -> memref<64x128xf32, #tpu.memory_space<hbm>>
    tpu.wait_dma2 semaphore(%arg14 : memref<!tpu.dma_semaphore, #tpu.memory_space<semaphore_mem>>) src(%arg9 : memref<64x128xf32, #tpu.memory_space<vmem>>) dst(%dma_wait3A_754 : memref<64x128xf32, #tpu.memory_space<hbm>>)
    return
  }
}

</mosaic_0001>

<sc_bundles>
// kernel: kernel.3.cloned.1.call-start
scs
__scs_entry_jumppad:
0x0: {  	(pc) =	sbr.rel $0x88, $3  }
0x1: {  	(tag) =	ssettag $0x0;
	lr =	simm.s32 $0x1  }
0x2: {  	[smem:$0x3F9F] =	sst lr;
	_ =	strace $0xD0000000  }
0x3: {  	_ = 	snop  }
0x4: {  	_ = 	snop  }
0x5: {  	_ = 	snop  }
0x6: {  	_ = 	snop  }
0x7: {  	_ = 	snop  }
__scs_overlays_trampoline_lowered:
0x8: {  	[smem:$0x3FAE] =	sst s0  }
0x9: {  	[smem:$0x3FAF] =	sst s1  }
0xa: {  	[smem:$0x3FB0] =	sst s2  }
0xb: {  	[smem:$0x3FB1] =	sst s3  }
0xc: {  	[smem:$0x3FB2] =	sst s4  }
0xd: {  	[smem:$0x3FB3] =	sst s5  }
0xe: {  	[smem:$0x3FB4] =	sst s6  }
0xf: {  	[smem:$0x3FB5] =	sst s7  }
0x10: {  	[smem:$0x3FB6] =	sst s8  }
0x11: {  	[smem:$0x3FB7] =	sst s9;
	s0 =	simm.s32 @!p0 $0x0  }
0x12: {  	s1 =	sld [smem:$0x3F9D];
	s0 =	simm.s32 @p0 $0x1  }
0x13: {  	[smem:$0x3FB8] =	sst s0;
	s0 =	simm.s32 @!p1 $0x0  }
0x14: {  	s2 =	sld [smem:$0x3F9C];
	s0 =	simm.s32 @p1 $0x1  }
0x15: {  	[smem:$0x3FB9] =	sst s0;
	s0 =	simm.s32 @!p2 $0x0  }
0x16: {  	s3 =	sld [smem:$0x3FDB];
	s0 =	simm.s32 @p2 $0x1  }
0x17: {  	s4 =	simm.s32 $0x1BF5;
	[smem:$0x3FBB] =	sst s0  }
0x18: {  	s0 =	sld [smem:$0x3F9E];
	_ =	swait.ge [sflag:s4], $0x0  }
0x19: {  	s7 =	sld [smem:$0x3F9F]  }
0x1a: {  	s8 =	sadd.s32 $0xFFFFE003, lr  }
0x1b: {  	s9 =	sadd.s32 $0xFFFFFEF7, lr;
	s5 =	simm.s32 $0xFFFFFFFF;
	p2 =	slt.u32 s8, $0xFFFFF086  }
0x1c: {  	p1 =	slt.u32 s9, $0xF7A;
	s5 =	simm.s32 @!p2 $0x0  }
0x1d: {  	s5 =	simm.s32 @p1 $0x1;
	p0 =	seq.s32 s7, s2  }
0x1e: {  	s7 =	smul.u32 @!p0 $0xF7A, s2;
	p2 =	seq.s32 @!p0 s5, $0x0  }
0x1f: {  	s9 =	smul.u32 $0xF7A, s1;
	s8 =	simm.s32 @!p0 $0x1BF5;
	p2 =	por !p2, p0  }
0x20: {  	[sflag:s8] =	ssyncset.s32 @!p0 $0xFFFFF086;
	s6 =	sadd.s32 @!p0 s3, s7;
	s7 =	simm.s32 @!p0 $0x108  }
0x21: {  	s3 =	sadd.s32 s3, s9;
	s6 =	sadd.s32 @!p0 $0x88, s6;
	s7 =	simm.s32 @p2 $0x1082  }
0x22: {  	[simem:s7], [sflag:s8] =	dma.local @!p0 [hbm:s6], $0xF7A  }
0x23: {  	s9 =	sor.u32 $0xD0000000, s2;
	s6 =	simm.s32 $0x108;
	_ =	swait.ge @!p0 [sflag:s8], $0x0  }
0x24: {  	s3 =	sadd.s32 $0x88, s3;
	s6 =	simm.s32 @!p1 $0x1082;
	[sflag:s4] =	ssyncset.s32 $0xFFFFF086  }
0x25: {  	[simem:s6], [sflag:s4] =	dma.local [hbm:s3], $0xF7A  }
0x26: {  	[smem:$0x3F9F] =	sst s1;
	(tag) =	ssettag s2;
	_ =	strace s9  }
0x27: {  	s1 =	sld [smem:$0x3FAF]  }
0x28: {  	s2 =	sld [smem:$0x3FB0]  }
0x29: {  	s4 =	sld [smem:$0x3FB2]  }
0x2a: {  	p0 =	seq.s32 s5, $0x0;
	s5 =	sld [smem:$0x3FB3]  }
0x2b: {  	s6 =	sld [smem:$0x3FB4]  }
0x2c: {  	s7 =	sld [smem:$0x3FB5]  }
0x2d: {  	s3 =	simm.s32 $0x108;
	s8 =	sld [smem:$0x3FB6]  }
0x2e: {  	s3 =	simm.s32 @!p0 $0x1082;
	s9 =	sld [smem:$0x3FB7]  }
0x2f: {  	lr =	sadd.s32 s0, s3;
	s0 =	sld [smem:$0x3FAE]  }
0x30: {  	s3 =	sld [smem:$0x3FB1]  }
0x31: {  	[smem:$0x3FBA] =	sst s10  }
0x32: {  	s10 =	sld [smem:$0x3FB8];
	_ =	sdelay $0x3  }
0x33: {  	p0 =	seq.s32 s10, $0x1;
	s10 =	sld [smem:$0x3FBA];
	_ =	sdelay $0x3  }
0x34: {  	[smem:$0x3FBA] =	sst s10  }
0x35: {  	s10 =	sld [smem:$0x3FB9];
	_ =	sdelay $0x3  }
0x36: {  	p1 =	seq.s32 s10, $0x1;
	s10 =	sld [smem:$0x3FBA];
	_ =	sdelay $0x3  }
0x37: {  	[smem:$0x3FBA] =	sst s10  }
0x38: {  	s10 =	sld [smem:$0x3FBB]  }
0x39: {  	_ = 	snop;
	(pc) =	sbr.ind lr, $3  }
0x3a: {  	_ = 	snop  }
0x3b: {  	_ = 	snop  }
0x3c: {  	p2 =	seq.s32 s10, $0x1;
	s10 =	sld [smem:$0x3FBA]  }
0x3d: {  	_ =	shalt  }
0x3e: {  	_ =	shalt  }
0x3f: {  	_ =	shalt  }
0x40: {  	_ =	shalt  }
0x41: {  	_ =	shalt  }
0x42: {  	_ =	shalt  }
0x43: {  	_ =	shalt  }
0x44: {  	_ =	shalt  }
0x45: {  	_ =	shalt  }
0x46: {  	_ =	shalt  }
0x47: {  	_ =	shalt  }
0x48: {  	_ =	shalt  }
0x49: {  	_ =	shalt  }
0x4a: {  	_ =	shalt  }
0x4b: {  	_ =	shalt  }
0x4c: {  	_ =	shalt  }
0x4d: {  	_ =	shalt  }
0x4e: {  	_ =	shalt  }
0x4f: {  	_ =	shalt  }
0x50: {  	_ =	shalt  }
0x51: {  	_ =	shalt  }
0x52: {  	_ =	shalt  }
0x53: {  	_ =	shalt  }
0x54: {  	_ =	shalt  }
0x55: {  	_ =	shalt  }
0x56: {  	_ =	shalt  }
0x57: {  	_ =	shalt  }
0x58: {  	_ =	shalt  }
0x59: {  	_ =	shalt  }
0x5a: {  	_ =	shalt  }
0x5b: {  	_ =	shalt  }
0x5c: {  	_ =	shalt  }
0x5d: {  	_ =	shalt  }
0x5e: {  	_ =	shalt  }
0x5f: {  	_ =	shalt  }
0x60: {  	_ =	shalt  }
0x61: {  	_ =	shalt  }
0x62: {  	_ =	shalt  }
0x63: {  	_ =	shalt  }
0x64: {  	_ =	shalt  }
0x65: {  	_ =	shalt  }
0x66: {  	_ =	shalt  }
0x67: {  	_ =	shalt  }
0x68: {  	_ =	shalt  }
0x69: {  	_ =	shalt  }
0x6a: {  	_ =	shalt  }
0x6b: {  	_ =	shalt  }
0x6c: {  	_ =	shalt  }
0x6d: {  	_ =	shalt  }
0x6e: {  	_ =	shalt  }
0x6f: {  	_ =	shalt  }
0x70: {  	_ =	shalt  }
0x71: {  	_ =	shalt  }
0x72: {  	_ =	shalt  }
0x73: {  	_ =	shalt  }
0x74: {  	_ =	shalt  }
0x75: {  	_ =	shalt  }
0x76: {  	_ =	shalt  }
0x77: {  	_ =	shalt  }
0x78: {  	_ =	shalt  }
0x79: {  	_ =	shalt  }
0x7a: {  	_ =	shalt  }
0x7b: {  	_ =	shalt  }
0x7c: {  	_ =	shalt  }
0x7d: {  	_ =	shalt  }
0x7e: {  	_ =	shalt  }
0x7f: {  	_ =	shalt  }
0x80: {  	_ =	shalt  }
0x81: {  	_ =	shalt  }
0x82: {  	_ =	shalt  }
0x83: {  	_ =	shalt  }
0x84: {  	_ =	shalt  }
0x85: {  	_ =	shalt  }
0x86: {  	_ =	shalt  }
0x87: {  	_ =	shalt  }
.Lfunc_end0:
.L_simem_size_0:
called_computation_lowered:
.L_overlay_start_0:
0x88: {  	s2 =	sld [smem:$0x3FD9]  }
0x89: {  	s3 =	sld [smem:$0x3FFE];
	_ =	sdelay $0x1  }
0x8a: {  	s1 =	srdreg.scid  }
0x8b: {  	s0 =	sand.u32 $0x1, s1  }
0x8c: {  	s17 =	sshll.u32 s0, $0xA;
	s2 =	sadd.s32 s3, s2  }
0x8d: {  	s2 =	sadd.s32 s2, s17  }
0x8e: {  	[smem:$0x3FC6] =	sst s2  }
0x8f: {  	_ = 	snop  }
0x90: {  	s2 =	sld [smem:$0x3FD0];
	(tm) =	ssettm $0x1  }
0x91: {  	s18 =	sld [smem:$0x3FFB];
	_ =	sdelay $0x3  }
0x92: {  	_ =	strace s18  }
0x93: {  	s3 =	sld [smem:$0x3FFC];
	_ =	sdelay $0x3  }
0x94: {  	_ =	strace s3  }
0x95: {  	s3 =	sld [smem:$0x3FFD];
	_ =	sdelay $0x3  }
0x96: {  	_ =	strace s3  }
0x97: {  	_ =	strace $0x8FFFFFFF  }
0x98: {  	s19 =	sld [smem:$0x3FDB];
	_ =	sdelay $0x1  }
0x99: {  	s4 =	simm.s32 $_scs_section_size  }
0x9a: {  	s5 =	simm.s32 $_size__tile_overlayer_lowered;
	s6 =	simm.s32 $_tile_overlayer_lowered  }
0x9b: {  	s22 =	simm.s32 $0x1BFF;
	s21 =	sshll.u32 s6, $0x1;
	s3 =	sadd.s32 s4, s19  }
0x9c: {  	s7 =	simm.s32 $0x0;
	s20 =	sshll.u32 s5, $0x1;
	s5 =	sadd.s32 s21, s3  }
0x9d: {  	[timem:s7], [sflag:s22] =	dma.local [hbm:s5], s20  }
0x9e: {  	_ =	swait.ge [sflag:s22], s20  }
0x9f: {  	s4 =	ssub.s32 $0x0, s20;
	[sflag:s22] =	ssyncset.done $0x0  }
0xa0: {  	[sflag:s22] =	ssyncadd.s32 s4;
	_ =	sdelay $0x1  }
0xa1: {  	s23 =	simm.s32 $0x1B8B  }
0xa2: {  	_ =	swait.ge [sflag:s23], $0x1  }
0xa3: {  	[sflag:s23] =	ssyncset.done $0x0  }
0xa4: {  	s25 =	simm.s32 $0x1B8E;
	s24 =	sld [smem:$0x3FFE];
	[sflag:s23] =	ssyncadd.s32 $0xFFFFFFFF  }
0xa5: {  	s26 =	simm.s32 $execute0_lowered;
	[smem:$0x3FD2] =	sst s25  }
0xa6: {  	s5 =	sshll.u32 s26, $0x1;
	_ =	strace $0x80000046;
	[dreg:$0x1] =	wrdreg $0xFFFFFFFF  }
0xa7: {  	s28 =	simm.s32 $_size_execute0_lowered;
	s3 =	sadd.s32 s3, s5;
	[dreg:$0x0] =	wrdreg $0x0  }
0xa8: {  	s5 =	sshll.u32 s28, $0x1;
	[dreg:$0x2] =	wrdreg s3  }
0xa9: {  	[dreg:$0x3] =	wrdreg s5  }
0xaa: {  	[dreg:$0x4] =	wrdreg $0xC0  }
0xab: {  	_ =	task [dreg:s7], $0x5FFFF  }
0xac: {  	[dreg:$0x1] =	wrdreg $0xFFFFFFFF  }
0xad: {  	[dreg:$0x0] =	wrdreg $0x60  }
0xae: {  	[dreg:$0x2] =	wrdreg s24  }
0xaf: {  	[dreg:$0x3] =	wrdreg s2  }
0xb0: {  	[dreg:$0x4] =	wrdreg $0x9  }
0xb1: {  	_ =	task.clear_ibuf [dreg:s7], $0x5FFFF;
	_ =	strace $0x90000046  }
0xb2: {  	s29 =	simm.s32 $0x9;
	_ =	strace $0x80000048  }
0xb3: {  	_ =	swait.ge [sflag:s29], $0x1  }
0xb4: {  	[sflag:s29] =	ssyncadd.s32 $0xFFFFFFFF  }
0xb5: {  	_ =	strace $0x90000048  }
0xb6: {  	_ =	sfence  }
0xb7: {  	s30 =	sld [smem:$0x0];
	_ =	sdelay $0x2  }
0xb8: {  	s31 =	sshll.u32 s1, $0xD;
	s1 =	sshrl.u32 s1, $0x2  }
0xb9: {  	s3 =	sand.u32 $0x4000, s31;
	s1 =	sadd.s32 s1, s30  }
0xba: {  	s0 =	sor.u32 s3, s0;
	s1 =	sshll.u32 s1, $0x11  }
0xbb: {  	s0 =	sor.u32 s1, s0  }
0xbc: {  	s0 =	sadd.s32 $0x8F2B, s0  }
0xbd: {  	[sflag:s0] =	ssyncadd.remote.s32 $0x1  }
0xbe: {  	_ =	sfence.sel $0xFFFF  }
0xbf: {  	[dreg:$0x0] =	wrdreg $0xFFFFFFFF;
	(pc) =	sbr.abs _section_cstart, $3  }
0xc0: {  	[dreg:$0x1] =	wrdreg $0xFFFFFFFF  }
0xc1: {  	_ =	task.clear_ibuf [dreg:s7], $0x2FFFF;
	_ =	strace $0x9FFFFFFF  }
0xc2: {  	(tm) =	ssettm $0x7FFFFFFF  }
0xc3: {  	_ =	shalt  }
tec
execute0_lowered:
.L_overlay_start_1:
0x0: {  	(tag) =	ssettag $0x1  }
0x1: {  	s1 =	srdreg.scid;
	s4 =	stileid.u32  }
0x2: {  	s1 =	sand.u32 $0x1, s1;
	s4 =	sshll.u32 s4, $0x1  }
0x3: {  	s0 =	rddreg [dreg:$0x0];
	s5 =	sor.u32 s1, s4  }
0x4: {  	s2 =	rddreg [dreg:$0x1];
	s6 =	sshll.u32 s5, $0x4  }
0x5: {  	s3 =	simm.s32 $0x0;
	s4 =	sadd.s32 $0x6800, s0;
	s0 =	sadd.s32 s6, s0  }
0x6: {  	[smem:$0x7FF] =	sst s3;
	s6 =	sadd.s32 $0x400, s0  }
0x7: {  	_ =	strace $0x80000047;
	s22 =	sadd.s32 $0x600, s0;
	[dreg:$0x3] =	wrdreg s6  }
0x8: {  	s23 =	sadd.s32 $0x800, s0;
	[dreg:$0x4] =	wrdreg s22  }
0x9: {  	s24 =	sadd.s32 $0xA00, s0;
	[dreg:$0x5] =	wrdreg s23  }
0xa: {  	s1 =	ssub.s32 $0x2, s1;
	s25 =	sadd.s32 $0xC00, s0;
	[dreg:$0x6] =	wrdreg s24  }
0xb: {  	s7 =	sshrl.u32 s1, $0x1;
	s26 =	sadd.s32 $0xE00, s0;
	[dreg:$0x7] =	wrdreg s25  }
0xc: {  	s1 =	ssub.s32 s1, s7;
	s7 =	sadd.s32 $0x1000, s0;
	[dreg:$0x8] =	wrdreg s26  }
0xd: {  	s8 =	sadd.s32 $0x1200, s0;
	[dreg:$0x9] =	wrdreg s7  }
0xe: {  	s9 =	sadd.s32 $0x1400, s0;
	[dreg:$0xa] =	wrdreg s8  }
0xf: {  	s10 =	sadd.s32 $0x1600, s0;
	[dreg:$0xb] =	wrdreg s9  }
0x10: {  	s11 =	sadd.s32 $0x1800, s0;
	[dreg:$0xc] =	wrdreg s10  }
0x11: {  	s12 =	sadd.s32 $0x1A00, s0;
	[dreg:$0xd] =	wrdreg s11  }
0x12: {  	s13 =	sadd.s32 $0x1C00, s0;
	[dreg:$0xe] =	wrdreg s12  }
0x13: {  	s14 =	sadd.s32 $0x1E00, s0;
	[dreg:$0xf] =	wrdreg s13  }
0x14: {  	s15 =	sadd.s32 $0x2000, s0;
	[dreg:$0x10] =	wrdreg s14  }
0x15: {  	s16 =	sadd.s32 $0x2200, s0;
	[dreg:$0x11] =	wrdreg s15  }
0x16: {  	s17 =	sadd.s32 $0x2400, s0;
	[dreg:$0x12] =	wrdreg s16  }
0x17: {  	s18 =	sadd.s32 $0x2600, s0;
	[dreg:$0x13] =	wrdreg s17  }
0x18: {  	s19 =	sadd.s32 $0x2800, s0;
	[dreg:$0x14] =	wrdreg s18  }
0x19: {  	s20 =	sadd.s32 $0x2A00, s0;
	[dreg:$0x15] =	wrdreg s19  }
0x1a: {  	s21 =	sadd.s32 $0x2C00, s0;
	[dreg:$0x16] =	wrdreg s20  }
0x1b: {  	[dreg:$0x17] =	wrdreg s21;
	s22 =	sadd.s32 $0x2E00, s0  }
0x1c: {  	s23 =	sadd.s32 $0x3000, s0;
	[dreg:$0x18] =	wrdreg s22  }
0x1d: {  	s24 =	sadd.s32 $0x3200, s0;
	[dreg:$0x19] =	wrdreg s23  }
0x1e: {  	s25 =	sadd.s32 $0x3400, s0;
	[dreg:$0x1a] =	wrdreg s24  }
0x1f: {  	s26 =	sadd.s32 $0x3600, s0;
	[dreg:$0x1b] =	wrdreg s25  }
0x20: {  	s7 =	sadd.s32 $0x3800, s0;
	[dreg:$0x1c] =	wrdreg s26  }
0x21: {  	s8 =	sadd.s32 $0x3A00, s0;
	[dreg:$0x1d] =	wrdreg s7  }
0x22: {  	s9 =	sadd.s32 $0x3C00, s0;
	[dreg:$0x1e] =	wrdreg s8  }
0x23: {  	s10 =	sadd.s32 $0x3E00, s0;
	[dreg:$0x1f] =	wrdreg s9  }
0x24: {  	s11 =	sadd.s32 $0x4000, s0;
	[smem:$0x7D8] =	sst s10  }
0x25: {  	s12 =	sadd.s32 $0x4200, s0;
	[smem:$0x7D9] =	sst s11  }
0x26: {  	s13 =	sadd.s32 $0x4400, s0;
	[smem:$0x7DA] =	sst s12  }
0x27: {  	s14 =	sadd.s32 $0x4600, s0;
	[smem:$0x7DB] =	sst s13  }
0x28: {  	s15 =	sadd.s32 $0x4800, s0;
	[smem:$0x7DC] =	sst s14  }
0x29: {  	s16 =	sadd.s32 $0x4A00, s0;
	[smem:$0x7DD] =	sst s15  }
0x2a: {  	s17 =	sadd.s32 $0x4C00, s0;
	[smem:$0x7DE] =	sst s16  }
0x2b: {  	s18 =	sadd.s32 $0x4E00, s0;
	[smem:$0x7DF] =	sst s17  }
0x2c: {  	s19 =	sadd.s32 $0x5000, s0;
	[smem:$0x7E0] =	sst s18  }
0x2d: {  	s20 =	sadd.s32 $0x5200, s0;
	[smem:$0x7E1] =	sst s19  }
0x2e: {  	s21 =	sadd.s32 $0x5400, s0;
	[smem:$0x7E2] =	sst s20  }
0x2f: {  	[smem:$0x7E3] =	sst s21;
	s22 =	sadd.s32 $0x5600, s0  }
0x30: {  	s23 =	sadd.s32 $0x5800, s0;
	[smem:$0x7E4] =	sst s22  }
0x31: {  	s24 =	sadd.s32 $0x5A00, s0;
	[smem:$0x7E5] =	sst s23  }
0x32: {  	s25 =	sadd.s32 $0x5C00, s0;
	[smem:$0x7E6] =	sst s24  }
0x33: {  	s26 =	sadd.s32 $0x5E00, s0;
	[smem:$0x7E7] =	sst s25  }
0x34: {  	s7 =	sadd.s32 $0x6000, s0;
	[smem:$0x7E8] =	sst s26  }
0x35: {  	s29 =	simm.s32 $0x1900;
	s8 =	sadd.s32 $0x6200, s0;
	[smem:$0x7E9] =	sst s7  }
0x36: {  	s31 =	simm.s32 $0x5900;
	s9 =	sadd.s32 $0x6400, s0;
	[smem:$0x7EA] =	sst s8  }
0x37: {  	s30 =	sadd.s32 $0x1000, s2;
	s0 =	sadd.s32 $0x6600, s0;
	[smem:$0x7EB] =	sst s9  }
0x38: {  	s5 =	sshll.u32 s5, $0x7;
	s10 =	smax.u32 s1, $0x1;
	[smem:$0x7EC] =	sst s0  }
0x39: {  	s6 =	sadd.s32 $0x2000, s2;
	s13 =	sadd.s32 s5, s30;
	[smem:$0x7ED] =	sst s10  }
0x3a: {  	s28 =	simm.s32 $0x2;
	s14 =	sadd.s32 s5, s6;
	[smem:$0x7EE] =	sst s13  }
0x3b: {  	s11 =	sadd.s32 s2, s5;
	s12 =	sadd.s32 $0x5000, s2;
	[smem:$0x7EF] =	sst s14  }
0x3c: {  	s1 =	simm.s32 $0x4;
	s17 =	sadd.s32 s5, s12;
	[smem:$0x7FC] =	sst s11  }
0x3d: {  	s7 =	sadd.s32 $0x3000, s2;
	s20 =	sadd.s32 $0x8000, s11;
	[smem:$0x7F2] =	sst s17  }
0x3e: {  	s8 =	sadd.s32 $0x4000, s2;
	s21 =	sadd.s32 $0x9000, s11;
	[smem:$0x7F5] =	sst s20  }
0x3f: {  	s13 =	sadd.s32 $0x6000, s2;
	s22 =	sadd.s32 $0xA000, s11;
	[smem:$0x7F6] =	sst s21  }
0x40: {  	s14 =	sadd.s32 $0x7000, s2;
	s23 =	sadd.s32 $0xB000, s11;
	[smem:$0x7F7] =	sst s22  }
0x41: {  	s24 =	sadd.s32 $0xC000, s11;
	s25 =	sadd.s32 $0xD000, s11;
	[smem:$0x7F8] =	sst s23  }
0x42: {  	s26 =	sadd.s32 $0xE000, s11;
	s0 =	sadd.s32 $0xF000, s11;
	[smem:$0x7F9] =	sst s24  }
0x43: {  	s9 =	simm.s32 $0x3;
	s10 =	simm.s32 $0x5;
	[smem:$0x7FA] =	sst s25  }
0x44: {  	s15 =	sadd.s32 s5, s7;
	s16 =	sadd.s32 s5, s8;
	[smem:$0x7FB] =	sst s26  }
0x45: {  	s18 =	sadd.s32 s5, s13;
	s19 =	sadd.s32 s5, s14;
	[smem:$0x7FD] =	sst s0  }
0x46: {  	s26 =	simm.s32 $0x80;
	s22 =	simm.s32 $0x8900;
	[smem:$0x7F0] =	sst s15  }
0x47: {  	s23 =	simm.s32 $0x8D00;
	s24 =	simm.s32 $0x9100;
	[smem:$0x7F1] =	sst s16  }
0x48: {  	v0 =	vlaneseq.u32;
	s25 =	simm.s32 $0x9500;
	s0 =	simm.s32 $0x3900;
	[smem:$0x7F3] =	sst s18  }
0x49: {  	v1 =	vand.u32 $0x7, v0;
	v2 =	vor.u32 $0x78, v0;
	v3 =	vor.u32 $0xFFFFFFF8, v0;
	[smem:$0x7F4] =	sst s19;
	s18 =	simm.s32 $0x7900;
	s15 =	simm.s32 $0x0  }
.LBB2_1:
0x4a: {  	[smem:$0x7D7] =	sst s15  }
0x4b: {  	s11 =	rddreg [dreg:$0x3]  }
0x4c: {  	s16 =	rddreg [dreg:$0x4]  }
0x4d: {  	[tilespmem:s3], [sflag:$0x1] =	stream.linear.gather [hbm4b:s11+s3], $0x80, $0x38;
	[tilespmem:$0x9900] =	vst v63  }
0x4e: {  	s17 =	rddreg [dreg:$0x5]  }
0x4f: {  	[tilespmem:s26], [sflag:$0x1] =	stream.linear.gather [hbm4b:s16+s3], $0x80, $0x38;
	[tilespmem:$0x9900] =	vst v63  }
0x50: {  	s19 =	simm.s32 $0x100;
	s20 =	rddreg [dreg:$0x6]  }
0x51: {  	[tilespmem:s19], [sflag:$0x1] =	stream.linear.gather [hbm4b:s17+s3], $0x80, $0x38;
	[tilespmem:$0x9900] =	vst v63  }
0x52: {  	s21 =	simm.s32 $0x180;
	s15 =	rddreg [dreg:$0x7]  }
0x53: {  	[tilespmem:s21], [sflag:$0x1] =	stream.linear.gather [hbm4b:s20+s3], $0x80, $0x38;
	[tilespmem:$0x9900] =	vst v63  }
0x54: {  	s16 =	simm.s32 $0x200;
	s17 =	rddreg [dreg:$0x8]  }
0x55: {  	[tilespmem:s16], [sflag:$0x1] =	stream.linear.gather [hbm4b:s15+s3], $0x80, $0x38;
	[tilespmem:$0x9900] =	vst v63  }
0x56: {  	s19 =	simm.s32 $0x280;
	s20 =	rddreg [dreg:$0x9]  }
0x57: {  	[tilespmem:s19], [sflag:$0x1] =	stream.linear.gather [hbm4b:s17+s3], $0x80, $0x38;
	[tilespmem:$0x9900] =	vst v63  }
0x58: {  	s21 =	simm.s32 $0x300;
	s15 =	rddreg [dreg:$0xa]  }
0x59: {  	[tilespmem:s21], [sflag:$0x1] =	stream.linear.gather [hbm4b:s20+s3], $0x80, $0x38;
	[tilespmem:$0x9900] =	vst v63  }
0x5a: {  	s16 =	simm.s32 $0x380;
	s17 =	rddreg [dreg:$0xb]  }
0x5b: {  	[tilespmem:s16], [sflag:$0x1] =	stream.linear.gather [hbm4b:s15+s3], $0x80, $0x38;
	[tilespmem:$0x9900] =	vst v63  }
0x5c: {  	s19 =	simm.s32 $0x400;
	s20 =	rddreg [dreg:$0xc]  }
0x5d: {  	[tilespmem:s19], [sflag:$0x1] =	stream.linear.gather [hbm4b:s17+s3], $0x80, $0x38;
	[tilespmem:$0x9900] =	vst v63  }
0x5e: {  	s21 =	simm.s32 $0x480;
	s15 =	rddreg [dreg:$0xd]  }
0x5f: {  	[tilespmem:s21], [sflag:$0x1] =	stream.linear.gather [hbm4b:s20+s3], $0x80, $0x38;
	[tilespmem:$0x9900] =	vst v63  }
0x60: {  	s16 =	simm.s32 $0x500;
	s17 =	rddreg [dreg:$0xe]  }
0x61: {  	[tilespmem:s16], [sflag:$0x1] =	stream.linear.gather [hbm4b:s15+s3], $0x80, $0x38;
	[tilespmem:$0x9900] =	vst v63  }
0x62: {  	s19 =	simm.s32 $0x580;
	s20 =	rddreg [dreg:$0xf]  }
0x63: {  	[tilespmem:s19], [sflag:$0x1] =	stream.linear.gather [hbm4b:s17+s3], $0x80, $0x38;
	[tilespmem:$0x9900] =	vst v63  }
0x64: {  	s21 =	simm.s32 $0x600;
	s15 =	rddreg [dreg:$0x10]  }
0x65: {  	[tilespmem:s21], [sflag:$0x1] =	stream.linear.gather [hbm4b:s20+s3], $0x80, $0x38;
	[tilespmem:$0x9900] =	vst v63  }
0x66: {  	s16 =	simm.s32 $0x680;
	s17 =	rddreg [dreg:$0x11]  }
0x67: {  	[tilespmem:s16], [sflag:$0x1] =	stream.linear.gather [hbm4b:s15+s3], $0x80, $0x38;
	[tilespmem:$0x9900] =	vst v63  }
0x68: {  	s19 =	simm.s32 $0x700;
	s20 =	rddreg [dreg:$0x12]  }
0x69: {  	[tilespmem:s19], [sflag:$0x1] =	stream.linear.gather [hbm4b:s17+s3], $0x80, $0x38;
	[tilespmem:$0x9900] =	vst v63  }
0x6a: {  	s21 =	simm.s32 $0x780;
	s15 =	rddreg [dreg:$0x13]  }
0x6b: {  	[tilespmem:s21], [sflag:$0x1] =	stream.linear.gather [hbm4b:s20+s3], $0x80, $0x38;
	[tilespmem:$0x9900] =	vst v63  }
0x6c: {  	s16 =	simm.s32 $0x800;
	s17 =	rddreg [dreg:$0x14]  }
0x6d: {  	[tilespmem:s16], [sflag:$0x1] =	stream.linear.gather [hbm4b:s15+s3], $0x80, $0x38;
	[tilespmem:$0x9900] =	vst v63  }
0x6e: {  	s19 =	simm.s32 $0x880;
	s20 =	rddreg [dreg:$0x15]  }
0x6f: {  	[tilespmem:s19], [sflag:$0x1] =	stream.linear.gather [hbm4b:s17+s3], $0x80, $0x38;
	[tilespmem:$0x9900] =	vst v63  }
0x70: {  	s21 =	simm.s32 $0x900;
	s15 =	rddreg [dreg:$0x16]  }
0x71: {  	[tilespmem:s21], [sflag:$0x1] =	stream.linear.gather [hbm4b:s20+s3], $0x80, $0x38;
	[tilespmem:$0x9900] =	vst v63  }
0x72: {  	s16 =	simm.s32 $0x980;
	s17 =	rddreg [dreg:$0x17]  }
0x73: {  	[tilespmem:s16], [sflag:$0x1] =	stream.linear.gather [hbm4b:s15+s3], $0x80, $0x38;
	[tilespmem:$0x9900] =	vst v63  }
0x74: {  	s19 =	simm.s32 $0xA00;
	s20 =	rddreg [dreg:$0x18]  }
0x75: {  	[tilespmem:s19], [sflag:$0x1] =	stream.linear.gather [hbm4b:s17+s3], $0x80, $0x38;
	[tilespmem:$0x9900] =	vst v63  }
0x76: {  	s21 =	simm.s32 $0xA80;
	s15 =	rddreg [dreg:$0x19]  }
0x77: {  	[tilespmem:s21], [sflag:$0x1] =	stream.linear.gather [hbm4b:s20+s3], $0x80, $0x38;
	[tilespmem:$0x9900] =	vst v63  }
0x78: {  	s16 =	simm.s32 $0xB00;
	s17 =	rddreg [dreg:$0x1a]  }
0x79: {  	[tilespmem:s16], [sflag:$0x1] =	stream.linear.gather [hbm4b:s15+s3], $0x80, $0x38;
	[tilespmem:$0x9900] =	vst v63  }
0x7a: {  	s19 =	simm.s32 $0xB80;
	s20 =	rddreg [dreg:$0x1b]  }
0x7b: {  	[tilespmem:s19], [sflag:$0x1] =	stream.linear.gather [hbm4b:s17+s3], $0x80, $0x38;
	[tilespmem:$0x9900] =	vst v63  }
0x7c: {  	s21 =	simm.s32 $0xC00;
	s15 =	rddreg [dreg:$0x1c]  }
0x7d: {  	[tilespmem:s21], [sflag:$0x1] =	stream.linear.gather [hbm4b:s20+s3], $0x80, $0x38;
	[tilespmem:$0x9900] =	vst v63  }
0x7e: {  	s16 =	simm.s32 $0xC80;
	s17 =	rddreg [dreg:$0x1d]  }
0x7f: {  	[tilespmem:s16], [sflag:$0x1] =	stream.linear.gather [hbm4b:s15+s3], $0x80, $0x38;
	[tilespmem:$0x9900] =	vst v63  }
0x80: {  	s19 =	simm.s32 $0xD00;
	s20 =	rddreg [dreg:$0x1e]  }
0x81: {  	[tilespmem:s19], [sflag:$0x1] =	stream.linear.gather [hbm4b:s17+s3], $0x80, $0x38;
	[tilespmem:$0x9900] =	vst v63  }
0x82: {  	s21 =	simm.s32 $0xD80;
	s15 =	rddreg [dreg:$0x1f]  }
0x83: {  	[tilespmem:s21], [sflag:$0x1] =	stream.linear.gather [hbm4b:s20+s3], $0x80, $0x38;
	[tilespmem:$0x9900] =	vst v63  }
0x84: {  	s16 =	simm.s32 $0xE00;
	s17 =	sld [smem:$0x7D8]  }
0x85: {  	[tilespmem:s16], [sflag:$0x1] =	stream.linear.gather [hbm4b:s15+s3], $0x80, $0x38;
	[tilespmem:$0x9900] =	vst v63  }
0x86: {  	s19 =	simm.s32 $0xE80;
	s20 =	sld [smem:$0x7D9]  }
0x87: {  	[tilespmem:s19], [sflag:$0x1] =	stream.linear.gather [hbm4b:s17+s3], $0x80, $0x38;
	[tilespmem:$0x9900] =	vst v63  }
0x88: {  	s21 =	simm.s32 $0xF00;
	s15 =	sld [smem:$0x7DA]  }
0x89: {  	[tilespmem:s21], [sflag:$0x1] =	stream.linear.gather [hbm4b:s20+s3], $0x80, $0x38;
	[tilespmem:$0x9900] =	vst v63  }
0x8a: {  	s16 =	simm.s32 $0xF80;
	s17 =	sld [smem:$0x7DB]  }
0x8b: {  	[tilespmem:s16], [sflag:$0x1] =	stream.linear.gather [hbm4b:s15+s3], $0x80, $0x38;
	[tilespmem:$0x9900] =	vst v63  }
0x8c: {  	s19 =	simm.s32 $0x1000;
	s20 =	sld [smem:$0x7DC]  }
0x8d: {  	[tilespmem:s19], [sflag:$0x1] =	stream.linear.gather [hbm4b:s17+s3], $0x80, $0x38;
	[tilespmem:$0x9900] =	vst v63  }
0x8e: {  	s21 =	simm.s32 $0x1080;
	s15 =	sld [smem:$0x7DD]  }
0x8f: {  	[tilespmem:s21], [sflag:$0x1] =	stream.linear.gather [hbm4b:s20+s3], $0x80, $0x38;
	[tilespmem:$0x9900] =	vst v63  }
0x90: {  	s16 =	simm.s32 $0x1100;
	s17 =	sld [smem:$0x7DE]  }
0x91: {  	[tilespmem:s16], [sflag:$0x1] =	stream.linear.gather [hbm4b:s15+s3], $0x80, $0x38;
	[tilespmem:$0x9900] =	vst v63  }
0x92: {  	s19 =	simm.s32 $0x1180;
	s20 =	sld [smem:$0x7DF]  }
0x93: {  	[tilespmem:s19], [sflag:$0x1] =	stream.linear.gather [hbm4b:s17+s3], $0x80, $0x38;
	[tilespmem:$0x9900] =	vst v63  }
0x94: {  	s21 =	simm.s32 $0x1200;
	s15 =	sld [smem:$0x7E0]  }
0x95: {  	[tilespmem:s21], [sflag:$0x1] =	stream.linear.gather [hbm4b:s20+s3], $0x80, $0x38;
	[tilespmem:$0x9900] =	vst v63  }
0x96: {  	s16 =	simm.s32 $0x1280;
	s17 =	sld [smem:$0x7E1]  }
0x97: {  	[tilespmem:s16], [sflag:$0x1] =	stream.linear.gather [hbm4b:s15+s3], $0x80, $0x38;
	[tilespmem:$0x9900] =	vst v63  }
0x98: {  	s19 =	simm.s32 $0x1300;
	s20 =	sld [smem:$0x7E2]  }
0x99: {  	[tilespmem:s19], [sflag:$0x1] =	stream.linear.gather [hbm4b:s17+s3], $0x80, $0x38;
	[tilespmem:$0x9900] =	vst v63  }
0x9a: {  	s21 =	simm.s32 $0x1380;
	s15 =	sld [smem:$0x7E3]  }
0x9b: {  	[tilespmem:s21], [sflag:$0x1] =	stream.linear.gather [hbm4b:s20+s3], $0x80, $0x38;
	[tilespmem:$0x9900] =	vst v63  }
0x9c: {  	s16 =	simm.s32 $0x1400;
	s17 =	sld [smem:$0x7E4]  }
0x9d: {  	[tilespmem:s16], [sflag:$0x1] =	stream.linear.gather [hbm4b:s15+s3], $0x80, $0x38;
	[tilespmem:$0x9900] =	vst v63  }
0x9e: {  	s19 =	simm.s32 $0x1480;
	s20 =	sld [smem:$0x7E5]  }
0x9f: {  	[tilespmem:s19], [sflag:$0x1] =	stream.linear.gather [hbm4b:s17+s3], $0x80, $0x38;
	[tilespmem:$0x9900] =	vst v63  }
0xa0: {  	s21 =	simm.s32 $0x1500;
	s15 =	sld [smem:$0x7E6]  }
0xa1: {  	[tilespmem:s21], [sflag:$0x1] =	stream.linear.gather [hbm4b:s20+s3], $0x80, $0x38;
	[tilespmem:$0x9900] =	vst v63  }
0xa2: {  	s16 =	simm.s32 $0x1580;
	s17 =	sld [smem:$0x7E7]  }
0xa3: {  	[tilespmem:s16], [sflag:$0x1] =	stream.linear.gather [hbm4b:s15+s3], $0x80, $0x38;
	[tilespmem:$0x9900] =	vst v63  }
0xa4: {  	s19 =	simm.s32 $0x1600;
	s20 =	sld [smem:$0x7E8]  }
0xa5: {  	[tilespmem:s19], [sflag:$0x1] =	stream.linear.gather [hbm4b:s17+s3], $0x80, $0x38;
	[tilespmem:$0x9900] =	vst v63  }
0xa6: {  	s21 =	simm.s32 $0x1680;
	s15 =	sld [smem:$0x7E9]  }
0xa7: {  	[tilespmem:s21], [sflag:$0x1] =	stream.linear.gather [hbm4b:s20+s3], $0x80, $0x38;
	[tilespmem:$0x9900] =	vst v63  }
0xa8: {  	s16 =	simm.s32 $0x1700;
	s17 =	sld [smem:$0x7EA]  }
0xa9: {  	[tilespmem:s16], [sflag:$0x1] =	stream.linear.gather [hbm4b:s15+s3], $0x80, $0x38;
	[tilespmem:$0x9900] =	vst v63  }
0xaa: {  	s19 =	simm.s32 $0x1780;
	s20 =	sld [smem:$0x7EB]  }
0xab: {  	[tilespmem:s19], [sflag:$0x1] =	stream.linear.gather [hbm4b:s17+s3], $0x80, $0x38;
	[tilespmem:$0x9900] =	vst v63  }
0xac: {  	s21 =	simm.s32 $0x1800;
	s15 =	sld [smem:$0x7EC]  }
0xad: {  	[tilespmem:s21], [sflag:$0x1] =	stream.linear.gather [hbm4b:s20+s3], $0x80, $0x38;
	[tilespmem:$0x9900] =	vst v63  }
0xae: {  	s16 =	simm.s32 $0x1880;
	s17 =	simm.s32 $0x1  }
0xaf: {  	[tilespmem:s16], [sflag:$0x1] =	stream.linear.gather [hbm4b:s15+s3], $0x80, $0x38;
	[tilespmem:$0x9900] =	vst v63  }
0xb0: {  	_ =	swait.ge [sflag:s17], $0x1900  }
0xb1: {  	[sflag:s17] =	ssyncset.done $0x0  }
0xb2: {  	s19 =	sld [smem:$0x7FC];
	[sflag:s17] =	ssyncadd.s32 $0xFFFFE700  }
0xb3: {  	[tilespmem:s29], [sflag:$0x2] =	stream.indirect.gather [hbm4b:s4+s26], $0x40, s3, s26, $0xb8;
	[tilespmem:$0x9900] =	vst v63  }
0xb4: {  	s20 =	sld [smem:$0x7EE]  }
0xb5: {  	[hbm4b:s19+s3] =	stream.linear.scatter [tilespmem:s31], [sflag:$0x4], $0x400, $0x38;
	[tilespmem:$0x9900] =	vst v63  }
0xb6: {  	s21 =	simm.s32 $0x5D00;
	s15 =	sld [smem:$0x7EF]  }
0xb7: {  	[hbm4b:s20+s3] =	stream.linear.scatter [tilespmem:s21], [sflag:$0x4], $0x400, $0x38;
	[tilespmem:$0x9900] =	vst v63  }
0xb8: {  	s16 =	simm.s32 $0x6100;
	s17 =	sld [smem:$0x7F0]  }
0xb9: {  	[hbm4b:s15+s3] =	stream.linear.scatter [tilespmem:s16], [sflag:$0x4], $0x400, $0x38;
	[tilespmem:$0x9900] =	vst v63  }
0xba: {  	s19 =	simm.s32 $0x6500;
	s20 =	sld [smem:$0x7F1]  }
0xbb: {  	[hbm4b:s17+s3] =	stream.linear.scatter [tilespmem:s19], [sflag:$0x4], $0x400, $0x38;
	[tilespmem:$0x9900] =	vst v63  }
0xbc: {  	s21 =	simm.s32 $0x6900;
	s15 =	sld [smem:$0x7F2]  }
0xbd: {  	[hbm4b:s20+s3] =	stream.linear.scatter [tilespmem:s21], [sflag:$0x4], $0x400, $0x38;
	[tilespmem:$0x9900] =	vst v63  }
0xbe: {  	s16 =	simm.s32 $0x6D00;
	s17 =	sld [smem:$0x7F3]  }
0xbf: {  	[hbm4b:s15+s3] =	stream.linear.scatter [tilespmem:s16], [sflag:$0x4], $0x400, $0x38;
	[tilespmem:$0x9900] =	vst v63  }
0xc0: {  	s19 =	simm.s32 $0x7100;
	s20 =	sld [smem:$0x7F4]  }
0xc1: {  	[hbm4b:s17+s3] =	stream.linear.scatter [tilespmem:s19], [sflag:$0x4], $0x400, $0x38;
	[tilespmem:$0x9900] =	vst v63  }
0xc2: {  	s21 =	simm.s32 $0x7500;
	s16 =	sld [smem:$0x7F5]  }
0xc3: {  	[hbm4b:s20+s3] =	stream.linear.scatter [tilespmem:s21], [sflag:$0x4], $0x400, $0x38;
	[tilespmem:$0x9900] =	vst v63  }
0xc4: {  	s17 =	sld [smem:$0x7F6]  }
0xc5: {  	[hbm4b:s16+s3] =	stream.linear.scatter [tilespmem:s18], [sflag:$0x5], $0x400, $0x38;
	[tilespmem:$0x9900] =	vst v63  }
0xc6: {  	s19 =	simm.s32 $0x7D00;
	s20 =	sld [smem:$0x7F7]  }
0xc7: {  	[hbm4b:s17+s3] =	stream.linear.scatter [tilespmem:s19], [sflag:$0x5], $0x400, $0x38;
	[tilespmem:$0x9900] =	vst v63  }
0xc8: {  	s15 =	sld [smem:$0x7F8];
	s21 =	simm.s32 $0x8100  }
0xc9: {  	[hbm4b:s20+s3] =	stream.linear.scatter [tilespmem:s21], [sflag:$0x5], $0x400, $0x38;
	[tilespmem:$0x9900] =	vst v63  }
0xca: {  	s16 =	simm.s32 $0x8500;
	s17 =	sld [smem:$0x7F9]  }
0xcb: {  	[hbm4b:s15+s3] =	stream.linear.scatter [tilespmem:s16], [sflag:$0x5], $0x400, $0x38;
	[tilespmem:$0x9900] =	vst v63  }
0xcc: {  	s19 =	sld [smem:$0x7FA]  }
0xcd: {  	[hbm4b:s17+s3] =	stream.linear.scatter [tilespmem:s22], [sflag:$0x5], $0x400, $0x38;
	[tilespmem:$0x9900] =	vst v63  }
0xce: {  	s20 =	sld [smem:$0x7FB]  }
0xcf: {  	[hbm4b:s19+s3] =	stream.linear.scatter [tilespmem:s23], [sflag:$0x5], $0x400, $0x38;
	[tilespmem:$0x9900] =	vst v63  }
0xd0: {  	s21 =	sld [smem:$0x7FD]  }
0xd1: {  	[hbm4b:s20+s3] =	stream.linear.scatter [tilespmem:s24], [sflag:$0x5], $0x400, $0x38;
	[tilespmem:$0x9900] =	vst v63  }
0xd2: {  	s11 =	simm.s32 $0x0  }
0xd3: {  	[hbm4b:s21+s3] =	stream.linear.scatter [tilespmem:s25], [sflag:$0x5], $0x400, $0x38;
	[tilespmem:$0x9900] =	vst v63  }
.LBB2_2:
0xd4: {  	s15 =	sshllo.u32 s11, $0x1  }
0xd5: {  	s16 =	sshll.u32 s15, $0x7  }
0xd6: {  	s16 =	sand.u32 $0x3FFFFF80, s16  }
0xd7: {  	[tilespmem:s0], [sflag:$0x3] =	stream.indirect.gather [hbm4b:s4+s26], $0x40, s16, s26, $0xb8;
	[tilespmem:$0x9900] =	vst v63  }
0xd8: {  	_ =	swait.ge [sflag:s28], $0x2000  }
0xd9: {  	[sflag:s28] =	ssyncset.done $0x0  }
0xda: {  	[sflag:s28] =	ssyncadd.s32 $0xFFFFE000  }
0xdb: {  	_ =	swait.ge [sflag:s1], $0x2000  }
0xdc: {  	[sflag:s1] =	ssyncset.done $0x0  }
0xdd: {  	s17 =	sshll.u32 s11, $0x1;
	s16 =	simm.s32 $0x0;
	[sflag:s1] =	ssyncadd.s32 $0xFFFFE000  }
.LBB2_3:
0xde: {  	s19 =	sshll.u32 s16, $0x4  }
0xdf: {  	s20 =	simm.s32 $0x0;
	v4 =	vor.u32 s19, v0  }
0xe0: {  	v8 =	vor.u32 s20, v0;
	v5 =	vshll.u32 v4, $0x6  }
0xe1: {  	v6 =	vand.u32 $0x38, v8;
	v7 =	vor.u32 v1, v5  }
0xe2: {  	v9 =	vor.u32 v6, v7;
	_ =	sdelay $0x2  }
0xe3: {  	s21 =	simm.s32 $0x1  }
0xe4: {  	v10 =	vadd.s32 s21, v0;
	v8 =	vshll.u32 v8, $0x7;
	v6 =	vand.u32 v2, v4  }
0xe5: {  	v11 =	vand.u32 $0x3F, v10;
	v8 =	vor.u32 v6, v8;
	v9 =	vld.idx.msk [tilespmem:v9+s29+$0x0], $0xffff  }
0xe6: {  	v11 =	vor.u32 v5, v11;
	_ =	sdelay $0x2  }
0xe7: {  	s20 =	simm.s32 $0x2;
	v10 =	vshll.u32 v10, $0x7  }
0xe8: {  	[tilespmem:v8+s31+$0x0] =	vst.idx.msk $0xffff, v9;
	v8 =	vand.u32 $0x1F80, v10;
	v10 =	vadd.s32 s20, v0  }
0xe9: {  	v11 =	vld.idx.msk [tilespmem:v11+s29+$0x0], $0xffff;
	v8 =	vor.u32 v8, v6;
	v12 =	vand.u32 $0x3F, v10  }
0xea: {  	v12 =	vor.u32 v5, v12;
	_ =	sdelay $0x2  }
0xeb: {  	s21 =	simm.s32 $0x3;
	v10 =	vshll.u32 v10, $0x7  }
0xec: {  	[tilespmem:v8+s31+$0x0] =	vst.idx.msk $0xffff, v11;
	v8 =	vand.u32 $0x1F80, v10;
	v10 =	vadd.s32 s21, v0  }
0xed: {  	v12 =	vld.idx.msk [tilespmem:v12+s29+$0x0], $0xffff;
	v8 =	vor.u32 v8, v6;
	v13 =	vand.u32 $0x3F, v10  }
0xee: {  	v13 =	vor.u32 v5, v13;
	_ =	sdelay $0x2  }
0xef: {  	s20 =	simm.s32 $0x4;
	v10 =	vshll.u32 v10, $0x7  }
0xf0: {  	[tilespmem:v8+s31+$0x0] =	vst.idx.msk $0xffff, v12;
	v8 =	vand.u32 $0x1F80, v10;
	v10 =	vadd.s32 s20, v0  }
0xf1: {  	v13 =	vld.idx.msk [tilespmem:v13+s29+$0x0], $0xffff;
	v8 =	vor.u32 v8, v6;
	v14 =	vand.u32 $0x3F, v10  }
0xf2: {  	v14 =	vor.u32 v5, v14;
	_ =	sdelay $0x2  }
0xf3: {  	s21 =	simm.s32 $0x5;
	v10 =	vshll.u32 v10, $0x7  }
0xf4: {  	[tilespmem:v8+s31+$0x0] =	vst.idx.msk $0xffff, v13;
	v8 =	vand.u32 $0x1F80, v10;
	v10 =	vadd.s32 s21, v0  }
0xf5: {  	v14 =	vld.idx.msk [tilespmem:v14+s29+$0x0], $0xffff;
	v8 =	vor.u32 v8, v6;
	v15 =	vand.u32 $0x3F, v10  }
0xf6: {  	v15 =	vor.u32 v5, v15;
	_ =	sdelay $0x2  }
0xf7: {  	s20 =	simm.s32 $0x6;
	v10 =	vshll.u32 v10, $0x7  }
0xf8: {  	[tilespmem:v8+s31+$0x0] =	vst.idx.msk $0xffff, v14;
	v8 =	vand.u32 $0x1F80, v10;
	v10 =	vadd.s32 s20, v0  }
0xf9: {  	v15 =	vld.idx.msk [tilespmem:v15+s29+$0x0], $0xffff;
	v8 =	vor.u32 v8, v6;
	v16 =	vand.u32 $0x3F, v10  }
0xfa: {  	v16 =	vor.u32 v5, v16;
	_ =	sdelay $0x2  }
0xfb: {  	s21 =	simm.s32 $0x7;
	v10 =	vshll.u32 v10, $0x7  }
0xfc: {  	[tilespmem:v8+s31+$0x0] =	vst.idx.msk $0xffff, v15;
	v8 =	vand.u32 $0x1F80, v10;
	v10 =	vadd.s32 s21, v0  }
0xfd: {  	v16 =	vld.idx.msk [tilespmem:v16+s29+$0x0], $0xffff;
	v8 =	vor.u32 v8, v6;
	v17 =	vand.u32 $0x3F, v10  }
0xfe: {  	v17 =	vor.u32 v5, v17;
	_ =	sdelay $0x2  }
0xff: {  	s20 =	simm.s32 $0x8;
	v10 =	vshll.u32 v10, $0x7  }
0x100: {  	[tilespmem:v8+s31+$0x0] =	vst.idx.msk $0xffff, v16;
	v8 =	vand.u32 $0x1F80, v10;
	v10 =	vadd.s32 s20, v0  }
0x101: {  	v17 =	vld.idx.msk [tilespmem:v17+s29+$0x0], $0xffff;
	v8 =	vor.u32 v8, v6;
	v18 =	vand.u32 $0x38, v10  }
0x102: {  	v18 =	vor.u32 v18, v7;
	_ =	sdelay $0x2  }
0x103: {  	s21 =	simm.s32 $0x9;
	v10 =	vshll.u32 v10, $0x7  }
0x104: {  	[tilespmem:v8+s31+$0x0] =	vst.idx.msk $0xffff, v17;
	v8 =	vand.u32 $0x1F80, v10;
	v10 =	vadd.s32 s21, v0  }
0x105: {  	v18 =	vld.idx.msk [tilespmem:v18+s29+$0x0], $0xffff;
	v8 =	vor.u32 v8, v6;
	v19 =	vand.u32 $0x3F, v10  }
0x106: {  	v19 =	vor.u32 v5, v19;
	_ =	sdelay $0x2  }
0x107: {  	s20 =	simm.s32 $0xA;
	v10 =	vshll.u32 v10, $0x7  }
0x108: {  	[tilespmem:v8+s31+$0x0] =	vst.idx.msk $0xffff, v18;
	v8 =	vand.u32 $0x1F80, v10;
	v10 =	vadd.s32 s20, v0  }
0x109: {  	v19 =	vld.idx.msk [tilespmem:v19+s29+$0x0], $0xffff;
	v8 =	vor.u32 v8, v6;
	v20 =	vand.u32 $0x3F, v10  }
0x10a: {  	v20 =	vor.u32 v5, v20;
	_ =	sdelay $0x2  }
0x10b: {  	s21 =	simm.s32 $0xB;
	v10 =	vshll.u32 v10, $0x7  }
0x10c: {  	[tilespmem:v8+s31+$0x0] =	vst.idx.msk $0xffff, v19;
	v8 =	vand.u32 $0x1F80, v10;
	v10 =	vadd.s32 s21, v0  }
0x10d: {  	v20 =	vld.idx.msk [tilespmem:v20+s29+$0x0], $0xffff;
	v8 =	vor.u32 v8, v6;
	v21 =	vand.u32 $0x3F, v10  }
0x10e: {  	v21 =	vor.u32 v5, v21;
	_ =	sdelay $0x2  }
0x10f: {  	s20 =	simm.s32 $0xC;
	v10 =	vshll.u32 v10, $0x7  }
0x110: {  	[tilespmem:v8+s31+$0x0] =	vst.idx.msk $0xffff, v20;
	v8 =	vand.u32 $0x1F80, v10;
	v10 =	vadd.s32 s20, v0  }
0x111: {  	v21 =	vld.idx.msk [tilespmem:v21+s29+$0x0], $0xffff;
	v8 =	vor.u32 v8, v6;
	v22 =	vand.u32 $0x3F, v10  }
0x112: {  	v22 =	vor.u32 v5, v22  }
0x113: {  	v9 =	vmul.f32 v9, v9  }
0x114: {  	v23 =	vimm.f32 $0.0e+00  }
0x115: {  	v24 =	vadd.f32 v9, v23;
	s21 =	simm.s32 $0xD;
	v9 =	vshll.u32 v10, $0x7  }
0x116: {  	v10 =	vmul.f32 v11, v11;
	v11 =	vadd.s32 s21, v0;
	[tilespmem:v8+s31+$0x0] =	vst.idx.msk $0xffff, v21;
	v8 =	vand.u32 $0x1F80, v9  }
0x117: {  	v9 =	vmul.f32 v12, v12;
	v22 =	vld.idx.msk [tilespmem:v22+s29+$0x0], $0xffff;
	v12 =	vor.u32 v8, v6;
	v8 =	vand.u32 $0x3F, v11  }
0x118: {  	v13 =	vmul.f32 v13, v13;
	v25 =	vor.u32 v5, v8  }
0x119: {  	v11 =	vshll.u32 v11, $0x7;
	v26 =	vadd.f32 v9, v23;
	v8 =	vmul.f32 v14, v14  }
0x11a: {  	v9 =	vmul.f32 v15, v15;
	v14 =	vadd.f32 v13, v23;
	v15 =	vmul.f32 v17, v17  }
0x11b: {  	s20 =	simm.s32 $0xE;
	v13 =	vmul.f32 v16, v16;
	v11 =	vand.u32 $0x1F80, v11;
	v16 =	vadd.f32 v8, v23  }
0x11c: {  	v17 =	vadd.s32 s20, v0;
	v8 =	vadd.f32 v15, v23;
	[tilespmem:v12+s31+$0x0] =	vst.idx.msk $0xffff, v22;
	v12 =	vmul.f32 v18, v18  }
0x11d: {  	v18 =	vmul.f32 v19, v19;
	v19 =	vor.u32 v11, v6;
	v11 =	vand.u32 $0x3F, v17;
	v15 =	vld.idx.msk [tilespmem:v25+s29+$0x0], $0xffff  }
0x11e: {  	v10 =	vadd.f32 v10, v23;
	v21 =	vmul.f32 v21, v21;
	v63 =	vor.u32 v5, v11  }
0x11f: {  	v20 =	vmul.f32 v20, v20;
	v27 =	vadd.f32 v9, v23;
	v9 =	vadd.f32 v13, v23  }
0x120: {  	v11 =	vadd.f32 v21, v14;
	v14 =	vmul.f32 v22, v22;
	v13 =	vadd.f32 v12, v24  }
0x121: {  	s21 =	simm.s32 $0xF;
	v12 =	vadd.f32 v18, v10;
	v10 =	vadd.f32 v20, v26;
	v20 =	vshll.u32 v17, $0x7  }
0x122: {  	v17 =	vadd.s32 s21, v0;
	v18 =	vmul.f32 v15, v15;
	[tilespmem:v19+s31+$0x0] =	vst.idx.msk $0xffff, v15;
	v19 =	vand.u32 $0x1F80, v20  }
0x123: {  	v14 =	vadd.f32 v14, v16;
	v20 =	vand.u32 $0x3F, v17;
	v16 =	vld.idx.msk [tilespmem:v63+s29+$0x0], $0xffff;
	v19 =	vor.u32 v19, v6  }
0x124: {  	v15 =	vadd.f32 v18, v27;
	v18 =	vor.u32 v5, v20;
	_ =	sdelay $0x1  }
0x125: {  	s19 =	simm.s32 $0x1F;
	s20 =	simm.s32 $0x2F  }
.LBB2_4:
0x126: {  	p0 =	sne.s32 s20, $0x3F  }
0x127: {  	s21 =	sadd.s32 $0xFFFFFFF1, s19;
	v20 =	vmul.f32 v16, v16;
	[tilespmem:v19+s31+$0x0] =	vst.idx.msk $0xffff, v16;
	v16 =	vshll.u32 v17, $0x7  }
0x128: {  	v17 =	vor.u32 s21, v0;
	v18 =	vld.idx.msk [tilespmem:v18+s29+$0x0], $0xffff;
	v16 =	vand.u32 $0x1F80, v16  }
0x129: {  	v19 =	vand.u32 $0x38, v17;
	v9 =	vadd.f32 v20, v9;
	v16 =	vor.u32 v16, v6  }
0x12a: {  	v19 =	vor.u32 v19, v7;
	_ =	sdelay $0x3  }
0x12b: {  	s21 =	sadd.s32 $0xFFFFFFF2, s19;
	v20 =	vmul.f32 v18, v18;
	[tilespmem:v16+s31+$0x0] =	vst.idx.msk $0xffff, v18  }
0x12c: {  	v17 =	vshll.u32 v17, $0x7;
	v18 =	vadd.s32 s21, v0;
	v16 =	vld.idx.msk [tilespmem:v19+s29+$0x0], $0xffff  }
0x12d: {  	v17 =	vor.u32 v6, v17;
	v19 =	vand.u32 $0x3F, v18;
	v8 =	vadd.f32 v20, v8  }
0x12e: {  	v19 =	vor.u32 v5, v19;
	_ =	sdelay $0x3  }
0x12f: {  	s21 =	sadd.s32 $0xFFFFFFF3, s19;
	v20 =	vmul.f32 v16, v16;
	[tilespmem:v17+s31+$0x0] =	vst.idx.msk $0xffff, v16;
	v16 =	vshll.u32 v18, $0x7  }
0x130: {  	v18 =	vadd.s32 s21, v0;
	v17 =	vld.idx.msk [tilespmem:v19+s29+$0x0], $0xffff;
	v16 =	vand.u32 $0x1F80, v16  }
0x131: {  	v13 =	vadd.f32 v20, v13;
	v19 =	vand.u32 $0x3F, v18;
	v16 =	vor.u32 v16, v6  }
0x132: {  	v19 =	vor.u32 v5, v19;
	_ =	sdelay $0x3  }
0x133: {  	s21 =	sadd.s32 $0xFFFFFFF4, s19;
	v20 =	vmul.f32 v17, v17;
	[tilespmem:v16+s31+$0x0] =	vst.idx.msk $0xffff, v17;
	v16 =	vshll.u32 v18, $0x7  }
0x134: {  	v18 =	vadd.s32 s21, v0;
	v17 =	vld.idx.msk [tilespmem:v19+s29+$0x0], $0xffff;
	v16 =	vand.u32 $0x1F80, v16  }
0x135: {  	v12 =	vadd.f32 v20, v12;
	v19 =	vand.u32 $0x3F, v18;
	v16 =	vor.u32 v16, v6  }
0x136: {  	v19 =	vor.u32 v5, v19;
	_ =	sdelay $0x3  }
0x137: {  	s21 =	sadd.s32 $0xFFFFFFF5, s19;
	v20 =	vmul.f32 v17, v17;
	[tilespmem:v16+s31+$0x0] =	vst.idx.msk $0xffff, v17;
	v16 =	vshll.u32 v18, $0x7  }
0x138: {  	v18 =	vadd.s32 s21, v0;
	v17 =	vld.idx.msk [tilespmem:v19+s29+$0x0], $0xffff;
	v16 =	vand.u32 $0x1F80, v16  }
0x139: {  	v10 =	vadd.f32 v20, v10;
	v19 =	vand.u32 $0x3F, v18;
	v16 =	vor.u32 v16, v6  }
0x13a: {  	v19 =	vor.u32 v5, v19;
	_ =	sdelay $0x3  }
0x13b: {  	s21 =	sadd.s32 $0xFFFFFFF6, s19;
	v20 =	vmul.f32 v17, v17;
	[tilespmem:v16+s31+$0x0] =	vst.idx.msk $0xffff, v17;
	v16 =	vshll.u32 v18, $0x7  }
0x13c: {  	v18 =	vadd.s32 s21, v0;
	v17 =	vld.idx.msk [tilespmem:v19+s29+$0x0], $0xffff;
	v16 =	vand.u32 $0x1F80, v16  }
0x13d: {  	v11 =	vadd.f32 v20, v11;
	v19 =	vand.u32 $0x3F, v18;
	v16 =	vor.u32 v16, v6  }
0x13e: {  	v19 =	vor.u32 v5, v19;
	_ =	sdelay $0x3  }
0x13f: {  	s21 =	sadd.s32 $0xFFFFFFF7, s19;
	v20 =	vmul.f32 v17, v17;
	[tilespmem:v16+s31+$0x0] =	vst.idx.msk $0xffff, v17;
	v16 =	vshll.u32 v18, $0x7  }
0x140: {  	v18 =	vadd.s32 s21, v0;
	v17 =	vld.idx.msk [tilespmem:v19+s29+$0x0], $0xffff;
	v16 =	vand.u32 $0x1F80, v16  }
0x141: {  	v14 =	vadd.f32 v20, v14;
	v19 =	vand.u32 $0x3F, v18;
	v16 =	vor.u32 v16, v6  }
0x142: {  	v19 =	vor.u32 v5, v19;
	_ =	sdelay $0x3  }
0x143: {  	s21 =	sadd.s32 $0xFFFFFFF8, s19;
	v20 =	vmul.f32 v17, v17;
	[tilespmem:v16+s31+$0x0] =	vst.idx.msk $0xffff, v17;
	v16 =	vshll.u32 v18, $0x7  }
0x144: {  	v18 =	vadd.s32 s21, v0;
	v17 =	vld.idx.msk [tilespmem:v19+s29+$0x0], $0xffff;
	v16 =	vand.u32 $0x1F80, v16  }
0x145: {  	v15 =	vadd.f32 v20, v15;
	v19 =	vand.u32 $0x3F, v18;
	v16 =	vor.u32 v16, v6  }
0x146: {  	v19 =	vor.u32 v5, v19;
	_ =	sdelay $0x3  }
0x147: {  	s21 =	sadd.s32 $0xFFFFFFF9, s19;
	v20 =	vmul.f32 v17, v17;
	[tilespmem:v16+s31+$0x0] =	vst.idx.msk $0xffff, v17;
	v16 =	vshll.u32 v18, $0x7  }
0x148: {  	v18 =	vadd.s32 s21, v0;
	v17 =	vld.idx.msk [tilespmem:v19+s29+$0x0], $0xffff;
	v16 =	vand.u32 $0x1F80, v16  }
0x149: {  	v9 =	vadd.f32 v20, v9;
	v19 =	vand.u32 $0x38, v18;
	v16 =	vor.u32 v16, v6  }
0x14a: {  	v19 =	vor.u32 v19, v7;
	_ =	sdelay $0x3  }
0x14b: {  	s21 =	sadd.s32 $0xFFFFFFFA, s19;
	v20 =	vmul.f32 v17, v17;
	[tilespmem:v16+s31+$0x0] =	vst.idx.msk $0xffff, v17;
	v16 =	vshll.u32 v18, $0x7  }
0x14c: {  	v18 =	vadd.s32 s21, v0;
	v17 =	vld.idx.msk [tilespmem:v19+s29+$0x0], $0xffff;
	v16 =	vand.u32 $0x1F80, v16  }
0x14d: {  	v8 =	vadd.f32 v20, v8;
	v19 =	vand.u32 $0x3F, v18;
	v16 =	vor.u32 v16, v6  }
0x14e: {  	v19 =	vor.u32 v5, v19;
	_ =	sdelay $0x3  }
0x14f: {  	s21 =	sadd.s32 $0xFFFFFFFB, s19;
	v20 =	vmul.f32 v17, v17;
	[tilespmem:v16+s31+$0x0] =	vst.idx.msk $0xffff, v17;
	v16 =	vshll.u32 v18, $0x7  }
0x150: {  	v18 =	vadd.s32 s21, v0;
	v17 =	vld.idx.msk [tilespmem:v19+s29+$0x0], $0xffff;
	v16 =	vand.u32 $0x1F80, v16  }
0x151: {  	v13 =	vadd.f32 v20, v13;
	v19 =	vand.u32 $0x3F, v18;
	v16 =	vor.u32 v16, v6  }
0x152: {  	v19 =	vor.u32 v5, v19;
	_ =	sdelay $0x3  }
0x153: {  	s21 =	sadd.s32 $0xFFFFFFFC, s19;
	v20 =	vmul.f32 v17, v17;
	[tilespmem:v16+s31+$0x0] =	vst.idx.msk $0xffff, v17;
	v16 =	vshll.u32 v18, $0x7  }
0x154: {  	v18 =	vadd.s32 s21, v0;
	v17 =	vld.idx.msk [tilespmem:v19+s29+$0x0], $0xffff;
	v16 =	vand.u32 $0x1F80, v16  }
0x155: {  	v12 =	vadd.f32 v20, v12;
	v19 =	vand.u32 $0x3F, v18;
	v16 =	vor.u32 v16, v6  }
0x156: {  	v19 =	vor.u32 v5, v19;
	_ =	sdelay $0x3  }
0x157: {  	s21 =	sadd.s32 $0xFFFFFFFD, s19;
	v20 =	vmul.f32 v17, v17;
	[tilespmem:v16+s31+$0x0] =	vst.idx.msk $0xffff, v17;
	v16 =	vshll.u32 v18, $0x7  }
0x158: {  	v18 =	vadd.s32 s21, v0;
	v17 =	vld.idx.msk [tilespmem:v19+s29+$0x0], $0xffff;
	v16 =	vand.u32 $0x1F80, v16  }
0x159: {  	v10 =	vadd.f32 v20, v10;
	v19 =	vand.u32 $0x3F, v18;
	v16 =	vor.u32 v16, v6  }
0x15a: {  	v19 =	vor.u32 v5, v19;
	_ =	sdelay $0x3  }
0x15b: {  	s21 =	sadd.s32 $0xFFFFFFFE, s19;
	v20 =	vmul.f32 v17, v17;
	[tilespmem:v16+s31+$0x0] =	vst.idx.msk $0xffff, v17;
	v16 =	vshll.u32 v18, $0x7  }
0x15c: {  	v18 =	vadd.s32 s21, v0;
	v17 =	vld.idx.msk [tilespmem:v19+s29+$0x0], $0xffff;
	v16 =	vand.u32 $0x1F80, v16  }
0x15d: {  	v11 =	vadd.f32 v20, v11;
	v19 =	vand.u32 $0x3F, v18;
	v16 =	vor.u32 v16, v6  }
0x15e: {  	v19 =	vor.u32 v5, v19;
	_ =	sdelay $0x3  }
0x15f: {  	s21 =	sadd.s32 $0xFFFFFFFF, s19;
	v20 =	vmul.f32 v17, v17;
	[tilespmem:v16+s31+$0x0] =	vst.idx.msk $0xffff, v17;
	v16 =	vshll.u32 v18, $0x7  }
0x160: {  	v18 =	vadd.s32 s21, v0;
	v17 =	vld.idx.msk [tilespmem:v19+s29+$0x0], $0xffff;
	v16 =	vand.u32 $0x1F80, v16  }
0x161: {  	v14 =	vadd.f32 v20, v14;
	v19 =	vand.u32 $0x3F, v18;
	v16 =	vor.u32 v16, v6  }
0x162: {  	v19 =	vor.u32 v5, v19;
	_ =	sdelay $0x3  }
0x163: {  	v20 =	vmul.f32 v17, v17;
	[tilespmem:v16+s31+$0x0] =	vst.idx.msk $0xffff, v17;
	v17 =	vshll.u32 v18, $0x7  }
.Ltmp0:
0x164: {  	v16 =	vld.idx.msk [tilespmem:v19+s29+$0x0], $0xffff;
	v18 =	vand.u32 $0x1F80, v17;
	v17 =	vadd.s32 s19, v0;
	s19 =	smov.u32 s20;
	(pc) =	sbr.rel @p0 .LBB2_4-.Ltmp0, $3  }
0x165: {  	v15 =	vadd.f32 v20, v15;
	v19 =	vor.u32 v18, v6;
	v18 =	vand.u32 $0x3F, v17  }
0x166: {  	v18 =	vor.u32 v5, v18;
	_ =	sdelay $0x1  }
0x167: {  	s20 =	sadd.s32 $0x10, s20  }
0x168: {  	_ =	sdelay $0x2  }
0x169: {  	s20 =	sadd.s32 $0xFFFFFFF1, s19;
	v17 =	vshll.u32 v17, $0x7  }
0x16a: {  	[tilespmem:v19+s31+$0x0] =	vst.idx.msk $0xffff, v16;
	v33 =	vor.u32 s20, v0;
	v20 =	vand.u32 $0x1F80, v17  }
0x16b: {  	v17 =	vld.idx.msk [tilespmem:v18+s29+$0x0], $0xffff;
	v34 =	vand.u32 $0x38, v33;
	v20 =	vor.u32 v20, v6  }
0x16c: {  	v18 =	vor.u32 v34, v7;
	_ =	sdelay $0x2  }
0x16d: {  	s21 =	sadd.s32 $0xFFFFFFF2, s19  }
0x16e: {  	v35 =	vadd.s32 s21, v0;
	v19 =	vshll.u32 v33, $0x7;
	[tilespmem:v20+s31+$0x0] =	vst.idx.msk $0xffff, v17  }
0x16f: {  	v21 =	vand.u32 $0x3F, v35;
	v19 =	vor.u32 v6, v19;
	v18 =	vld.idx.msk [tilespmem:v18+s29+$0x0], $0xffff  }
0x170: {  	v21 =	vor.u32 v5, v21;
	_ =	sdelay $0x2  }
0x171: {  	s21 =	sadd.s32 $0xFFFFFFF3, s19;
	v20 =	vshll.u32 v35, $0x7  }
0x172: {  	v37 =	vadd.s32 s21, v0;
	v36 =	vand.u32 $0x1F80, v20;
	[tilespmem:v19+s31+$0x0] =	vst.idx.msk $0xffff, v18  }
0x173: {  	v22 =	vand.u32 $0x3F, v37;
	v19 =	vor.u32 v36, v6;
	v21 =	vld.idx.msk [tilespmem:v21+s29+$0x0], $0xffff  }
0x174: {  	v22 =	vor.u32 v5, v22;
	_ =	sdelay $0x2  }
0x175: {  	s21 =	sadd.s32 $0xFFFFFFF4, s19;
	v20 =	vshll.u32 v37, $0x7  }
0x176: {  	v39 =	vadd.s32 s21, v0;
	v38 =	vand.u32 $0x1F80, v20;
	[tilespmem:v19+s31+$0x0] =	vst.idx.msk $0xffff, v21  }
0x177: {  	v23 =	vand.u32 $0x3F, v39;
	v19 =	vor.u32 v38, v6;
	v22 =	vld.idx.msk [tilespmem:v22+s29+$0x0], $0xffff  }
0x178: {  	v23 =	vor.u32 v5, v23;
	_ =	sdelay $0x2  }
0x179: {  	s21 =	sadd.s32 $0xFFFFFFF5, s19;
	v20 =	vshll.u32 v39, $0x7  }
0x17a: {  	v41 =	vadd.s32 s21, v0;
	v40 =	vand.u32 $0x1F80, v20;
	[tilespmem:v19+s31+$0x0] =	vst.idx.msk $0xffff, v22  }
0x17b: {  	v24 =	vand.u32 $0x3F, v41;
	v19 =	vor.u32 v40, v6;
	v23 =	vld.idx.msk [tilespmem:v23+s29+$0x0], $0xffff  }
0x17c: {  	v24 =	vor.u32 v5, v24;
	_ =	sdelay $0x2  }
0x17d: {  	s21 =	sadd.s32 $0xFFFFFFF6, s19;
	v20 =	vshll.u32 v41, $0x7  }
0x17e: {  	v43 =	vadd.s32 s21, v0;
	v42 =	vand.u32 $0x1F80, v20;
	[tilespmem:v19+s31+$0x0] =	vst.idx.msk $0xffff, v23  }
0x17f: {  	v25 =	vand.u32 $0x3F, v43;
	v19 =	vor.u32 v42, v6;
	v24 =	vld.idx.msk [tilespmem:v24+s29+$0x0], $0xffff  }
0x180: {  	v25 =	vor.u32 v5, v25;
	_ =	sdelay $0x2  }
0x181: {  	s21 =	sadd.s32 $0xFFFFFFF7, s19;
	v20 =	vshll.u32 v43, $0x7  }
0x182: {  	v45 =	vadd.s32 s21, v0;
	v44 =	vand.u32 $0x1F80, v20;
	[tilespmem:v19+s31+$0x0] =	vst.idx.msk $0xffff, v24  }
0x183: {  	v26 =	vand.u32 $0x3F, v45;
	v19 =	vor.u32 v44, v6;
	v25 =	vld.idx.msk [tilespmem:v25+s29+$0x0], $0xffff  }
0x184: {  	v26 =	vor.u32 v5, v26;
	_ =	sdelay $0x2  }
0x185: {  	s21 =	sadd.s32 $0xFFFFFFF8, s19;
	v20 =	vshll.u32 v45, $0x7  }
0x186: {  	v47 =	vadd.s32 s21, v0;
	v46 =	vand.u32 $0x1F80, v20;
	[tilespmem:v19+s31+$0x0] =	vst.idx.msk $0xffff, v25  }
0x187: {  	v27 =	vand.u32 $0x3F, v47;
	v19 =	vor.u32 v46, v6;
	v26 =	vld.idx.msk [tilespmem:v26+s29+$0x0], $0xffff  }
0x188: {  	v27 =	vor.u32 v5, v27;
	_ =	sdelay $0x2  }
0x189: {  	s21 =	sadd.s32 $0xFFFFFFF9, s19;
	v20 =	vshll.u32 v47, $0x7  }
0x18a: {  	v49 =	vadd.s32 s21, v0;
	v48 =	vand.u32 $0x1F80, v20;
	[tilespmem:v19+s31+$0x0] =	vst.idx.msk $0xffff, v26  }
0x18b: {  	v28 =	vand.u32 $0x38, v49;
	v19 =	vor.u32 v48, v6;
	v27 =	vld.idx.msk [tilespmem:v27+s29+$0x0], $0xffff  }
0x18c: {  	v50 =	vor.u32 v28, v7;
	_ =	sdelay $0x2  }
0x18d: {  	s21 =	sadd.s32 $0xFFFFFFFA, s19;
	v20 =	vshll.u32 v49, $0x7  }
0x18e: {  	v52 =	vadd.s32 s21, v0;
	v51 =	vand.u32 $0x1F80, v20;
	[tilespmem:v19+s31+$0x0] =	vst.idx.msk $0xffff, v27  }
0x18f: {  	v53 =	vand.u32 $0x3F, v52;
	v19 =	vor.u32 v51, v6;
	v7 =	vld.idx.msk [tilespmem:v50+s29+$0x0], $0xffff  }
0x190: {  	v28 =	vor.u32 v5, v53;
	_ =	sdelay $0x2  }
0x191: {  	s21 =	sadd.s32 $0xFFFFFFFB, s19;
	v20 =	vshll.u32 v52, $0x7  }
0x192: {  	v55 =	vadd.s32 s21, v0;
	v54 =	vand.u32 $0x1F80, v20;
	[tilespmem:v19+s31+$0x0] =	vst.idx.msk $0xffff, v7  }
0x193: {  	v29 =	vand.u32 $0x3F, v55;
	v19 =	vor.u32 v54, v6;
	v28 =	vld.idx.msk [tilespmem:v28+s29+$0x0], $0xffff  }
0x194: {  	v29 =	vor.u32 v5, v29;
	_ =	sdelay $0x2  }
0x195: {  	s21 =	sadd.s32 $0xFFFFFFFC, s19;
	v20 =	vshll.u32 v55, $0x7  }
0x196: {  	v57 =	vadd.s32 s21, v0;
	v56 =	vand.u32 $0x1F80, v20;
	[tilespmem:v19+s31+$0x0] =	vst.idx.msk $0xffff, v28  }
0x197: {  	v30 =	vand.u32 $0x3F, v57;
	v19 =	vor.u32 v56, v6;
	v29 =	vld.idx.msk [tilespmem:v29+s29+$0x0], $0xffff  }
0x198: {  	v30 =	vor.u32 v5, v30;
	_ =	sdelay $0x2  }
0x199: {  	s21 =	sadd.s32 $0xFFFFFFFD, s19;
	v20 =	vshll.u32 v57, $0x7  }
0x19a: {  	v59 =	vadd.s32 s21, v0;
	v58 =	vand.u32 $0x1F80, v20;
	[tilespmem:v19+s31+$0x0] =	vst.idx.msk $0xffff, v29  }
0x19b: {  	v31 =	vand.u32 $0x3F, v59;
	v19 =	vor.u32 v58, v6;
	v30 =	vld.idx.msk [tilespmem:v30+s29+$0x0], $0xffff  }
0x19c: {  	v31 =	vor.u32 v5, v31;
	_ =	sdelay $0x2  }
0x19d: {  	s21 =	sadd.s32 $0xFFFFFFFE, s19;
	v20 =	vshll.u32 v59, $0x7  }
0x19e: {  	v61 =	vadd.s32 s21, v0;
	v60 =	vand.u32 $0x1F80, v20;
	[tilespmem:v19+s31+$0x0] =	vst.idx.msk $0xffff, v30  }
0x19f: {  	v32 =	vand.u32 $0x3F, v61;
	v19 =	vor.u32 v60, v6;
	v31 =	vld.idx.msk [tilespmem:v31+s29+$0x0], $0xffff  }
0x1a0: {  	v32 =	vor.u32 v5, v32;
	_ =	sdelay $0x2  }
0x1a1: {  	s21 =	sadd.s32 $0xFFFFFFFF, s19;
	v20 =	vshll.u32 v61, $0x7  }
0x1a2: {  	v63 =	vadd.s32 s21, v0;
	v62 =	vand.u32 $0x1F80, v20;
	[tilespmem:v19+s31+$0x0] =	vst.idx.msk $0xffff, v31  }
0x1a3: {  	v33 =	vand.u32 $0x3F, v63;
	v19 =	vor.u32 v62, v6;
	v32 =	vld.idx.msk [tilespmem:v32+s29+$0x0], $0xffff  }
0x1a4: {  	v33 =	vor.u32 v5, v33;
	_ =	sdelay $0x2  }
0x1a5: {  	v35 =	vmul.f32 v16, v16;
	v36 =	vshll.u32 v63, $0x7  }
0x1a6: {  	v17 =	vmul.f32 v17, v17;
	v37 =	vadd.s32 s19, v0;
	v16 =	vand.u32 $0x1F80, v36;
	[tilespmem:v19+s31+$0x0] =	vst.idx.msk $0xffff, v32  }
0x1a7: {  	v9 =	vadd.f32 v35, v9;
	v39 =	vand.u32 $0x3F, v37;
	v16 =	vor.u32 v16, v6;
	v38 =	vld.idx.msk [tilespmem:v33+s29+$0x0], $0xffff  }
0x1a8: {  	v41 =	vor.u32 v5, v39;
	v18 =	vmul.f32 v18, v18;
	v40 =	vmul.f32 v21, v21  }
0x1a9: {  	v8 =	vadd.f32 v17, v8;
	v42 =	vmul.f32 v22, v22;
	v43 =	vmul.f32 v23, v23  }
0x1aa: {  	v13 =	vadd.f32 v18, v13;
	v12 =	vadd.f32 v40, v12;
	v44 =	vmul.f32 v24, v24  }
0x1ab: {  	v10 =	vadd.f32 v42, v10;
	v11 =	vadd.f32 v43, v11;
	v45 =	vmul.f32 v25, v25  }
0x1ac: {  	v14 =	vadd.f32 v44, v14;
	v46 =	vmul.f32 v26, v26;
	v48 =	vshll.u32 v37, $0x7;
	[tilespmem:v16+s31+$0x0] =	vst.idx.msk $0xffff, v38  }
0x1ad: {  	v15 =	vadd.f32 v45, v15;
	v17 =	vand.u32 $0x1F80, v48;
	v47 =	vmul.f32 v27, v27;
	v49 =	vld.idx.msk [tilespmem:v41+s29+$0x0], $0xffff  }
0x1ae: {  	v9 =	vadd.f32 v46, v9;
	v7 =	vmul.f32 v7, v7;
	v50 =	vmul.f32 v28, v28  }
0x1af: {  	v51 =	vor.u32 v17, v6;
	v8 =	vadd.f32 v47, v8;
	v52 =	vmul.f32 v29, v29  }
0x1b0: {  	v7 =	vadd.f32 v7, v13;
	v12 =	vadd.f32 v50, v12;
	v53 =	vmul.f32 v30, v30  }
0x1b1: {  	v10 =	vadd.f32 v52, v10;
	v54 =	vmul.f32 v31, v31;
	v55 =	vmul.f32 v32, v32  }
0x1b2: {  	v11 =	vadd.f32 v53, v11;
	v56 =	vmul.f32 v38, v38;
	v57 =	vmul.f32 v49, v49  }
0x1b3: {  	v14 =	vadd.f32 v54, v14;
	v15 =	vadd.f32 v55, v15  }
0x1b4: {  	v9 =	vadd.f32 v56, v9;
	[tilespmem:v51+s31+$0x0] =	vst.idx.msk $0xffff, v49;
	v58 =	vadd.f32 v57, v8  }
0x1b5: {  	v7 =	vadd.f32 v12, v7;
	v59 =	vadd.f32 v11, v10;
	v5 =	vld.idx.msk [tilespmem:v5+s29+$0x0], $0xffff  }
0x1b6: {  	v60 =	vadd.f32 v15, v14;
	v6 =	vadd.f32 v58, v9;
	_ =	sdelay $0x1  }
0x1b7: {  	v7 =	vadd.f32 v59, v7;
	v6 =	vadd.f32 v6, v60;
	_ =	sdelay $0x1  }
0x1b8: {  	v5 =	vmul.f32 v5, v5;
	v6 =	vadd.f32 v6, v7;
	_ =	sdelay $0x1  }
0x1b9: {  	v5 =	vsub.f32 v6, v5;
	_ =	sdelay $0x1  }
0x1ba: {  	v5 =	vadd.f32 $1.000000000e+00, v5;
	_ =	sdelay $0x1  }
0x1bb: {  	v5 =	vmax.f32 v5, $1.000000000e+00  }
0x1bc: {  	v61 =	vshra.s32 v5, $0x1;
	v62 =	vmul.f32 $5.000000000e-01, v5  }
0x1bd: {  	v6 =	vsub.s32 $0x5F3759DF, v61  }
0x1be: {  	v63 =	vmul.f32 v6, v62;
	_ =	sdelay $0x1  }
0x1bf: {  	v8 =	vmul.f32 v6, v63;
	_ =	sdelay $0x1  }
0x1c0: {  	v8 =	vsub.f32 $1.500000000e+00, v8;
	_ =	sdelay $0x1  }
0x1c1: {  	v6 =	vmul.f32 v6, v8;
	_ =	sdelay $0x1  }
0x1c2: {  	v8 =	vmul.f32 v6, v62;
	_ =	sdelay $0x1  }
0x1c3: {  	v8 =	vmul.f32 v8, v6;
	_ =	sdelay $0x1  }
0x1c4: {  	v8 =	vsub.f32 $1.500000000e+00, v8;
	_ =	sdelay $0x1  }
0x1c5: {  	v6 =	vmul.f32 v8, v6;
	_ =	sdelay $0x1  }
0x1c6: {  	v7 =	vmul.f32 v6, v62;
	_ =	sdelay $0x1  }
0x1c7: {  	v7 =	vmul.f32 v7, v6;
	_ =	sdelay $0x1  }
0x1c8: {  	s16 =	sadd.s32 $0x1, s16;
	v7 =	vsub.f32 $1.500000000e+00, v7  }
0x1c9: {  	v4 =	vand.u32 v3, v4;
	p0 =	sne.s32 s16, $0x8  }
.Ltmp1:
0x1ca: {  	v6 =	vmul.f32 v7, v6;
	(pc) =	sbr.rel @p0 .LBB2_3-.Ltmp1, $3  }
0x1cb: {  	_ = 	snop  }
0x1cc: {  	v5 =	vmul.f32 v6, v5;
	_ =	sdelay $0x1  }
0x1cd: {  	[tilespmem:v4+s31+$0x0] =	vst.idx.msk $0xffff, v5  }
0x1ce: {  	s16 =	sshll.u32 s11, $0x10  }
0x1cf: {  	s19 =	sor.u32 s5, s16  }
0x1d0: {  	s16 =	simm.s32 $0x0;
	s20 =	sadd.s32 s2, s19  }
0x1d1: {  	[hbm4b:s20+s16] =	stream.linear.scatter [tilespmem:s31], [sflag:$0x4], $0x400, $0x38;
	[tilespmem:$0x9900] =	vst v63  }
0x1d2: {  	s21 =	simm.s32 $0x5D00;
	s20 =	sadd.s32 s19, s30  }
0x1d3: {  	[hbm4b:s20+s16] =	stream.linear.scatter [tilespmem:s21], [sflag:$0x4], $0x400, $0x38;
	[tilespmem:$0x9900] =	vst v63  }
0x1d4: {  	s20 =	sadd.s32 s19, s6;
	s21 =	simm.s32 $0x6100  }
0x1d5: {  	[hbm4b:s20+s16] =	stream.linear.scatter [tilespmem:s21], [sflag:$0x4], $0x400, $0x38;
	[tilespmem:$0x9900] =	vst v63  }
0x1d6: {  	s20 =	sadd.s32 s19, s7;
	s21 =	simm.s32 $0x6500  }
0x1d7: {  	[hbm4b:s20+s16] =	stream.linear.scatter [tilespmem:s21], [sflag:$0x4], $0x400, $0x38;
	[tilespmem:$0x9900] =	vst v63  }
0x1d8: {  	s20 =	sadd.s32 s19, s8;
	s21 =	simm.s32 $0x6900  }
0x1d9: {  	[hbm4b:s20+s16] =	stream.linear.scatter [tilespmem:s21], [sflag:$0x4], $0x400, $0x38;
	[tilespmem:$0x9900] =	vst v63  }
0x1da: {  	s20 =	sadd.s32 s19, s12;
	s21 =	simm.s32 $0x6D00  }
0x1db: {  	[hbm4b:s20+s16] =	stream.linear.scatter [tilespmem:s21], [sflag:$0x4], $0x400, $0x38;
	[tilespmem:$0x9900] =	vst v63  }
0x1dc: {  	s17 =	smin.u32 s17, $0x2E;
	s20 =	sadd.s32 s19, s13;
	s21 =	simm.s32 $0x7100  }
0x1dd: {  	[hbm4b:s20+s16] =	stream.linear.scatter [tilespmem:s21], [sflag:$0x4], $0x400, $0x38;
	[tilespmem:$0x9900] =	vst v63  }
0x1de: {  	s17 =	sshll.u32 s17, $0x7;
	s19 =	sadd.s32 s19, s14;
	s21 =	simm.s32 $0x7500  }
0x1df: {  	[hbm4b:s19+s16] =	stream.linear.scatter [tilespmem:s21], [sflag:$0x4], $0x400, $0x38;
	[tilespmem:$0x9900] =	vst v63  }
0x1e0: {  	s17 =	sadd.s32 $0x100, s17  }
0x1e1: {  	[tilespmem:s29], [sflag:$0x2] =	stream.indirect.gather [hbm4b:s4+s26], $0x40, s17, s26, $0xb8;
	[tilespmem:$0x9900] =	vst v63  }
0x1e2: {  	_ =	swait.ge [sflag:s9], $0x2000  }
0x1e3: {  	[sflag:s9] =	ssyncset.done $0x0  }
0x1e4: {  	[sflag:s9] =	ssyncadd.s32 $0xFFFFE000  }
0x1e5: {  	_ =	swait.ge [sflag:s10], $0x2000  }
0x1e6: {  	[sflag:s10] =	ssyncset.done $0x0  }
0x1e7: {  	[sflag:s10] =	ssyncadd.s32 $0xFFFFE000  }
.LBB2_7:
0x1e8: {  	s17 =	sshll.u32 s16, $0x4  }
0x1e9: {  	s21 =	simm.s32 $0x0;
	v4 =	vor.u32 s17, v0  }
0x1ea: {  	v8 =	vor.u32 s21, v0;
	v5 =	vshll.u32 v4, $0x6  }
0x1eb: {  	v6 =	vand.u32 $0x38, v8;
	v7 =	vor.u32 v1, v5  }
0x1ec: {  	v9 =	vor.u32 v6, v7;
	_ =	sdelay $0x2  }
0x1ed: {  	s19 =	simm.s32 $0x1  }
0x1ee: {  	v10 =	vadd.s32 s19, v0;
	v8 =	vshll.u32 v8, $0x7;
	v6 =	vand.u32 v2, v4  }
0x1ef: {  	v11 =	vand.u32 $0x3F, v10;
	v8 =	vor.u32 v6, v8;
	v9 =	vld.idx.msk [tilespmem:v9+s0+$0x0], $0xffff  }
0x1f0: {  	v11 =	vor.u32 v5, v11;
	_ =	sdelay $0x2  }
0x1f1: {  	s20 =	simm.s32 $0x2;
	v10 =	vshll.u32 v10, $0x7  }
0x1f2: {  	[tilespmem:v8+s18+$0x0] =	vst.idx.msk $0xffff, v9;
	v8 =	vand.u32 $0x1F80, v10;
	v10 =	vadd.s32 s20, v0  }
0x1f3: {  	v11 =	vld.idx.msk [tilespmem:v11+s0+$0x0], $0xffff;
	v8 =	vor.u32 v8, v6;
	v12 =	vand.u32 $0x3F, v10  }
0x1f4: {  	v12 =	vor.u32 v5, v12;
	_ =	sdelay $0x2  }
0x1f5: {  	s21 =	simm.s32 $0x3;
	v10 =	vshll.u32 v10, $0x7  }
0x1f6: {  	[tilespmem:v8+s18+$0x0] =	vst.idx.msk $0xffff, v11;
	v8 =	vand.u32 $0x1F80, v10;
	v10 =	vadd.s32 s21, v0  }
0x1f7: {  	v12 =	vld.idx.msk [tilespmem:v12+s0+$0x0], $0xffff;
	v8 =	vor.u32 v8, v6;
	v13 =	vand.u32 $0x3F, v10  }
0x1f8: {  	v13 =	vor.u32 v5, v13;
	_ =	sdelay $0x2  }
0x1f9: {  	s19 =	simm.s32 $0x4;
	v10 =	vshll.u32 v10, $0x7  }
0x1fa: {  	[tilespmem:v8+s18+$0x0] =	vst.idx.msk $0xffff, v12;
	v8 =	vand.u32 $0x1F80, v10;
	v10 =	vadd.s32 s19, v0  }
0x1fb: {  	v13 =	vld.idx.msk [tilespmem:v13+s0+$0x0], $0xffff;
	v8 =	vor.u32 v8, v6;
	v14 =	vand.u32 $0x3F, v10  }
0x1fc: {  	v14 =	vor.u32 v5, v14;
	_ =	sdelay $0x2  }
0x1fd: {  	s20 =	simm.s32 $0x5;
	v10 =	vshll.u32 v10, $0x7  }
0x1fe: {  	[tilespmem:v8+s18+$0x0] =	vst.idx.msk $0xffff, v13;
	v8 =	vand.u32 $0x1F80, v10;
	v10 =	vadd.s32 s20, v0  }
0x1ff: {  	v14 =	vld.idx.msk [tilespmem:v14+s0+$0x0], $0xffff;
	v8 =	vor.u32 v8, v6;
	v15 =	vand.u32 $0x3F, v10  }
0x200: {  	v15 =	vor.u32 v5, v15;
	_ =	sdelay $0x2  }
0x201: {  	s21 =	simm.s32 $0x6;
	v10 =	vshll.u32 v10, $0x7  }
0x202: {  	[tilespmem:v8+s18+$0x0] =	vst.idx.msk $0xffff, v14;
	v8 =	vand.u32 $0x1F80, v10;
	v10 =	vadd.s32 s21, v0  }
0x203: {  	v15 =	vld.idx.msk [tilespmem:v15+s0+$0x0], $0xffff;
	v8 =	vor.u32 v8, v6;
	v16 =	vand.u32 $0x3F, v10  }
0x204: {  	v16 =	vor.u32 v5, v16;
	_ =	sdelay $0x2  }
0x205: {  	s19 =	simm.s32 $0x7;
	v10 =	vshll.u32 v10, $0x7  }
0x206: {  	[tilespmem:v8+s18+$0x0] =	vst.idx.msk $0xffff, v15;
	v8 =	vand.u32 $0x1F80, v10;
	v10 =	vadd.s32 s19, v0  }
0x207: {  	v16 =	vld.idx.msk [tilespmem:v16+s0+$0x0], $0xffff;
	v8 =	vor.u32 v8, v6;
	v17 =	vand.u32 $0x3F, v10  }
0x208: {  	v17 =	vor.u32 v5, v17;
	_ =	sdelay $0x2  }
0x209: {  	s20 =	simm.s32 $0x8;
	v10 =	vshll.u32 v10, $0x7  }
0x20a: {  	[tilespmem:v8+s18+$0x0] =	vst.idx.msk $0xffff, v16;
	v8 =	vand.u32 $0x1F80, v10;
	v10 =	vadd.s32 s20, v0  }
0x20b: {  	v17 =	vld.idx.msk [tilespmem:v17+s0+$0x0], $0xffff;
	v8 =	vor.u32 v8, v6;
	v18 =	vand.u32 $0x38, v10  }
0x20c: {  	v18 =	vor.u32 v18, v7;
	_ =	sdelay $0x2  }
0x20d: {  	s21 =	simm.s32 $0x9;
	v10 =	vshll.u32 v10, $0x7  }
0x20e: {  	[tilespmem:v8+s18+$0x0] =	vst.idx.msk $0xffff, v17;
	v8 =	vand.u32 $0x1F80, v10;
	v10 =	vadd.s32 s21, v0  }
0x20f: {  	v18 =	vld.idx.msk [tilespmem:v18+s0+$0x0], $0xffff;
	v8 =	vor.u32 v8, v6;
	v19 =	vand.u32 $0x3F, v10  }
0x210: {  	v19 =	vor.u32 v5, v19;
	_ =	sdelay $0x2  }
0x211: {  	s19 =	simm.s32 $0xA;
	v10 =	vshll.u32 v10, $0x7  }
0x212: {  	[tilespmem:v8+s18+$0x0] =	vst.idx.msk $0xffff, v18;
	v8 =	vand.u32 $0x1F80, v10;
	v10 =	vadd.s32 s19, v0  }
0x213: {  	v19 =	vld.idx.msk [tilespmem:v19+s0+$0x0], $0xffff;
	v8 =	vor.u32 v8, v6;
	v20 =	vand.u32 $0x3F, v10  }
0x214: {  	v20 =	vor.u32 v5, v20;
	_ =	sdelay $0x2  }
0x215: {  	s20 =	simm.s32 $0xB;
	v10 =	vshll.u32 v10, $0x7  }
0x216: {  	[tilespmem:v8+s18+$0x0] =	vst.idx.msk $0xffff, v19;
	v8 =	vand.u32 $0x1F80, v10;
	v10 =	vadd.s32 s20, v0  }
0x217: {  	v20 =	vld.idx.msk [tilespmem:v20+s0+$0x0], $0xffff;
	v8 =	vor.u32 v8, v6;
	v21 =	vand.u32 $0x3F, v10  }
0x218: {  	v21 =	vor.u32 v5, v21;
	_ =	sdelay $0x2  }
0x219: {  	s21 =	simm.s32 $0xC;
	v10 =	vshll.u32 v10, $0x7  }
0x21a: {  	[tilespmem:v8+s18+$0x0] =	vst.idx.msk $0xffff, v20;
	v8 =	vand.u32 $0x1F80, v10;
	v10 =	vadd.s32 s21, v0  }
0x21b: {  	v21 =	vld.idx.msk [tilespmem:v21+s0+$0x0], $0xffff;
	v8 =	vor.u32 v8, v6;
	v22 =	vand.u32 $0x3F, v10  }
0x21c: {  	v22 =	vor.u32 v5, v22  }
0x21d: {  	v9 =	vmul.f32 v9, v9  }
0x21e: {  	v23 =	vimm.f32 $0.0e+00  }
0x21f: {  	v24 =	vadd.f32 v9, v23;
	s19 =	simm.s32 $0xD;
	v9 =	vshll.u32 v10, $0x7  }
0x220: {  	v10 =	vmul.f32 v11, v11;
	v11 =	vadd.s32 s19, v0;
	[tilespmem:v8+s18+$0x0] =	vst.idx.msk $0xffff, v21;
	v8 =	vand.u32 $0x1F80, v9  }
0x221: {  	v9 =	vmul.f32 v12, v12;
	v22 =	vld.idx.msk [tilespmem:v22+s0+$0x0], $0xffff;
	v12 =	vor.u32 v8, v6;
	v8 =	vand.u32 $0x3F, v11  }
0x222: {  	v13 =	vmul.f32 v13, v13;
	v25 =	vor.u32 v5, v8  }
0x223: {  	v11 =	vshll.u32 v11, $0x7;
	v26 =	vadd.f32 v9, v23;
	v8 =	vmul.f32 v14, v14  }
0x224: {  	v9 =	vmul.f32 v15, v15;
	v14 =	vadd.f32 v13, v23;
	v15 =	vmul.f32 v17, v17  }
0x225: {  	s20 =	simm.s32 $0xE;
	v13 =	vmul.f32 v16, v16;
	v11 =	vand.u32 $0x1F80, v11;
	v16 =	vadd.f32 v8, v23  }
0x226: {  	v17 =	vadd.s32 s20, v0;
	v8 =	vadd.f32 v15, v23;
	[tilespmem:v12+s18+$0x0] =	vst.idx.msk $0xffff, v22;
	v12 =	vmul.f32 v18, v18  }
0x227: {  	v18 =	vmul.f32 v19, v19;
	v19 =	vor.u32 v11, v6;
	v11 =	vand.u32 $0x3F, v17;
	v15 =	vld.idx.msk [tilespmem:v25+s0+$0x0], $0xffff  }
0x228: {  	v10 =	vadd.f32 v10, v23;
	v21 =	vmul.f32 v21, v21;
	v63 =	vor.u32 v5, v11  }
0x229: {  	v20 =	vmul.f32 v20, v20;
	v27 =	vadd.f32 v9, v23;
	v9 =	vadd.f32 v13, v23  }
0x22a: {  	v11 =	vadd.f32 v21, v14;
	v14 =	vmul.f32 v22, v22;
	v13 =	vadd.f32 v12, v24  }
0x22b: {  	s21 =	simm.s32 $0xF;
	v12 =	vadd.f32 v18, v10;
	v10 =	vadd.f32 v20, v26;
	v20 =	vshll.u32 v17, $0x7  }
0x22c: {  	v17 =	vadd.s32 s21, v0;
	v18 =	vmul.f32 v15, v15;
	[tilespmem:v19+s18+$0x0] =	vst.idx.msk $0xffff, v15;
	v19 =	vand.u32 $0x1F80, v20  }
0x22d: {  	v14 =	vadd.f32 v14, v16;
	v20 =	vand.u32 $0x3F, v17;
	v16 =	vld.idx.msk [tilespmem:v63+s0+$0x0], $0xffff;
	v19 =	vor.u32 v19, v6  }
0x22e: {  	v15 =	vadd.f32 v18, v27;
	v18 =	vor.u32 v5, v20;
	_ =	sdelay $0x1  }
0x22f: {  	s17 =	simm.s32 $0x1F;
	s19 =	simm.s32 $0x2F  }
.LBB2_8:
0x230: {  	p0 =	sne.s32 s19, $0x3F  }
0x231: {  	s20 =	sadd.s32 $0xFFFFFFF1, s17;
	v20 =	vmul.f32 v16, v16;
	[tilespmem:v19+s18+$0x0] =	vst.idx.msk $0xffff, v16;
	v16 =	vshll.u32 v17, $0x7  }
0x232: {  	v17 =	vor.u32 s20, v0;
	v18 =	vld.idx.msk [tilespmem:v18+s0+$0x0], $0xffff;
	v16 =	vand.u32 $0x1F80, v16  }
0x233: {  	v19 =	vand.u32 $0x38, v17;
	v9 =	vadd.f32 v20, v9;
	v16 =	vor.u32 v16, v6  }
0x234: {  	v19 =	vor.u32 v19, v7;
	_ =	sdelay $0x3  }
0x235: {  	s20 =	sadd.s32 $0xFFFFFFF2, s17;
	v20 =	vmul.f32 v18, v18;
	[tilespmem:v16+s18+$0x0] =	vst.idx.msk $0xffff, v18  }
0x236: {  	v17 =	vshll.u32 v17, $0x7;
	v18 =	vadd.s32 s20, v0;
	v16 =	vld.idx.msk [tilespmem:v19+s0+$0x0], $0xffff  }
0x237: {  	v17 =	vor.u32 v6, v17;
	v19 =	vand.u32 $0x3F, v18;
	v8 =	vadd.f32 v20, v8  }
0x238: {  	v19 =	vor.u32 v5, v19;
	_ =	sdelay $0x3  }
0x239: {  	s20 =	sadd.s32 $0xFFFFFFF3, s17;
	v20 =	vmul.f32 v16, v16;
	[tilespmem:v17+s18+$0x0] =	vst.idx.msk $0xffff, v16;
	v16 =	vshll.u32 v18, $0x7  }
0x23a: {  	v18 =	vadd.s32 s20, v0;
	v17 =	vld.idx.msk [tilespmem:v19+s0+$0x0], $0xffff;
	v16 =	vand.u32 $0x1F80, v16  }
0x23b: {  	v13 =	vadd.f32 v20, v13;
	v19 =	vand.u32 $0x3F, v18;
	v16 =	vor.u32 v16, v6  }
0x23c: {  	v19 =	vor.u32 v5, v19;
	_ =	sdelay $0x3  }
0x23d: {  	s20 =	sadd.s32 $0xFFFFFFF4, s17;
	v20 =	vmul.f32 v17, v17;
	[tilespmem:v16+s18+$0x0] =	vst.idx.msk $0xffff, v17;
	v16 =	vshll.u32 v18, $0x7  }
0x23e: {  	v18 =	vadd.s32 s20, v0;
	v17 =	vld.idx.msk [tilespmem:v19+s0+$0x0], $0xffff;
	v16 =	vand.u32 $0x1F80, v16  }
0x23f: {  	v12 =	vadd.f32 v20, v12;
	v19 =	vand.u32 $0x3F, v18;
	v16 =	vor.u32 v16, v6  }
0x240: {  	v19 =	vor.u32 v5, v19;
	_ =	sdelay $0x3  }
0x241: {  	s20 =	sadd.s32 $0xFFFFFFF5, s17;
	v20 =	vmul.f32 v17, v17;
	[tilespmem:v16+s18+$0x0] =	vst.idx.msk $0xffff, v17;
	v16 =	vshll.u32 v18, $0x7  }
0x242: {  	v18 =	vadd.s32 s20, v0;
	v17 =	vld.idx.msk [tilespmem:v19+s0+$0x0], $0xffff;
	v16 =	vand.u32 $0x1F80, v16  }
0x243: {  	v10 =	vadd.f32 v20, v10;
	v19 =	vand.u32 $0x3F, v18;
	v16 =	vor.u32 v16, v6  }
0x244: {  	v19 =	vor.u32 v5, v19;
	_ =	sdelay $0x3  }
0x245: {  	s20 =	sadd.s32 $0xFFFFFFF6, s17;
	v20 =	vmul.f32 v17, v17;
	[tilespmem:v16+s18+$0x0] =	vst.idx.msk $0xffff, v17;
	v16 =	vshll.u32 v18, $0x7  }
0x246: {  	v18 =	vadd.s32 s20, v0;
	v17 =	vld.idx.msk [tilespmem:v19+s0+$0x0], $0xffff;
	v16 =	vand.u32 $0x1F80, v16  }
0x247: {  	v11 =	vadd.f32 v20, v11;
	v19 =	vand.u32 $0x3F, v18;
	v16 =	vor.u32 v16, v6  }
0x248: {  	v19 =	vor.u32 v5, v19;
	_ =	sdelay $0x3  }
0x249: {  	s20 =	sadd.s32 $0xFFFFFFF7, s17;
	v20 =	vmul.f32 v17, v17;
	[tilespmem:v16+s18+$0x0] =	vst.idx.msk $0xffff, v17;
	v16 =	vshll.u32 v18, $0x7  }
0x24a: {  	v18 =	vadd.s32 s20, v0;
	v17 =	vld.idx.msk [tilespmem:v19+s0+$0x0], $0xffff;
	v16 =	vand.u32 $0x1F80, v16  }
0x24b: {  	v14 =	vadd.f32 v20, v14;
	v19 =	vand.u32 $0x3F, v18;
	v16 =	vor.u32 v16, v6  }
0x24c: {  	v19 =	vor.u32 v5, v19;
	_ =	sdelay $0x3  }
0x24d: {  	s20 =	sadd.s32 $0xFFFFFFF8, s17;
	v20 =	vmul.f32 v17, v17;
	[tilespmem:v16+s18+$0x0] =	vst.idx.msk $0xffff, v17;
	v16 =	vshll.u32 v18, $0x7  }
0x24e: {  	v18 =	vadd.s32 s20, v0;
	v17 =	vld.idx.msk [tilespmem:v19+s0+$0x0], $0xffff;
	v16 =	vand.u32 $0x1F80, v16  }
0x24f: {  	v15 =	vadd.f32 v20, v15;
	v19 =	vand.u32 $0x3F, v18;
	v16 =	vor.u32 v16, v6  }
0x250: {  	v19 =	vor.u32 v5, v19;
	_ =	sdelay $0x3  }
0x251: {  	s20 =	sadd.s32 $0xFFFFFFF9, s17;
	v20 =	vmul.f32 v17, v17;
	[tilespmem:v16+s18+$0x0] =	vst.idx.msk $0xffff, v17;
	v16 =	vshll.u32 v18, $0x7  }
0x252: {  	v18 =	vadd.s32 s20, v0;
	v17 =	vld.idx.msk [tilespmem:v19+s0+$0x0], $0xffff;
	v16 =	vand.u32 $0x1F80, v16  }
0x253: {  	v9 =	vadd.f32 v20, v9;
	v19 =	vand.u32 $0x38, v18;
	v16 =	vor.u32 v16, v6  }
0x254: {  	v19 =	vor.u32 v19, v7;
	_ =	sdelay $0x3  }
0x255: {  	s20 =	sadd.s32 $0xFFFFFFFA, s17;
	v20 =	vmul.f32 v17, v17;
	[tilespmem:v16+s18+$0x0] =	vst.idx.msk $0xffff, v17;
	v16 =	vshll.u32 v18, $0x7  }
0x256: {  	v18 =	vadd.s32 s20, v0;
	v17 =	vld.idx.msk [tilespmem:v19+s0+$0x0], $0xffff;
	v16 =	vand.u32 $0x1F80, v16  }
0x257: {  	v8 =	vadd.f32 v20, v8;
	v19 =	vand.u32 $0x3F, v18;
	v16 =	vor.u32 v16, v6  }
0x258: {  	v19 =	vor.u32 v5, v19;
	_ =	sdelay $0x3  }
0x259: {  	s20 =	sadd.s32 $0xFFFFFFFB, s17;
	v20 =	vmul.f32 v17, v17;
	[tilespmem:v16+s18+$0x0] =	vst.idx.msk $0xffff, v17;
	v16 =	vshll.u32 v18, $0x7  }
0x25a: {  	v18 =	vadd.s32 s20, v0;
	v17 =	vld.idx.msk [tilespmem:v19+s0+$0x0], $0xffff;
	v16 =	vand.u32 $0x1F80, v16  }
0x25b: {  	v13 =	vadd.f32 v20, v13;
	v19 =	vand.u32 $0x3F, v18;
	v16 =	vor.u32 v16, v6  }
0x25c: {  	v19 =	vor.u32 v5, v19;
	_ =	sdelay $0x3  }
0x25d: {  	s20 =	sadd.s32 $0xFFFFFFFC, s17;
	v20 =	vmul.f32 v17, v17;
	[tilespmem:v16+s18+$0x0] =	vst.idx.msk $0xffff, v17;
	v16 =	vshll.u32 v18, $0x7  }
0x25e: {  	v18 =	vadd.s32 s20, v0;
	v17 =	vld.idx.msk [tilespmem:v19+s0+$0x0], $0xffff;
	v16 =	vand.u32 $0x1F80, v16  }
0x25f: {  	v12 =	vadd.f32 v20, v12;
	v19 =	vand.u32 $0x3F, v18;
	v16 =	vor.u32 v16, v6  }
0x260: {  	v19 =	vor.u32 v5, v19;
	_ =	sdelay $0x3  }
0x261: {  	s20 =	sadd.s32 $0xFFFFFFFD, s17;
	v20 =	vmul.f32 v17, v17;
	[tilespmem:v16+s18+$0x0] =	vst.idx.msk $0xffff, v17;
	v16 =	vshll.u32 v18, $0x7  }
0x262: {  	v18 =	vadd.s32 s20, v0;
	v17 =	vld.idx.msk [tilespmem:v19+s0+$0x0], $0xffff;
	v16 =	vand.u32 $0x1F80, v16  }
0x263: {  	v10 =	vadd.f32 v20, v10;
	v19 =	vand.u32 $0x3F, v18;
	v16 =	vor.u32 v16, v6  }
0x264: {  	v19 =	vor.u32 v5, v19;
	_ =	sdelay $0x3  }
0x265: {  	s20 =	sadd.s32 $0xFFFFFFFE, s17;
	v20 =	vmul.f32 v17, v17;
	[tilespmem:v16+s18+$0x0] =	vst.idx.msk $0xffff, v17;
	v16 =	vshll.u32 v18, $0x7  }
0x266: {  	v18 =	vadd.s32 s20, v0;
	v17 =	vld.idx.msk [tilespmem:v19+s0+$0x0], $0xffff;
	v16 =	vand.u32 $0x1F80, v16  }
0x267: {  	v11 =	vadd.f32 v20, v11;
	v19 =	vand.u32 $0x3F, v18;
	v16 =	vor.u32 v16, v6  }
0x268: {  	v19 =	vor.u32 v5, v19;
	_ =	sdelay $0x3  }
0x269: {  	s20 =	sadd.s32 $0xFFFFFFFF, s17;
	v20 =	vmul.f32 v17, v17;
	[tilespmem:v16+s18+$0x0] =	vst.idx.msk $0xffff, v17;
	v16 =	vshll.u32 v18, $0x7  }
0x26a: {  	v18 =	vadd.s32 s20, v0;
	v17 =	vld.idx.msk [tilespmem:v19+s0+$0x0], $0xffff;
	v16 =	vand.u32 $0x1F80, v16  }
0x26b: {  	v14 =	vadd.f32 v20, v14;
	v19 =	vand.u32 $0x3F, v18;
	v16 =	vor.u32 v16, v6  }
0x26c: {  	v19 =	vor.u32 v5, v19;
	_ =	sdelay $0x3  }
0x26d: {  	v20 =	vmul.f32 v17, v17;
	[tilespmem:v16+s18+$0x0] =	vst.idx.msk $0xffff, v17;
	v17 =	vshll.u32 v18, $0x7  }
.Ltmp2:
0x26e: {  	v16 =	vld.idx.msk [tilespmem:v19+s0+$0x0], $0xffff;
	v18 =	vand.u32 $0x1F80, v17;
	v17 =	vadd.s32 s17, v0;
	s17 =	smov.u32 s19;
	(pc) =	sbr.rel @p0 .LBB2_8-.Ltmp2, $3  }
0x26f: {  	v15 =	vadd.f32 v20, v15;
	v19 =	vor.u32 v18, v6;
	v18 =	vand.u32 $0x3F, v17  }
0x270: {  	v18 =	vor.u32 v5, v18;
	_ =	sdelay $0x1  }
0x271: {  	s19 =	sadd.s32 $0x10, s19  }
0x272: {  	_ =	sdelay $0x2  }
0x273: {  	s19 =	sadd.s32 $0xFFFFFFF1, s17;
	v17 =	vshll.u32 v17, $0x7  }
0x274: {  	[tilespmem:v19+s18+$0x0] =	vst.idx.msk $0xffff, v16;
	v33 =	vor.u32 s19, v0;
	v20 =	vand.u32 $0x1F80, v17  }
0x275: {  	v17 =	vld.idx.msk [tilespmem:v18+s0+$0x0], $0xffff;
	v34 =	vand.u32 $0x38, v33;
	v20 =	vor.u32 v20, v6  }
0x276: {  	v18 =	vor.u32 v34, v7;
	_ =	sdelay $0x2  }
0x277: {  	s20 =	sadd.s32 $0xFFFFFFF2, s17  }
0x278: {  	v35 =	vadd.s32 s20, v0;
	v19 =	vshll.u32 v33, $0x7;
	[tilespmem:v20+s18+$0x0] =	vst.idx.msk $0xffff, v17  }
0x279: {  	v21 =	vand.u32 $0x3F, v35;
	v19 =	vor.u32 v6, v19;
	v18 =	vld.idx.msk [tilespmem:v18+s0+$0x0], $0xffff  }
0x27a: {  	v21 =	vor.u32 v5, v21;
	_ =	sdelay $0x2  }
0x27b: {  	s21 =	sadd.s32 $0xFFFFFFF3, s17;
	v20 =	vshll.u32 v35, $0x7  }
0x27c: {  	v37 =	vadd.s32 s21, v0;
	v36 =	vand.u32 $0x1F80, v20;
	[tilespmem:v19+s18+$0x0] =	vst.idx.msk $0xffff, v18  }
0x27d: {  	v22 =	vand.u32 $0x3F, v37;
	v19 =	vor.u32 v36, v6;
	v21 =	vld.idx.msk [tilespmem:v21+s0+$0x0], $0xffff  }
0x27e: {  	v22 =	vor.u32 v5, v22;
	_ =	sdelay $0x2  }
0x27f: {  	s20 =	sadd.s32 $0xFFFFFFF4, s17;
	v20 =	vshll.u32 v37, $0x7  }
0x280: {  	v39 =	vadd.s32 s20, v0;
	v38 =	vand.u32 $0x1F80, v20;
	[tilespmem:v19+s18+$0x0] =	vst.idx.msk $0xffff, v21  }
0x281: {  	v23 =	vand.u32 $0x3F, v39;
	v19 =	vor.u32 v38, v6;
	v22 =	vld.idx.msk [tilespmem:v22+s0+$0x0], $0xffff  }
0x282: {  	v23 =	vor.u32 v5, v23;
	_ =	sdelay $0x2  }
0x283: {  	s21 =	sadd.s32 $0xFFFFFFF5, s17;
	v20 =	vshll.u32 v39, $0x7  }
0x284: {  	v41 =	vadd.s32 s21, v0;
	v40 =	vand.u32 $0x1F80, v20;
	[tilespmem:v19+s18+$0x0] =	vst.idx.msk $0xffff, v22  }
0x285: {  	v24 =	vand.u32 $0x3F, v41;
	v19 =	vor.u32 v40, v6;
	v23 =	vld.idx.msk [tilespmem:v23+s0+$0x0], $0xffff  }
0x286: {  	v24 =	vor.u32 v5, v24;
	_ =	sdelay $0x2  }
0x287: {  	s20 =	sadd.s32 $0xFFFFFFF6, s17;
	v20 =	vshll.u32 v41, $0x7  }
0x288: {  	v43 =	vadd.s32 s20, v0;
	v42 =	vand.u32 $0x1F80, v20;
	[tilespmem:v19+s18+$0x0] =	vst.idx.msk $0xffff, v23  }
0x289: {  	v25 =	vand.u32 $0x3F, v43;
	v19 =	vor.u32 v42, v6;
	v24 =	vld.idx.msk [tilespmem:v24+s0+$0x0], $0xffff  }
0x28a: {  	v25 =	vor.u32 v5, v25;
	_ =	sdelay $0x2  }
0x28b: {  	s21 =	sadd.s32 $0xFFFFFFF7, s17;
	v20 =	vshll.u32 v43, $0x7  }
0x28c: {  	v45 =	vadd.s32 s21, v0;
	v44 =	vand.u32 $0x1F80, v20;
	[tilespmem:v19+s18+$0x0] =	vst.idx.msk $0xffff, v24  }
0x28d: {  	v26 =	vand.u32 $0x3F, v45;
	v19 =	vor.u32 v44, v6;
	v25 =	vld.idx.msk [tilespmem:v25+s0+$0x0], $0xffff  }
0x28e: {  	v26 =	vor.u32 v5, v26;
	_ =	sdelay $0x2  }
0x28f: {  	s20 =	sadd.s32 $0xFFFFFFF8, s17;
	v20 =	vshll.u32 v45, $0x7  }
0x290: {  	v47 =	vadd.s32 s20, v0;
	v46 =	vand.u32 $0x1F80, v20;
	[tilespmem:v19+s18+$0x0] =	vst.idx.msk $0xffff, v25  }
0x291: {  	v27 =	vand.u32 $0x3F, v47;
	v19 =	vor.u32 v46, v6;
	v26 =	vld.idx.msk [tilespmem:v26+s0+$0x0], $0xffff  }
0x292: {  	v27 =	vor.u32 v5, v27;
	_ =	sdelay $0x2  }
0x293: {  	s21 =	sadd.s32 $0xFFFFFFF9, s17;
	v20 =	vshll.u32 v47, $0x7  }
0x294: {  	v49 =	vadd.s32 s21, v0;
	v48 =	vand.u32 $0x1F80, v20;
	[tilespmem:v19+s18+$0x0] =	vst.idx.msk $0xffff, v26  }
0x295: {  	v28 =	vand.u32 $0x38, v49;
	v19 =	vor.u32 v48, v6;
	v27 =	vld.idx.msk [tilespmem:v27+s0+$0x0], $0xffff  }
0x296: {  	v50 =	vor.u32 v28, v7;
	_ =	sdelay $0x2  }
0x297: {  	s20 =	sadd.s32 $0xFFFFFFFA, s17;
	v20 =	vshll.u32 v49, $0x7  }
0x298: {  	v52 =	vadd.s32 s20, v0;
	v51 =	vand.u32 $0x1F80, v20;
	[tilespmem:v19+s18+$0x0] =	vst.idx.msk $0xffff, v27  }
0x299: {  	v53 =	vand.u32 $0x3F, v52;
	v19 =	vor.u32 v51, v6;
	v7 =	vld.idx.msk [tilespmem:v50+s0+$0x0], $0xffff  }
0x29a: {  	v28 =	vor.u32 v5, v53;
	_ =	sdelay $0x2  }
0x29b: {  	s21 =	sadd.s32 $0xFFFFFFFB, s17;
	v20 =	vshll.u32 v52, $0x7  }
0x29c: {  	v55 =	vadd.s32 s21, v0;
	v54 =	vand.u32 $0x1F80, v20;
	[tilespmem:v19+s18+$0x0] =	vst.idx.msk $0xffff, v7  }
0x29d: {  	v29 =	vand.u32 $0x3F, v55;
	v19 =	vor.u32 v54, v6;
	v28 =	vld.idx.msk [tilespmem:v28+s0+$0x0], $0xffff  }
0x29e: {  	v29 =	vor.u32 v5, v29;
	_ =	sdelay $0x2  }
0x29f: {  	s20 =	sadd.s32 $0xFFFFFFFC, s17;
	v20 =	vshll.u32 v55, $0x7  }
0x2a0: {  	v57 =	vadd.s32 s20, v0;
	v56 =	vand.u32 $0x1F80, v20;
	[tilespmem:v19+s18+$0x0] =	vst.idx.msk $0xffff, v28  }
0x2a1: {  	v30 =	vand.u32 $0x3F, v57;
	v19 =	vor.u32 v56, v6;
	v29 =	vld.idx.msk [tilespmem:v29+s0+$0x0], $0xffff  }
0x2a2: {  	v30 =	vor.u32 v5, v30;
	_ =	sdelay $0x2  }
0x2a3: {  	s21 =	sadd.s32 $0xFFFFFFFD, s17;
	v20 =	vshll.u32 v57, $0x7  }
0x2a4: {  	v59 =	vadd.s32 s21, v0;
	v58 =	vand.u32 $0x1F80, v20;
	[tilespmem:v19+s18+$0x0] =	vst.idx.msk $0xffff, v29  }
0x2a5: {  	v31 =	vand.u32 $0x3F, v59;
	v19 =	vor.u32 v58, v6;
	v30 =	vld.idx.msk [tilespmem:v30+s0+$0x0], $0xffff  }
0x2a6: {  	v31 =	vor.u32 v5, v31;
	_ =	sdelay $0x2  }
0x2a7: {  	s20 =	sadd.s32 $0xFFFFFFFE, s17;
	v20 =	vshll.u32 v59, $0x7  }
0x2a8: {  	v61 =	vadd.s32 s20, v0;
	v60 =	vand.u32 $0x1F80, v20;
	[tilespmem:v19+s18+$0x0] =	vst.idx.msk $0xffff, v30  }
0x2a9: {  	v32 =	vand.u32 $0x3F, v61;
	v19 =	vor.u32 v60, v6;
	v31 =	vld.idx.msk [tilespmem:v31+s0+$0x0], $0xffff  }
0x2aa: {  	v32 =	vor.u32 v5, v32;
	_ =	sdelay $0x2  }
0x2ab: {  	s21 =	sadd.s32 $0xFFFFFFFF, s17;
	v20 =	vshll.u32 v61, $0x7  }
0x2ac: {  	v63 =	vadd.s32 s21, v0;
	v62 =	vand.u32 $0x1F80, v20;
	[tilespmem:v19+s18+$0x0] =	vst.idx.msk $0xffff, v31  }
0x2ad: {  	v33 =	vand.u32 $0x3F, v63;
	v19 =	vor.u32 v62, v6;
	v32 =	vld.idx.msk [tilespmem:v32+s0+$0x0], $0xffff  }
0x2ae: {  	v33 =	vor.u32 v5, v33;
	_ =	sdelay $0x2  }
0x2af: {  	v35 =	vmul.f32 v16, v16;
	v36 =	vshll.u32 v63, $0x7  }
0x2b0: {  	v17 =	vmul.f32 v17, v17;
	v37 =	vadd.s32 s17, v0;
	v16 =	vand.u32 $0x1F80, v36;
	[tilespmem:v19+s18+$0x0] =	vst.idx.msk $0xffff, v32  }
0x2b1: {  	v9 =	vadd.f32 v35, v9;
	v39 =	vand.u32 $0x3F, v37;
	v16 =	vor.u32 v16, v6;
	v38 =	vld.idx.msk [tilespmem:v33+s0+$0x0], $0xffff  }
0x2b2: {  	v41 =	vor.u32 v5, v39;
	v18 =	vmul.f32 v18, v18;
	v40 =	vmul.f32 v21, v21  }
0x2b3: {  	v8 =	vadd.f32 v17, v8;
	v42 =	vmul.f32 v22, v22;
	v43 =	vmul.f32 v23, v23  }
0x2b4: {  	v13 =	vadd.f32 v18, v13;
	v12 =	vadd.f32 v40, v12;
	v44 =	vmul.f32 v24, v24  }
0x2b5: {  	v10 =	vadd.f32 v42, v10;
	v11 =	vadd.f32 v43, v11;
	v45 =	vmul.f32 v25, v25  }
0x2b6: {  	v14 =	vadd.f32 v44, v14;
	v46 =	vmul.f32 v26, v26;
	v48 =	vshll.u32 v37, $0x7;
	[tilespmem:v16+s18+$0x0] =	vst.idx.msk $0xffff, v38  }
0x2b7: {  	v15 =	vadd.f32 v45, v15;
	v17 =	vand.u32 $0x1F80, v48;
	v47 =	vmul.f32 v27, v27;
	v49 =	vld.idx.msk [tilespmem:v41+s0+$0x0], $0xffff  }
0x2b8: {  	v9 =	vadd.f32 v46, v9;
	v7 =	vmul.f32 v7, v7;
	v50 =	vmul.f32 v28, v28  }
0x2b9: {  	v51 =	vor.u32 v17, v6;
	v8 =	vadd.f32 v47, v8;
	v52 =	vmul.f32 v29, v29  }
0x2ba: {  	v7 =	vadd.f32 v7, v13;
	v12 =	vadd.f32 v50, v12;
	v53 =	vmul.f32 v30, v30  }
0x2bb: {  	v10 =	vadd.f32 v52, v10;
	v54 =	vmul.f32 v31, v31;
	v55 =	vmul.f32 v32, v32  }
0x2bc: {  	v11 =	vadd.f32 v53, v11;
	v56 =	vmul.f32 v38, v38;
	v57 =	vmul.f32 v49, v49  }
0x2bd: {  	v14 =	vadd.f32 v54, v14;
	v15 =	vadd.f32 v55, v15  }
0x2be: {  	v9 =	vadd.f32 v56, v9;
	[tilespmem:v51+s18+$0x0] =	vst.idx.msk $0xffff, v49;
	v58 =	vadd.f32 v57, v8  }
0x2bf: {  	v7 =	vadd.f32 v12, v7;
	v59 =	vadd.f32 v11, v10;
	v5 =	vld.idx.msk [tilespmem:v5+s0+$0x0], $0xffff  }
0x2c0: {  	v60 =	vadd.f32 v15, v14;
	v6 =	vadd.f32 v58, v9;
	_ =	sdelay $0x1  }
0x2c1: {  	v7 =	vadd.f32 v59, v7;
	v6 =	vadd.f32 v6, v60;
	_ =	sdelay $0x1  }
0x2c2: {  	v5 =	vmul.f32 v5, v5;
	v6 =	vadd.f32 v6, v7;
	_ =	sdelay $0x1  }
0x2c3: {  	v5 =	vsub.f32 v6, v5;
	_ =	sdelay $0x1  }
0x2c4: {  	v5 =	vadd.f32 $1.000000000e+00, v5;
	_ =	sdelay $0x1  }
0x2c5: {  	v5 =	vmax.f32 v5, $1.000000000e+00  }
0x2c6: {  	v61 =	vshra.s32 v5, $0x1;
	v62 =	vmul.f32 $5.000000000e-01, v5  }
0x2c7: {  	v6 =	vsub.s32 $0x5F3759DF, v61  }
0x2c8: {  	v63 =	vmul.f32 v6, v62;
	_ =	sdelay $0x1  }
0x2c9: {  	v8 =	vmul.f32 v6, v63;
	_ =	sdelay $0x1  }
0x2ca: {  	v8 =	vsub.f32 $1.500000000e+00, v8;
	_ =	sdelay $0x1  }
0x2cb: {  	v6 =	vmul.f32 v6, v8;
	_ =	sdelay $0x1  }
0x2cc: {  	v8 =	vmul.f32 v6, v62;
	_ =	sdelay $0x1  }
0x2cd: {  	v8 =	vmul.f32 v8, v6;
	_ =	sdelay $0x1  }
0x2ce: {  	v8 =	vsub.f32 $1.500000000e+00, v8;
	_ =	sdelay $0x1  }
0x2cf: {  	v6 =	vmul.f32 v8, v6;
	_ =	sdelay $0x1  }
0x2d0: {  	v7 =	vmul.f32 v6, v62;
	_ =	sdelay $0x1  }
0x2d1: {  	v7 =	vmul.f32 v7, v6;
	_ =	sdelay $0x1  }
0x2d2: {  	s16 =	sadd.s32 $0x1, s16;
	v7 =	vsub.f32 $1.500000000e+00, v7  }
0x2d3: {  	v4 =	vand.u32 v3, v4;
	p0 =	sne.s32 s16, $0x8  }
.Ltmp3:
0x2d4: {  	v6 =	vmul.f32 v7, v6;
	(pc) =	sbr.rel @p0 .LBB2_7-.Ltmp3, $3  }
0x2d5: {  	_ = 	snop  }
0x2d6: {  	v5 =	vmul.f32 v6, v5;
	_ =	sdelay $0x1  }
0x2d7: {  	[tilespmem:v4+s18+$0x0] =	vst.idx.msk $0xffff, v5  }
0x2d8: {  	s15 =	sshll.u32 s15, $0xF  }
0x2d9: {  	s15 =	sor.u32 s5, s15  }
0x2da: {  	s16 =	sadd.s32 s2, s15  }
0x2db: {  	[hbm4b:s16+s3] =	stream.linear.scatter [tilespmem:s18], [sflag:$0x5], $0x400, $0x38;
	[tilespmem:$0x9900] =	vst v63  }
0x2dc: {  	s17 =	simm.s32 $0x7D00;
	s21 =	sadd.s32 s15, s30  }
0x2dd: {  	[hbm4b:s21+s3] =	stream.linear.scatter [tilespmem:s17], [sflag:$0x5], $0x400, $0x38;
	[tilespmem:$0x9900] =	vst v63  }
0x2de: {  	s19 =	simm.s32 $0x8100;
	s17 =	sadd.s32 s15, s6  }
0x2df: {  	[hbm4b:s17+s3] =	stream.linear.scatter [tilespmem:s19], [sflag:$0x5], $0x400, $0x38;
	[tilespmem:$0x9900] =	vst v63  }
0x2e0: {  	s20 =	sadd.s32 s15, s7;
	s21 =	simm.s32 $0x8500  }
0x2e1: {  	[hbm4b:s20+s3] =	stream.linear.scatter [tilespmem:s21], [sflag:$0x5], $0x400, $0x38;
	[tilespmem:$0x9900] =	vst v63  }
0x2e2: {  	s11 =	sadd.s32 $0x1, s11;
	s19 =	sadd.s32 s15, s8  }
0x2e3: {  	[hbm4b:s19+s3] =	stream.linear.scatter [tilespmem:s22], [sflag:$0x5], $0x400, $0x38;
	[tilespmem:$0x9900] =	vst v63  }
0x2e4: {  	p0 =	sne.s32 s11, $0x19;
	s20 =	sadd.s32 s15, s12  }
0x2e5: {  	[hbm4b:s20+s3] =	stream.linear.scatter [tilespmem:s23], [sflag:$0x5], $0x400, $0x38;
	[tilespmem:$0x9900] =	vst v63  }
.Ltmp4:
0x2e6: {  	_ = 	snop;
	(pc) =	sbr.rel @p0 .LBB2_2-.Ltmp4, $4  }
0x2e7: {  	s21 =	sadd.s32 s15, s13  }
0x2e8: {  	[hbm4b:s21+s3] =	stream.linear.scatter [tilespmem:s24], [sflag:$0x5], $0x400, $0x38;
	[tilespmem:$0x9900] =	vst v63  }
0x2e9: {  	s15 =	sadd.s32 s15, s14  }
0x2ea: {  	[hbm4b:s15+s3] =	stream.linear.scatter [tilespmem:s25], [sflag:$0x5], $0x400, $0x38;
	[tilespmem:$0x9900] =	vst v63  }
0x2eb: {  	_ =	swait.ge [sflag:s28], $0x2000  }
0x2ec: {  	[sflag:s28] =	ssyncset.done $0x0  }
0x2ed: {  	[sflag:s28] =	ssyncadd.s32 $0xFFFFE000  }
0x2ee: {  	_ =	swait.ge [sflag:s1], $0x2000  }
0x2ef: {  	[sflag:s1] =	ssyncset.done $0x0  }
0x2f0: {  	[sflag:s1] =	ssyncadd.s32 $0xFFFFE000  }
0x2f1: {  	_ =	swait.ge [sflag:s10], $0x2000  }
0x2f2: {  	s15 =	sld [smem:$0x7D7]  }
0x2f3: {  	s11 =	sld [smem:$0x7ED];
	_ =	sdelay $0x1  }
0x2f4: {  	s15 =	sadd.s32 $0x1, s15  }
0x2f5: {  	p0 =	sne.s32 s15, s11  }
.Ltmp5:
0x2f6: {  	_ = 	snop;
	(pc) =	sbr.rel @p0 .LBB2_1-.Ltmp5, $3  }
0x2f7: {  	_ =	sdelay $0x1  }
0x2f8: {  	[sflag:s10] =	ssyncset.done $0x0  }
0x2f9: {  	[sflag:s10] =	ssyncadd.s32 $0xFFFFE000  }
0x2fa: {  	_ =	sfence.sel $0x180000  }
0x2fb: {  	[bflag:$0x0] =	sbarrier.arrive $0xFFFF  }
0x2fc: {  	_ =	strace $0x90000047  }
0x2fd: {  	s0 =	stileid.u32;
	[bflag:$0x2] =	sbarrier.arrive $0xFFFF  }
0x2fe: {  	p0 =	sne.s32 s0, $0x0;
	s0 =	rddreg [dreg:$0x2]  }
0x2ff: {  	s0 =	sadd.s32 @!p0 $0x100000, s0  }
0x300: {  	[sflag:s0] =	ssyncadd.tile.s32 @!p0 $0x1;
	_ =	shalt  }
.Lfunc_end2:
_tile_overlayer_lowered:
.L_overlay_start_2:
0x301: {  	(tag) =	ssettag $0x2  }
0x302: {  	s0 =	rddreg [dreg:$0x0];
	s2 =	stileid.u32  }
0x303: {  	s1 =	rddreg [dreg:$0x1];
	p0 =	sne.s32 s2, $0x0  }
0x304: {  	s3 =	rddreg [dreg:$0x2];
	[bflag:$0x3] =	sbarrier.arrive $0xFFFF;
	s2 =	simm.s32 @!p0 $0x1C06  }
0x305: {  	[timem:s3], [sflag:s2] =	dma.local @!p0 [hbm:s0], s1  }
0x306: {  	s0 =	simm.s32 @!p0 $0x6  }
0x307: {  	_ =	swait.ge @!p0 [sflag:s0], s1  }
0x308: {  	s1 =	ssub.s32 @!p0 $0x0, s1;
	[sflag:s0] =	ssyncset.done @!p0 $0x0  }
0x309: {  	[sflag:s0] =	ssyncadd.s32 @!p0 s1  }
0x30a: {  	[bflag:$0x3] =	sbarrier.arrive $0xFFFF  }
0x30b: {  	_ =	shalt  }

</sc_bundles>
